<compile_context>
chip_gen: v7x
topology: tpu7x:2x2x1
jax: 0.10.2.dev20260603
libtpu: 0.0.44.dev20260713+nightly
codegen_flags: <defaults>
</compile_context>

<pallas_src>
import dataclasses
import functools

import jax
import jax.numpy as jnp
from jax import lax
from jax.experimental import pallas as pl
from jax.experimental.pallas import tpu as pltpu
from jax.experimental.pallas import tpu_sc as plsc

_N = 10000
_E = 320000
_IN = 128
_HID = 256
_OUT = 128

_NC = 2
_NS = 16
_L = 16
_NW = _NC * _NS
_EB = 128
_NCU = 1
_NBLK0 = 160
_NBLKTOT = _NS * _NCU * _NBLK0
_E_PAD = _NBLKTOT * _EB
_E_ALLOC = _E_PAD + 2 * _EB
_NROWS = 10240
_RPT = _NROWS // _NS

_ROWBLK = 400


def _seg_sum_sc(feat, src, dst, with_deg, edge_loop=True):
    d = feat.shape[1]
    mesh = plsc.VectorSubcoreMesh(core_axis_name="c", subcore_axis_name="s",
                                  num_cores=_NCU)
    out_type = [jax.ShapeDtypeStruct((_NROWS, d), jnp.float32)]
    scratch = (
        [pltpu.VMEM((_EB,), jnp.int32) for _ in range(4)]
        + [pltpu.VMEM((_EB,), jnp.int32) for _ in range(4)]
        + [pltpu.VMEM((_EB, d), jnp.float32) for _ in range(2)]
        + [pltpu.VMEM((8, d), jnp.float32)]
        + [pltpu.VMEM_SHARED((_NROWS, d), jnp.float32)]
        + [pltpu.SemaphoreType.DMA for _ in range(12)]
    )
    if with_deg:
        out_type.append(jax.ShapeDtypeStruct((_NCU * _NS, _NROWS), jnp.float32))
        scratch += [
            pltpu.VMEM((_NROWS,), jnp.float32),
        ]

    kw = {}
    if "needs_layout_passes" in pltpu.CompilerParams.__dataclass_fields__:
        kw["compiler_params"] = dataclasses.replace(
            pltpu.CompilerParams(), needs_layout_passes=False)

    @functools.partial(pl.kernel, mesh=mesh, out_type=out_type,
                       scratch_types=scratch, **kw)
    def k(feat_hbm, src_hbm, dst_hbm, out_hbm, *rest):
        if with_deg:
            deg_hbm = rest[0]
            rest = rest[1:]
        sidxs = rest[0:4]
        didxs = rest[4:8]
        rowss = rest[8:10]
        zrow = rest[10]
        acc = rest[11]
        isems = rest[12:16]
        idsems = rest[16:20]
        gsems = rest[20:22]
        ssems = rest[22:24]
        hist = rest[24] if with_deg else None
        sid = lax.axis_index("s")
        wid = sid

        for i in range(8):
            for j in range(d // _L):
                zrow[i, pl.ds(j * _L, _L)] = jnp.zeros((_L,), jnp.float32)
        if with_deg:
            @pl.loop(0, _NROWS, step=_L)
            def _(r):
                hist[pl.ds(r, _L)] = jnp.zeros((_L,), jnp.float32)

        @pl.loop(0, _RPT, step=8)
        def _(r):
            pltpu.sync_copy(zrow, acc.at[pl.ds(sid * _RPT + r, 8)])

        plsc.subcore_barrier()


        def issue_idx(base, g, ib):
            off = base + g * _EB
            pltpu.async_copy(src_hbm.at[pl.ds(off, _EB)], sidxs[ib], isems[ib])
            pltpu.async_copy(dst_hbm.at[pl.ds(off, _EB)], didxs[ib], idsems[ib])

        def wait_idx(ib):
            pltpu.make_async_copy(src_hbm.at[pl.ds(0, _EB)], sidxs[ib],
                                  isems[ib]).wait()
            pltpu.make_async_copy(dst_hbm.at[pl.ds(0, _EB)], didxs[ib],
                                  idsems[ib]).wait()

        def issue_gather(ib, rb):
            pltpu.async_copy(feat_hbm.at[sidxs[ib]], rowss[rb], gsems[rb])

        def wait_gather(ib, rb):
            pltpu.make_async_copy(feat_hbm.at[sidxs[ib]], rowss[rb],
                                  gsems[rb]).wait()

        def issue_scatter(ib, rb):
            pltpu.async_copy(rowss[rb], acc.at[didxs[ib]], ssems[rb], add=True)

        def wait_scatter(ib, rb):
            pltpu.make_async_copy(rowss[rb], acc.at[didxs[ib]],
                                  ssems[rb]).wait()

        def run_pipeline(base, nblk):
            issue_idx(base, 0, 0)
            issue_idx(base, 1, 1)
            wait_idx(0)
            issue_gather(0, 0)

            @pl.loop(0, nblk, step=4)
            def _(e):
                for b in range(4):
                    rb = b % 2
                    rb1 = 1 - rb
                    ib = b
                    ib1 = (b + 1) % 4
                    ib2 = (b + 2) % 4
                    ibp = (b - 1) % 4

                    wait_gather(ib, rb)
                    if b == 0:
                        @pl.when(e > 0)
                        def _():
                            wait_scatter(ibp, rb1)
                    else:
                        wait_scatter(ibp, rb1)
                    wait_idx(ib1)
                    issue_gather(ib1, rb1)
                    issue_scatter(ib, rb)
                    if with_deg:
                        ones16 = jnp.ones((_L,), jnp.float32)
                        for kk in range(_EB // _L):
                            idxr = didxs[ib][pl.ds(kk * _L, _L)]
                            plsc.addupdate_scatter(hist, [idxr], ones16)
                    issue_idx(base, e + b + 2, ib2)

            wait_gather(0, 0)
            wait_scatter(3, 1)
            wait_idx(1)

        if edge_loop:
            run_pipeline(sid * (_NBLK0 * _EB), _NBLK0)

        plsc.subcore_barrier()

        rs = pl.ds(sid * _RPT, _RPT)
        pltpu.sync_copy(acc.at[rs], out_hbm.at[rs])
        if with_deg:
            pltpu.sync_copy(hist, deg_hbm.at[wid])

    res = k(feat, src, dst)
    if with_deg:
        return res[0], res[1]
    return res[0] if isinstance(res, (list, tuple)) else res


def _gelu(h):
    return 0.5 * h * (1.0 + lax.erf(h * 0.7071067811865476))


def _layer1_body(x_ref, s1_ref, deg_ref, w1l_ref, w1r_ref, b1_ref,
                 w2l_ref, w2r_ref, b2_ref, p_ref, q_ref):
    deg = jnp.sum(deg_ref[...], axis=1)[:, None]
    agg = s1_ref[...] / jnp.maximum(deg, 1.0)
    h = (jnp.dot(agg, w1l_ref[...], preferred_element_type=jnp.float32)
         + jnp.dot(x_ref[...], w1r_ref[...], preferred_element_type=jnp.float32)
         + b1_ref[...])
    h = _gelu(h)
    p_ref[...] = jnp.dot(h, w2l_ref[...], preferred_element_type=jnp.float32)
    q_ref[...] = (jnp.dot(h, w2r_ref[...], preferred_element_type=jnp.float32)
                  + b2_ref[...])


def _layer2_body(s2_ref, deg_ref, q_ref, out_ref):
    deg = jnp.sum(deg_ref[...], axis=1)[:, None]
    out_ref[...] = s2_ref[...] / jnp.maximum(deg, 1.0) + q_ref[...]


def kernel(x, edge_index, W1_l, W1_r, b1, W2_l, W2_r, b2):
    src = edge_index[0].astype(jnp.int32)
    dst = edge_index[1].astype(jnp.int32)
    pad = _E_ALLOC - _E
    src = jnp.concatenate([src, jnp.zeros((pad,), jnp.int32)])
    dst = jnp.concatenate([dst, jnp.full((pad,), _N, jnp.int32)])

    sum1, deg = _seg_sum_sc(x, src, dst, with_deg=True)
    degT = deg.T

    nblk = _N // _ROWBLK
    b1r = b1.reshape(1, _HID)
    b2r = b2.reshape(1, _OUT)
    p, q = pl.pallas_call(
        _layer1_body,
        grid=(nblk,),
        in_specs=[
            pl.BlockSpec((_ROWBLK, _IN), lambda i: (i, 0)),
            pl.BlockSpec((_ROWBLK, _IN), lambda i: (i, 0)),
            pl.BlockSpec((_ROWBLK, _NCU * _NS), lambda i: (i, 0)),
            pl.BlockSpec((_IN, _HID), lambda i: (0, 0)),
            pl.BlockSpec((_IN, _HID), lambda i: (0, 0)),
            pl.BlockSpec((1, _HID), lambda i: (0, 0)),
            pl.BlockSpec((_HID, _OUT), lambda i: (0, 0)),
            pl.BlockSpec((_HID, _OUT), lambda i: (0, 0)),
            pl.BlockSpec((1, _OUT), lambda i: (0, 0)),
        ],
        out_specs=[
            pl.BlockSpec((_ROWBLK, _OUT), lambda i: (i, 0)),
            pl.BlockSpec((_ROWBLK, _OUT), lambda i: (i, 0)),
        ],
        out_shape=[
            jax.ShapeDtypeStruct((_N, _OUT), jnp.float32),
            jax.ShapeDtypeStruct((_N, _OUT), jnp.float32),
        ],
    )(x, sum1, degT, W1_l, W1_r, b1r, W2_l, W2_r, b2r)

    sum2 = _seg_sum_sc(p, src, dst, with_deg=False)

    out = pl.pallas_call(
        _layer2_body,
        grid=(nblk,),
        in_specs=[
            pl.BlockSpec((_ROWBLK, _OUT), lambda i: (i, 0)),
            pl.BlockSpec((_ROWBLK, _NCU * _NS), lambda i: (i, 0)),
            pl.BlockSpec((_ROWBLK, _OUT), lambda i: (i, 0)),
        ],
        out_specs=pl.BlockSpec((_ROWBLK, _OUT), lambda i: (i, 0)),
        out_shape=jax.ShapeDtypeStruct((_N, _OUT), jnp.float32),
    )(sum2, degT, q)
    return out

# --- scband reference (transcript-rebuilt; emitter-appended) ---
"""Pipeline reference for scband-graph-sagemodel-30056181137900 (READ-ONLY COPY).

The authoritative reference and input builder live on the scoring server;
editing this copy changes nothing except your own understanding.
"""

import jax, jax.numpy as jnp
import numpy as np

N_NODES = 10000
N_EDGES = 320000
IN_DIM = 128
HIDDEN = 256
OUT_DIM = 128


def setup_inputs(seed: int = 0) -> dict:
    key = jax.random.key(seed)
    k1, k2, k3, k4, k5, k6, k7, k8 = jax.random.split(key, 8)
    x = jax.random.normal(k1, (N_NODES, IN_DIM), dtype=jnp.float32)
    edge_index = jax.random.randint(k2, (2, N_EDGES), 0, N_NODES, dtype=jnp.int64)
    s1 = 1.0 / np.sqrt(IN_DIM)
    s2 = 1.0 / np.sqrt(HIDDEN)
    W1_l = jax.random.uniform(k3, (IN_DIM, HIDDEN), jnp.float32, -s1, s1)
    W1_r = jax.random.uniform(k4, (IN_DIM, HIDDEN), jnp.float32, -s1, s1)
    b1 = jax.random.uniform(k5, (HIDDEN,), jnp.float32, -s1, s1)
    W2_l = jax.random.uniform(k6, (HIDDEN, OUT_DIM), jnp.float32, -s2, s2)
    W2_r = jax.random.uniform(k7, (HIDDEN, OUT_DIM), jnp.float32, -s2, s2)
    b2 = jax.random.uniform(k8, (OUT_DIM,), jnp.float32, -s2, s2)
    return {"x": x, "edge_index": edge_index, "W1_l": W1_l, "W1_r": W1_r, "b1": b1, "W2_l": W2_l, "W2_r": W2_r, "b2": b2}


def _sage_conv(x, edge_index, W_l, W_r, b):
    # PyG-style SAGEConv with mean aggregation:
    # out[i] = lin_l(mean_{j in N(i)} x[j]) + lin_r(x[i])
    src = edge_index[0]
    dst = edge_index[1]
    n = x.shape[0]
    msg = jnp.take(x, src, axis=0)                      # gather: [E, d]
    agg = jax.ops.segment_sum(msg, dst, num_segments=n)  # scatter-add: [N, d]
    deg = jax.ops.segment_sum(jnp.ones((edge_index.shape[1],), dtype=x.dtype), dst, num_segments=n)
    agg = agg / jnp.clip(deg, 1.0, None)[:, None]         # mean
    return agg @ W_l + x @ W_r + b


def reference(x, edge_index, W1_l, W1_r, b1, W2_l, W2_r, b2):
    h = _sage_conv(x, edge_index, W1_l, W1_r, b1)
    h = jax.nn.gelu(h, approximate=False)
    # dropout is identity in eval mode
    h = _sage_conv(h, edge_index, W2_l, W2_r, b2)
    return h

if __name__ == "__main__":
    import jax
    _d = setup_inputs()
    print(jax.jit(kernel)(*tuple(_d.values())))

</pallas_src>

<mosaic_0001>
#map = affine_map<(d0, d1) -> (0, 0)>
#map1 = affine_map<(d0, d1) -> (0)>
module attributes {stable_mosaic.version = 14 : i64} {
  func.func @k(%arg0: i32, %arg1: i32, %arg2: memref<10000x128xf32, #tpu.memory_space<hbm>>, %arg3: memref<327936xi32, #tpu.memory_space<hbm>>, %arg4: memref<327936xi32, #tpu.memory_space<hbm>>, %arg5: memref<10240x128xf32, #tpu.memory_space<hbm>>, %arg6: memref<16x10240xf32, #tpu.memory_space<hbm>>, %arg7: memref<128xi32, #tpu.memory_space<vmem>>, %arg8: memref<128xi32, #tpu.memory_space<vmem>>, %arg9: memref<128xi32, #tpu.memory_space<vmem>>, %arg10: memref<128xi32, #tpu.memory_space<vmem>>, %arg11: memref<128xi32, #tpu.memory_space<vmem>>, %arg12: memref<128xi32, #tpu.memory_space<vmem>>, %arg13: memref<128xi32, #tpu.memory_space<vmem>>, %arg14: memref<128xi32, #tpu.memory_space<vmem>>, %arg15: memref<128x128xf32, #tpu.memory_space<vmem>>, %arg16: memref<128x128xf32, #tpu.memory_space<vmem>>, %arg17: memref<8x128xf32, #tpu.memory_space<vmem>>, %arg18: memref<10240x128xf32, #tpu.memory_space<vmem_shared>>, %arg19: memref<!tpu.dma_semaphore, #tpu.memory_space<semaphore_mem>>, %arg20: memref<!tpu.dma_semaphore, #tpu.memory_space<semaphore_mem>>, %arg21: memref<!tpu.dma_semaphore, #tpu.memory_space<semaphore_mem>>, %arg22: memref<!tpu.dma_semaphore, #tpu.memory_space<semaphore_mem>>, %arg23: memref<!tpu.dma_semaphore, #tpu.memory_space<semaphore_mem>>, %arg24: memref<!tpu.dma_semaphore, #tpu.memory_space<semaphore_mem>>, %arg25: memref<!tpu.dma_semaphore, #tpu.memory_space<semaphore_mem>>, %arg26: memref<!tpu.dma_semaphore, #tpu.memory_space<semaphore_mem>>, %arg27: memref<!tpu.dma_semaphore, #tpu.memory_space<semaphore_mem>>, %arg28: memref<!tpu.dma_semaphore, #tpu.memory_space<semaphore_mem>>, %arg29: memref<!tpu.dma_semaphore, #tpu.memory_space<semaphore_mem>>, %arg30: memref<!tpu.dma_semaphore, #tpu.memory_space<semaphore_mem>>, %arg31: memref<10240xf32, #tpu.memory_space<vmem>>) attributes {dimension_semantics = [#tpu.dimension_semantics<core_parallel>, #tpu.dimension_semantics<subcore_parallel>], iteration_bounds = array<i64: 1, 16>, scalar_prefetch = 0 : i64, scratch_operands = 25 : i64, tpu.core_type = #tpu.core_type<sc_vector_subcore>, window_params = [{transform_indices = #map}, {transform_indices = #map1}, {transform_indices = #map1}, {transform_indices = #map}, {transform_indices = #map}]} {
    %broadcast_in_dim3A = arith.constant 0.000000e+00 : f32
    %broadcast_in_dim3A_0 = vector.broadcast %broadcast_in_dim3A : f32 to vector<16xf32>
    %swap3A = arith.constant 0 : i32
    %swap3A_1 = arith.index_cast %swap3A : i32 to index
    %swap3A_2 = arith.constant 0 : index
    %swap3A_3 = tpu.vector_load %arg17[%swap3A_1, %swap3A_2] {strides = array<i32>} : memref<8x128xf32, #tpu.memory_space<vmem>>, vector<16xf32>,
    tpu.vector_store %arg17[%swap3A_1, %swap3A_2], %broadcast_in_dim3A_0 {strides = array<i32>} : memref<8x128xf32, #tpu.memory_space<vmem>>, vector<16xf32>,
    %broadcast_in_dim3A_4 = arith.constant 0.000000e+00 : f32
    %broadcast_in_dim3A_5 = vector.broadcast %broadcast_in_dim3A_4 : f32 to vector<16xf32>
    %swap3A_6 = arith.constant 0 : i32
    %swap3A_7 = arith.index_cast %swap3A_6 : i32 to index
    %swap3A_8 = arith.constant 16 : index
    %swap3A_9 = tpu.vector_load %arg17[%swap3A_7, %swap3A_8] {strides = array<i32>} : memref<8x128xf32, #tpu.memory_space<vmem>>, vector<16xf32>,
    tpu.vector_store %arg17[%swap3A_7, %swap3A_8], %broadcast_in_dim3A_5 {strides = array<i32>} : memref<8x128xf32, #tpu.memory_space<vmem>>, vector<16xf32>,
    %broadcast_in_dim3A_10 = arith.constant 0.000000e+00 : f32
    %broadcast_in_dim3A_11 = vector.broadcast %broadcast_in_dim3A_10 : f32 to vector<16xf32>
    %swap3A_12 = arith.constant 0 : i32
    %swap3A_13 = arith.index_cast %swap3A_12 : i32 to index
    %swap3A_14 = arith.constant 32 : index
    %swap3A_15 = tpu.vector_load %arg17[%swap3A_13, %swap3A_14] {strides = array<i32>} : memref<8x128xf32, #tpu.memory_space<vmem>>, vector<16xf32>,
    tpu.vector_store %arg17[%swap3A_13, %swap3A_14], %broadcast_in_dim3A_11 {strides = array<i32>} : memref<8x128xf32, #tpu.memory_space<vmem>>, vector<16xf32>,
    %broadcast_in_dim3A_16 = arith.constant 0.000000e+00 : f32
    %broadcast_in_dim3A_17 = vector.broadcast %broadcast_in_dim3A_16 : f32 to vector<16xf32>
    %swap3A_18 = arith.constant 0 : i32
    %swap3A_19 = arith.index_cast %swap3A_18 : i32 to index
    %swap3A_20 = arith.constant 48 : index
    %swap3A_21 = tpu.vector_load %arg17[%swap3A_19, %swap3A_20] {strides = array<i32>} : memref<8x128xf32, #tpu.memory_space<vmem>>, vector<16xf32>,
    tpu.vector_store %arg17[%swap3A_19, %swap3A_20], %broadcast_in_dim3A_17 {strides = array<i32>} : memref<8x128xf32, #tpu.memory_space<vmem>>, vector<16xf32>,
    %broadcast_in_dim3A_22 = arith.constant 0.000000e+00 : f32
    %broadcast_in_dim3A_23 = vector.broadcast %broadcast_in_dim3A_22 : f32 to vector<16xf32>
    %swap3A_24 = arith.constant 0 : i32
    %swap3A_25 = arith.index_cast %swap3A_24 : i32 to index
    %swap3A_26 = arith.constant 64 : index
    %swap3A_27 = tpu.vector_load %arg17[%swap3A_25, %swap3A_26] {strides = array<i32>} : memref<8x128xf32, #tpu.memory_space<vmem>>, vector<16xf32>,
    tpu.vector_store %arg17[%swap3A_25, %swap3A_26], %broadcast_in_dim3A_23 {strides = array<i32>} : memref<8x128xf32, #tpu.memory_space<vmem>>, vector<16xf32>,
    %broadcast_in_dim3A_28 = arith.constant 0.000000e+00 : f32
    %broadcast_in_dim3A_29 = vector.broadcast %broadcast_in_dim3A_28 : f32 to vector<16xf32>
    %swap3A_30 = arith.constant 0 : i32
    %swap3A_31 = arith.index_cast %swap3A_30 : i32 to index
    %swap3A_32 = arith.constant 80 : index
    %swap3A_33 = tpu.vector_load %arg17[%swap3A_31, %swap3A_32] {strides = array<i32>} : memref<8x128xf32, #tpu.memory_space<vmem>>, vector<16xf32>,
    tpu.vector_store %arg17[%swap3A_31, %swap3A_32], %broadcast_in_dim3A_29 {strides = array<i32>} : memref<8x128xf32, #tpu.memory_space<vmem>>, vector<16xf32>,
    %broadcast_in_dim3A_34 = arith.constant 0.000000e+00 : f32
    %broadcast_in_dim3A_35 = vector.broadcast %broadcast_in_dim3A_34 : f32 to vector<16xf32>
    %swap3A_36 = arith.constant 0 : i32
    %swap3A_37 = arith.index_cast %swap3A_36 : i32 to index
    %swap3A_38 = arith.constant 96 : index
    %swap3A_39 = tpu.vector_load %arg17[%swap3A_37, %swap3A_38] {strides = array<i32>} : memref<8x128xf32, #tpu.memory_space<vmem>>, vector<16xf32>,
    tpu.vector_store %arg17[%swap3A_37, %swap3A_38], %broadcast_in_dim3A_35 {strides = array<i32>} : memref<8x128xf32, #tpu.memory_space<vmem>>, vector<16xf32>,
    %broadcast_in_dim3A_40 = arith.constant 0.000000e+00 : f32
    %broadcast_in_dim3A_41 = vector.broadcast %broadcast_in_dim3A_40 : f32 to vector<16xf32>
    %swap3A_42 = arith.constant 0 : i32
    %swap3A_43 = arith.index_cast %swap3A_42 : i32 to index
    %swap3A_44 = arith.constant 112 : index
    %swap3A_45 = tpu.vector_load %arg17[%swap3A_43, %swap3A_44] {strides = array<i32>} : memref<8x128xf32, #tpu.memory_space<vmem>>, vector<16xf32>,
    tpu.vector_store %arg17[%swap3A_43, %swap3A_44], %broadcast_in_dim3A_41 {strides = array<i32>} : memref<8x128xf32, #tpu.memory_space<vmem>>, vector<16xf32>,
    %broadcast_in_dim3A_46 = arith.constant 0.000000e+00 : f32
    %broadcast_in_dim3A_47 = vector.broadcast %broadcast_in_dim3A_46 : f32 to vector<16xf32>
    %swap3A_48 = arith.constant 1 : i32
    %swap3A_49 = arith.index_cast %swap3A_48 : i32 to index
    %swap3A_50 = arith.constant 0 : index
    %swap3A_51 = tpu.vector_load %arg17[%swap3A_49, %swap3A_50] {strides = array<i32>} : memref<8x128xf32, #tpu.memory_space<vmem>>, vector<16xf32>,
    tpu.vector_store %arg17[%swap3A_49, %swap3A_50], %broadcast_in_dim3A_47 {strides = array<i32>} : memref<8x128xf32, #tpu.memory_space<vmem>>, vector<16xf32>,
    %broadcast_in_dim3A_52 = arith.constant 0.000000e+00 : f32
    %broadcast_in_dim3A_53 = vector.broadcast %broadcast_in_dim3A_52 : f32 to vector<16xf32>
    %swap3A_54 = arith.constant 1 : i32
    %swap3A_55 = arith.index_cast %swap3A_54 : i32 to index
    %swap3A_56 = arith.constant 16 : index
    %swap3A_57 = tpu.vector_load %arg17[%swap3A_55, %swap3A_56] {strides = array<i32>} : memref<8x128xf32, #tpu.memory_space<vmem>>, vector<16xf32>,
    tpu.vector_store %arg17[%swap3A_55, %swap3A_56], %broadcast_in_dim3A_53 {strides = array<i32>} : memref<8x128xf32, #tpu.memory_space<vmem>>, vector<16xf32>,
    %broadcast_in_dim3A_58 = arith.constant 0.000000e+00 : f32
    %broadcast_in_dim3A_59 = vector.broadcast %broadcast_in_dim3A_58 : f32 to vector<16xf32>
    %swap3A_60 = arith.constant 1 : i32
    %swap3A_61 = arith.index_cast %swap3A_60 : i32 to index
    %swap3A_62 = arith.constant 32 : index
    %swap3A_63 = tpu.vector_load %arg17[%swap3A_61, %swap3A_62] {strides = array<i32>} : memref<8x128xf32, #tpu.memory_space<vmem>>, vector<16xf32>,
    tpu.vector_store %arg17[%swap3A_61, %swap3A_62], %broadcast_in_dim3A_59 {strides = array<i32>} : memref<8x128xf32, #tpu.memory_space<vmem>>, vector<16xf32>,
    %broadcast_in_dim3A_64 = arith.constant 0.000000e+00 : f32
    %broadcast_in_dim3A_65 = vector.broadcast %broadcast_in_dim3A_64 : f32 to vector<16xf32>
    %swap3A_66 = arith.constant 1 : i32
    %swap3A_67 = arith.index_cast %swap3A_66 : i32 to index
    %swap3A_68 = arith.constant 48 : index
    %swap3A_69 = tpu.vector_load %arg17[%swap3A_67, %swap3A_68] {strides = array<i32>} : memref<8x128xf32, #tpu.memory_space<vmem>>, vector<16xf32>,
    tpu.vector_store %arg17[%swap3A_67, %swap3A_68], %broadcast_in_dim3A_65 {strides = array<i32>} : memref<8x128xf32, #tpu.memory_space<vmem>>, vector<16xf32>,
    %broadcast_in_dim3A_70 = arith.constant 0.000000e+00 : f32
    %broadcast_in_dim3A_71 = vector.broadcast %broadcast_in_dim3A_70 : f32 to vector<16xf32>
    %swap3A_72 = arith.constant 1 : i32
    %swap3A_73 = arith.index_cast %swap3A_72 : i32 to index
    %swap3A_74 = arith.constant 64 : index
    %swap3A_75 = tpu.vector_load %arg17[%swap3A_73, %swap3A_74] {strides = array<i32>} : memref<8x128xf32, #tpu.memory_space<vmem>>, vector<16xf32>,
    tpu.vector_store %arg17[%swap3A_73, %swap3A_74], %broadcast_in_dim3A_71 {strides = array<i32>} : memref<8x128xf32, #tpu.memory_space<vmem>>, vector<16xf32>,
    %broadcast_in_dim3A_76 = arith.constant 0.000000e+00 : f32
    %broadcast_in_dim3A_77 = vector.broadcast %broadcast_in_dim3A_76 : f32 to vector<16xf32>
    %swap3A_78 = arith.constant 1 : i32
    %swap3A_79 = arith.index_cast %swap3A_78 : i32 to index
    %swap3A_80 = arith.constant 80 : index
    %swap3A_81 = tpu.vector_load %arg17[%swap3A_79, %swap3A_80] {strides = array<i32>} : memref<8x128xf32, #tpu.memory_space<vmem>>, vector<16xf32>,
    tpu.vector_store %arg17[%swap3A_79, %swap3A_80], %broadcast_in_dim3A_77 {strides = array<i32>} : memref<8x128xf32, #tpu.memory_space<vmem>>, vector<16xf32>,
    %broadcast_in_dim3A_82 = arith.constant 0.000000e+00 : f32
    %broadcast_in_dim3A_83 = vector.broadcast %broadcast_in_dim3A_82 : f32 to vector<16xf32>
    %swap3A_84 = arith.constant 1 : i32
    %swap3A_85 = arith.index_cast %swap3A_84 : i32 to index
    %swap3A_86 = arith.constant 96 : index
    %swap3A_87 = tpu.vector_load %arg17[%swap3A_85, %swap3A_86] {strides = array<i32>} : memref<8x128xf32, #tpu.memory_space<vmem>>, vector<16xf32>,
    tpu.vector_store %arg17[%swap3A_85, %swap3A_86], %broadcast_in_dim3A_83 {strides = array<i32>} : memref<8x128xf32, #tpu.memory_space<vmem>>, vector<16xf32>,
    %broadcast_in_dim3A_88 = arith.constant 0.000000e+00 : f32
    %broadcast_in_dim3A_89 = vector.broadcast %broadcast_in_dim3A_88 : f32 to vector<16xf32>
    %swap3A_90 = arith.constant 1 : i32
    %swap3A_91 = arith.index_cast %swap3A_90 : i32 to index
    %swap3A_92 = arith.constant 112 : index
    %swap3A_93 = tpu.vector_load %arg17[%swap3A_91, %swap3A_92] {strides = array<i32>} : memref<8x128xf32, #tpu.memory_space<vmem>>, vector<16xf32>,
    tpu.vector_store %arg17[%swap3A_91, %swap3A_92], %broadcast_in_dim3A_89 {strides = array<i32>} : memref<8x128xf32, #tpu.memory_space<vmem>>, vector<16xf32>,
    %broadcast_in_dim3A_94 = arith.constant 0.000000e+00 : f32
    %broadcast_in_dim3A_95 = vector.broadcast %broadcast_in_dim3A_94 : f32 to vector<16xf32>
    %swap3A_96 = arith.constant 2 : i32
    %swap3A_97 = arith.index_cast %swap3A_96 : i32 to index
    %swap3A_98 = arith.constant 0 : index
    %swap3A_99 = tpu.vector_load %arg17[%swap3A_97, %swap3A_98] {strides = array<i32>} : memref<8x128xf32, #tpu.memory_space<vmem>>, vector<16xf32>,
    tpu.vector_store %arg17[%swap3A_97, %swap3A_98], %broadcast_in_dim3A_95 {strides = array<i32>} : memref<8x128xf32, #tpu.memory_space<vmem>>, vector<16xf32>,
    %broadcast_in_dim3A_100 = arith.constant 0.000000e+00 : f32
    %broadcast_in_dim3A_101 = vector.broadcast %broadcast_in_dim3A_100 : f32 to vector<16xf32>
    %swap3A_102 = arith.constant 2 : i32
    %swap3A_103 = arith.index_cast %swap3A_102 : i32 to index
    %swap3A_104 = arith.constant 16 : index
    %swap3A_105 = tpu.vector_load %arg17[%swap3A_103, %swap3A_104] {strides = array<i32>} : memref<8x128xf32, #tpu.memory_space<vmem>>, vector<16xf32>,
    tpu.vector_store %arg17[%swap3A_103, %swap3A_104], %broadcast_in_dim3A_101 {strides = array<i32>} : memref<8x128xf32, #tpu.memory_space<vmem>>, vector<16xf32>,
    %broadcast_in_dim3A_106 = arith.constant 0.000000e+00 : f32
    %broadcast_in_dim3A_107 = vector.broadcast %broadcast_in_dim3A_106 : f32 to vector<16xf32>
    %swap3A_108 = arith.constant 2 : i32
    %swap3A_109 = arith.index_cast %swap3A_108 : i32 to index
    %swap3A_110 = arith.constant 32 : index
    %swap3A_111 = tpu.vector_load %arg17[%swap3A_109, %swap3A_110] {strides = array<i32>} : memref<8x128xf32, #tpu.memory_space<vmem>>, vector<16xf32>,
    tpu.vector_store %arg17[%swap3A_109, %swap3A_110], %broadcast_in_dim3A_107 {strides = array<i32>} : memref<8x128xf32, #tpu.memory_space<vmem>>, vector<16xf32>,
    %broadcast_in_dim3A_112 = arith.constant 0.000000e+00 : f32
    %broadcast_in_dim3A_113 = vector.broadcast %broadcast_in_dim3A_112 : f32 to vector<16xf32>
    %swap3A_114 = arith.constant 2 : i32
    %swap3A_115 = arith.index_cast %swap3A_114 : i32 to index
    %swap3A_116 = arith.constant 48 : index
    %swap3A_117 = tpu.vector_load %arg17[%swap3A_115, %swap3A_116] {strides = array<i32>} : memref<8x128xf32, #tpu.memory_space<vmem>>, vector<16xf32>,
    tpu.vector_store %arg17[%swap3A_115, %swap3A_116], %broadcast_in_dim3A_113 {strides = array<i32>} : memref<8x128xf32, #tpu.memory_space<vmem>>, vector<16xf32>,
    %broadcast_in_dim3A_118 = arith.constant 0.000000e+00 : f32
    %broadcast_in_dim3A_119 = vector.broadcast %broadcast_in_dim3A_118 : f32 to vector<16xf32>
    %swap3A_120 = arith.constant 2 : i32
    %swap3A_121 = arith.index_cast %swap3A_120 : i32 to index
    %swap3A_122 = arith.constant 64 : index
    %swap3A_123 = tpu.vector_load %arg17[%swap3A_121, %swap3A_122] {strides = array<i32>} : memref<8x128xf32, #tpu.memory_space<vmem>>, vector<16xf32>,
    tpu.vector_store %arg17[%swap3A_121, %swap3A_122], %broadcast_in_dim3A_119 {strides = array<i32>} : memref<8x128xf32, #tpu.memory_space<vmem>>, vector<16xf32>,
    %broadcast_in_dim3A_124 = arith.constant 0.000000e+00 : f32
    %broadcast_in_dim3A_125 = vector.broadcast %broadcast_in_dim3A_124 : f32 to vector<16xf32>
    %swap3A_126 = arith.constant 2 : i32
    %swap3A_127 = arith.index_cast %swap3A_126 : i32 to index
    %swap3A_128 = arith.constant 80 : index
    %swap3A_129 = tpu.vector_load %arg17[%swap3A_127, %swap3A_128] {strides = array<i32>} : memref<8x128xf32, #tpu.memory_space<vmem>>, vector<16xf32>,
    tpu.vector_store %arg17[%swap3A_127, %swap3A_128], %broadcast_in_dim3A_125 {strides = array<i32>} : memref<8x128xf32, #tpu.memory_space<vmem>>, vector<16xf32>,
    %broadcast_in_dim3A_130 = arith.constant 0.000000e+00 : f32
    %broadcast_in_dim3A_131 = vector.broadcast %broadcast_in_dim3A_130 : f32 to vector<16xf32>
    %swap3A_132 = arith.constant 2 : i32
    %swap3A_133 = arith.index_cast %swap3A_132 : i32 to index
    %swap3A_134 = arith.constant 96 : index
    %swap3A_135 = tpu.vector_load %arg17[%swap3A_133, %swap3A_134] {strides = array<i32>} : memref<8x128xf32, #tpu.memory_space<vmem>>, vector<16xf32>,
    tpu.vector_store %arg17[%swap3A_133, %swap3A_134], %broadcast_in_dim3A_131 {strides = array<i32>} : memref<8x128xf32, #tpu.memory_space<vmem>>, vector<16xf32>,
    %broadcast_in_dim3A_136 = arith.constant 0.000000e+00 : f32
    %broadcast_in_dim3A_137 = vector.broadcast %broadcast_in_dim3A_136 : f32 to vector<16xf32>
    %swap3A_138 = arith.constant 2 : i32
    %swap3A_139 = arith.index_cast %swap3A_138 : i32 to index
    %swap3A_140 = arith.constant 112 : index
    %swap3A_141 = tpu.vector_load %arg17[%swap3A_139, %swap3A_140] {strides = array<i32>} : memref<8x128xf32, #tpu.memory_space<vmem>>, vector<16xf32>,
    tpu.vector_store %arg17[%swap3A_139, %swap3A_140], %broadcast_in_dim3A_137 {strides = array<i32>} : memref<8x128xf32, #tpu.memory_space<vmem>>, vector<16xf32>,
    %broadcast_in_dim3A_142 = arith.constant 0.000000e+00 : f32
    %broadcast_in_dim3A_143 = vector.broadcast %broadcast_in_dim3A_142 : f32 to vector<16xf32>
    %swap3A_144 = arith.constant 3 : i32
    %swap3A_145 = arith.index_cast %swap3A_144 : i32 to index
    %swap3A_146 = arith.constant 0 : index
    %swap3A_147 = tpu.vector_load %arg17[%swap3A_145, %swap3A_146] {strides = array<i32>} : memref<8x128xf32, #tpu.memory_space<vmem>>, vector<16xf32>,
    tpu.vector_store %arg17[%swap3A_145, %swap3A_146], %broadcast_in_dim3A_143 {strides = array<i32>} : memref<8x128xf32, #tpu.memory_space<vmem>>, vector<16xf32>,
    %broadcast_in_dim3A_148 = arith.constant 0.000000e+00 : f32
    %broadcast_in_dim3A_149 = vector.broadcast %broadcast_in_dim3A_148 : f32 to vector<16xf32>
    %swap3A_150 = arith.constant 3 : i32
    %swap3A_151 = arith.index_cast %swap3A_150 : i32 to index
    %swap3A_152 = arith.constant 16 : index
    %swap3A_153 = tpu.vector_load %arg17[%swap3A_151, %swap3A_152] {strides = array<i32>} : memref<8x128xf32, #tpu.memory_space<vmem>>, vector<16xf32>,
    tpu.vector_store %arg17[%swap3A_151, %swap3A_152], %broadcast_in_dim3A_149 {strides = array<i32>} : memref<8x128xf32, #tpu.memory_space<vmem>>, vector<16xf32>,
    %broadcast_in_dim3A_154 = arith.constant 0.000000e+00 : f32
    %broadcast_in_dim3A_155 = vector.broadcast %broadcast_in_dim3A_154 : f32 to vector<16xf32>
    %swap3A_156 = arith.constant 3 : i32
    %swap3A_157 = arith.index_cast %swap3A_156 : i32 to index
    %swap3A_158 = arith.constant 32 : index
    %swap3A_159 = tpu.vector_load %arg17[%swap3A_157, %swap3A_158] {strides = array<i32>} : memref<8x128xf32, #tpu.memory_space<vmem>>, vector<16xf32>,
    tpu.vector_store %arg17[%swap3A_157, %swap3A_158], %broadcast_in_dim3A_155 {strides = array<i32>} : memref<8x128xf32, #tpu.memory_space<vmem>>, vector<16xf32>,
    %broadcast_in_dim3A_160 = arith.constant 0.000000e+00 : f32
    %broadcast_in_dim3A_161 = vector.broadcast %broadcast_in_dim3A_160 : f32 to vector<16xf32>
    %swap3A_162 = arith.constant 3 : i32
    %swap3A_163 = arith.index_cast %swap3A_162 : i32 to index
    %swap3A_164 = arith.constant 48 : index
    %swap3A_165 = tpu.vector_load %arg17[%swap3A_163, %swap3A_164] {strides = array<i32>} : memref<8x128xf32, #tpu.memory_space<vmem>>, vector<16xf32>,
    tpu.vector_store %arg17[%swap3A_163, %swap3A_164], %broadcast_in_dim3A_161 {strides = array<i32>} : memref<8x128xf32, #tpu.memory_space<vmem>>, vector<16xf32>,
    %broadcast_in_dim3A_166 = arith.constant 0.000000e+00 : f32
    %broadcast_in_dim3A_167 = vector.broadcast %broadcast_in_dim3A_166 : f32 to vector<16xf32>
    %swap3A_168 = arith.constant 3 : i32
    %swap3A_169 = arith.index_cast %swap3A_168 : i32 to index
    %swap3A_170 = arith.constant 64 : index
    %swap3A_171 = tpu.vector_load %arg17[%swap3A_169, %swap3A_170] {strides = array<i32>} : memref<8x128xf32, #tpu.memory_space<vmem>>, vector<16xf32>,
    tpu.vector_store %arg17[%swap3A_169, %swap3A_170], %broadcast_in_dim3A_167 {strides = array<i32>} : memref<8x128xf32, #tpu.memory_space<vmem>>, vector<16xf32>,
    %broadcast_in_dim3A_172 = arith.constant 0.000000e+00 : f32
    %broadcast_in_dim3A_173 = vector.broadcast %broadcast_in_dim3A_172 : f32 to vector<16xf32>
    %swap3A_174 = arith.constant 3 : i32
    %swap3A_175 = arith.index_cast %swap3A_174 : i32 to index
    %swap3A_176 = arith.constant 80 : index
    %swap3A_177 = tpu.vector_load %arg17[%swap3A_175, %swap3A_176] {strides = array<i32>} : memref<8x128xf32, #tpu.memory_space<vmem>>, vector<16xf32>,
    tpu.vector_store %arg17[%swap3A_175, %swap3A_176], %broadcast_in_dim3A_173 {strides = array<i32>} : memref<8x128xf32, #tpu.memory_space<vmem>>, vector<16xf32>,
    %broadcast_in_dim3A_178 = arith.constant 0.000000e+00 : f32
    %broadcast_in_dim3A_179 = vector.broadcast %broadcast_in_dim3A_178 : f32 to vector<16xf32>
    %swap3A_180 = arith.constant 3 : i32
    %swap3A_181 = arith.index_cast %swap3A_180 : i32 to index
    %swap3A_182 = arith.constant 96 : index
    %swap3A_183 = tpu.vector_load %arg17[%swap3A_181, %swap3A_182] {strides = array<i32>} : memref<8x128xf32, #tpu.memory_space<vmem>>, vector<16xf32>,
    tpu.vector_store %arg17[%swap3A_181, %swap3A_182], %broadcast_in_dim3A_179 {strides = array<i32>} : memref<8x128xf32, #tpu.memory_space<vmem>>, vector<16xf32>,
    %broadcast_in_dim3A_184 = arith.constant 0.000000e+00 : f32
    %broadcast_in_dim3A_185 = vector.broadcast %broadcast_in_dim3A_184 : f32 to vector<16xf32>
    %swap3A_186 = arith.constant 3 : i32
    %swap3A_187 = arith.index_cast %swap3A_186 : i32 to index
    %swap3A_188 = arith.constant 112 : index
    %swap3A_189 = tpu.vector_load %arg17[%swap3A_187, %swap3A_188] {strides = array<i32>} : memref<8x128xf32, #tpu.memory_space<vmem>>, vector<16xf32>,
    tpu.vector_store %arg17[%swap3A_187, %swap3A_188], %broadcast_in_dim3A_185 {strides = array<i32>} : memref<8x128xf32, #tpu.memory_space<vmem>>, vector<16xf32>,
    %broadcast_in_dim3A_190 = arith.constant 0.000000e+00 : f32
    %broadcast_in_dim3A_191 = vector.broadcast %broadcast_in_dim3A_190 : f32 to vector<16xf32>
    %swap3A_192 = arith.constant 4 : i32
    %swap3A_193 = arith.index_cast %swap3A_192 : i32 to index
    %swap3A_194 = arith.constant 0 : index
    %swap3A_195 = tpu.vector_load %arg17[%swap3A_193, %swap3A_194] {strides = array<i32>} : memref<8x128xf32, #tpu.memory_space<vmem>>, vector<16xf32>,
    tpu.vector_store %arg17[%swap3A_193, %swap3A_194], %broadcast_in_dim3A_191 {strides = array<i32>} : memref<8x128xf32, #tpu.memory_space<vmem>>, vector<16xf32>,
    %broadcast_in_dim3A_196 = arith.constant 0.000000e+00 : f32
    %broadcast_in_dim3A_197 = vector.broadcast %broadcast_in_dim3A_196 : f32 to vector<16xf32>
    %swap3A_198 = arith.constant 4 : i32
    %swap3A_199 = arith.index_cast %swap3A_198 : i32 to index
    %swap3A_200 = arith.constant 16 : index
    %swap3A_201 = tpu.vector_load %arg17[%swap3A_199, %swap3A_200] {strides = array<i32>} : memref<8x128xf32, #tpu.memory_space<vmem>>, vector<16xf32>,
    tpu.vector_store %arg17[%swap3A_199, %swap3A_200], %broadcast_in_dim3A_197 {strides = array<i32>} : memref<8x128xf32, #tpu.memory_space<vmem>>, vector<16xf32>,
    %broadcast_in_dim3A_202 = arith.constant 0.000000e+00 : f32
    %broadcast_in_dim3A_203 = vector.broadcast %broadcast_in_dim3A_202 : f32 to vector<16xf32>
    %swap3A_204 = arith.constant 4 : i32
    %swap3A_205 = arith.index_cast %swap3A_204 : i32 to index
    %swap3A_206 = arith.constant 32 : index
    %swap3A_207 = tpu.vector_load %arg17[%swap3A_205, %swap3A_206] {strides = array<i32>} : memref<8x128xf32, #tpu.memory_space<vmem>>, vector<16xf32>,
    tpu.vector_store %arg17[%swap3A_205, %swap3A_206], %broadcast_in_dim3A_203 {strides = array<i32>} : memref<8x128xf32, #tpu.memory_space<vmem>>, vector<16xf32>,
    %broadcast_in_dim3A_208 = arith.constant 0.000000e+00 : f32
    %broadcast_in_dim3A_209 = vector.broadcast %broadcast_in_dim3A_208 : f32 to vector<16xf32>
    %swap3A_210 = arith.constant 4 : i32
    %swap3A_211 = arith.index_cast %swap3A_210 : i32 to index
    %swap3A_212 = arith.constant 48 : index
    %swap3A_213 = tpu.vector_load %arg17[%swap3A_211, %swap3A_212] {strides = array<i32>} : memref<8x128xf32, #tpu.memory_space<vmem>>, vector<16xf32>,
    tpu.vector_store %arg17[%swap3A_211, %swap3A_212], %broadcast_in_dim3A_209 {strides = array<i32>} : memref<8x128xf32, #tpu.memory_space<vmem>>, vector<16xf32>,
    %broadcast_in_dim3A_214 = arith.constant 0.000000e+00 : f32
    %broadcast_in_dim3A_215 = vector.broadcast %broadcast_in_dim3A_214 : f32 to vector<16xf32>
    %swap3A_216 = arith.constant 4 : i32
    %swap3A_217 = arith.index_cast %swap3A_216 : i32 to index
    %swap3A_218 = arith.constant 64 : index
    %swap3A_219 = tpu.vector_load %arg17[%swap3A_217, %swap3A_218] {strides = array<i32>} : memref<8x128xf32, #tpu.memory_space<vmem>>, vector<16xf32>,
    tpu.vector_store %arg17[%swap3A_217, %swap3A_218], %broadcast_in_dim3A_215 {strides = array<i32>} : memref<8x128xf32, #tpu.memory_space<vmem>>, vector<16xf32>,
    %broadcast_in_dim3A_220 = arith.constant 0.000000e+00 : f32
    %broadcast_in_dim3A_221 = vector.broadcast %broadcast_in_dim3A_220 : f32 to vector<16xf32>
    %swap3A_222 = arith.constant 4 : i32
    %swap3A_223 = arith.index_cast %swap3A_222 : i32 to index
    %swap3A_224 = arith.constant 80 : index
    %swap3A_225 = tpu.vector_load %arg17[%swap3A_223, %swap3A_224] {strides = array<i32>} : memref<8x128xf32, #tpu.memory_space<vmem>>, vector<16xf32>,
    tpu.vector_store %arg17[%swap3A_223, %swap3A_224], %broadcast_in_dim3A_221 {strides = array<i32>} : memref<8x128xf32, #tpu.memory_space<vmem>>, vector<16xf32>,
    %broadcast_in_dim3A_226 = arith.constant 0.000000e+00 : f32
    %broadcast_in_dim3A_227 = vector.broadcast %broadcast_in_dim3A_226 : f32 to vector<16xf32>
    %swap3A_228 = arith.constant 4 : i32
    %swap3A_229 = arith.index_cast %swap3A_228 : i32 to index
    %swap3A_230 = arith.constant 96 : index
    %swap3A_231 = tpu.vector_load %arg17[%swap3A_229, %swap3A_230] {strides = array<i32>} : memref<8x128xf32, #tpu.memory_space<vmem>>, vector<16xf32>,
    tpu.vector_store %arg17[%swap3A_229, %swap3A_230], %broadcast_in_dim3A_227 {strides = array<i32>} : memref<8x128xf32, #tpu.memory_space<vmem>>, vector<16xf32>,
    %broadcast_in_dim3A_232 = arith.constant 0.000000e+00 : f32
    %broadcast_in_dim3A_233 = vector.broadcast %broadcast_in_dim3A_232 : f32 to vector<16xf32>
    %swap3A_234 = arith.constant 4 : i32
    %swap3A_235 = arith.index_cast %swap3A_234 : i32 to index
    %swap3A_236 = arith.constant 112 : index
    %swap3A_237 = tpu.vector_load %arg17[%swap3A_235, %swap3A_236] {strides = array<i32>} : memref<8x128xf32, #tpu.memory_space<vmem>>, vector<16xf32>,
    tpu.vector_store %arg17[%swap3A_235, %swap3A_236], %broadcast_in_dim3A_233 {strides = array<i32>} : memref<8x128xf32, #tpu.memory_space<vmem>>, vector<16xf32>,
    %broadcast_in_dim3A_238 = arith.constant 0.000000e+00 : f32
    %broadcast_in_dim3A_239 = vector.broadcast %broadcast_in_dim3A_238 : f32 to vector<16xf32>
    %swap3A_240 = arith.constant 5 : i32
    %swap3A_241 = arith.index_cast %swap3A_240 : i32 to index
    %swap3A_242 = arith.constant 0 : index
    %swap3A_243 = tpu.vector_load %arg17[%swap3A_241, %swap3A_242] {strides = array<i32>} : memref<8x128xf32, #tpu.memory_space<vmem>>, vector<16xf32>,
    tpu.vector_store %arg17[%swap3A_241, %swap3A_242], %broadcast_in_dim3A_239 {strides = array<i32>} : memref<8x128xf32, #tpu.memory_space<vmem>>, vector<16xf32>,
    %broadcast_in_dim3A_244 = arith.constant 0.000000e+00 : f32
    %broadcast_in_dim3A_245 = vector.broadcast %broadcast_in_dim3A_244 : f32 to vector<16xf32>
    %swap3A_246 = arith.constant 5 : i32
    %swap3A_247 = arith.index_cast %swap3A_246 : i32 to index
    %swap3A_248 = arith.constant 16 : index
    %swap3A_249 = tpu.vector_load %arg17[%swap3A_247, %swap3A_248] {strides = array<i32>} : memref<8x128xf32, #tpu.memory_space<vmem>>, vector<16xf32>,
    tpu.vector_store %arg17[%swap3A_247, %swap3A_248], %broadcast_in_dim3A_245 {strides = array<i32>} : memref<8x128xf32, #tpu.memory_space<vmem>>, vector<16xf32>,
    %broadcast_in_dim3A_250 = arith.constant 0.000000e+00 : f32
    %broadcast_in_dim3A_251 = vector.broadcast %broadcast_in_dim3A_250 : f32 to vector<16xf32>
    %swap3A_252 = arith.constant 5 : i32
    %swap3A_253 = arith.index_cast %swap3A_252 : i32 to index
    %swap3A_254 = arith.constant 32 : index
    %swap3A_255 = tpu.vector_load %arg17[%swap3A_253, %swap3A_254] {strides = array<i32>} : memref<8x128xf32, #tpu.memory_space<vmem>>, vector<16xf32>,
    tpu.vector_store %arg17[%swap3A_253, %swap3A_254], %broadcast_in_dim3A_251 {strides = array<i32>} : memref<8x128xf32, #tpu.memory_space<vmem>>, vector<16xf32>,
    %broadcast_in_dim3A_256 = arith.constant 0.000000e+00 : f32
    %broadcast_in_dim3A_257 = vector.broadcast %broadcast_in_dim3A_256 : f32 to vector<16xf32>
    %swap3A_258 = arith.constant 5 : i32
    %swap3A_259 = arith.index_cast %swap3A_258 : i32 to index
    %swap3A_260 = arith.constant 48 : index
    %swap3A_261 = tpu.vector_load %arg17[%swap3A_259, %swap3A_260] {strides = array<i32>} : memref<8x128xf32, #tpu.memory_space<vmem>>, vector<16xf32>,
    tpu.vector_store %arg17[%swap3A_259, %swap3A_260], %broadcast_in_dim3A_257 {strides = array<i32>} : memref<8x128xf32, #tpu.memory_space<vmem>>, vector<16xf32>,
    %broadcast_in_dim3A_262 = arith.constant 0.000000e+00 : f32
    %broadcast_in_dim3A_263 = vector.broadcast %broadcast_in_dim3A_262 : f32 to vector<16xf32>
    %swap3A_264 = arith.constant 5 : i32
    %swap3A_265 = arith.index_cast %swap3A_264 : i32 to index
    %swap3A_266 = arith.constant 64 : index
    %swap3A_267 = tpu.vector_load %arg17[%swap3A_265, %swap3A_266] {strides = array<i32>} : memref<8x128xf32, #tpu.memory_space<vmem>>, vector<16xf32>,
    tpu.vector_store %arg17[%swap3A_265, %swap3A_266], %broadcast_in_dim3A_263 {strides = array<i32>} : memref<8x128xf32, #tpu.memory_space<vmem>>, vector<16xf32>,
    %broadcast_in_dim3A_268 = arith.constant 0.000000e+00 : f32
    %broadcast_in_dim3A_269 = vector.broadcast %broadcast_in_dim3A_268 : f32 to vector<16xf32>
    %swap3A_270 = arith.constant 5 : i32
    %swap3A_271 = arith.index_cast %swap3A_270 : i32 to index
    %swap3A_272 = arith.constant 80 : index
    %swap3A_273 = tpu.vector_load %arg17[%swap3A_271, %swap3A_272] {strides = array<i32>} : memref<8x128xf32, #tpu.memory_space<vmem>>, vector<16xf32>,
    tpu.vector_store %arg17[%swap3A_271, %swap3A_272], %broadcast_in_dim3A_269 {strides = array<i32>} : memref<8x128xf32, #tpu.memory_space<vmem>>, vector<16xf32>,
    %broadcast_in_dim3A_274 = arith.constant 0.000000e+00 : f32
    %broadcast_in_dim3A_275 = vector.broadcast %broadcast_in_dim3A_274 : f32 to vector<16xf32>
    %swap3A_276 = arith.constant 5 : i32
    %swap3A_277 = arith.index_cast %swap3A_276 : i32 to index
    %swap3A_278 = arith.constant 96 : index
    %swap3A_279 = tpu.vector_load %arg17[%swap3A_277, %swap3A_278] {strides = array<i32>} : memref<8x128xf32, #tpu.memory_space<vmem>>, vector<16xf32>,
    tpu.vector_store %arg17[%swap3A_277, %swap3A_278], %broadcast_in_dim3A_275 {strides = array<i32>} : memref<8x128xf32, #tpu.memory_space<vmem>>, vector<16xf32>,
    %broadcast_in_dim3A_280 = arith.constant 0.000000e+00 : f32
    %broadcast_in_dim3A_281 = vector.broadcast %broadcast_in_dim3A_280 : f32 to vector<16xf32>
    %swap3A_282 = arith.constant 5 : i32
    %swap3A_283 = arith.index_cast %swap3A_282 : i32 to index
    %swap3A_284 = arith.constant 112 : index
    %swap3A_285 = tpu.vector_load %arg17[%swap3A_283, %swap3A_284] {strides = array<i32>} : memref<8x128xf32, #tpu.memory_space<vmem>>, vector<16xf32>,
    tpu.vector_store %arg17[%swap3A_283, %swap3A_284], %broadcast_in_dim3A_281 {strides = array<i32>} : memref<8x128xf32, #tpu.memory_space<vmem>>, vector<16xf32>,
    %broadcast_in_dim3A_286 = arith.constant 0.000000e+00 : f32
    %broadcast_in_dim3A_287 = vector.broadcast %broadcast_in_dim3A_286 : f32 to vector<16xf32>
    %swap3A_288 = arith.constant 6 : i32
    %swap3A_289 = arith.index_cast %swap3A_288 : i32 to index
    %swap3A_290 = arith.constant 0 : index
    %swap3A_291 = tpu.vector_load %arg17[%swap3A_289, %swap3A_290] {strides = array<i32>} : memref<8x128xf32, #tpu.memory_space<vmem>>, vector<16xf32>,
    tpu.vector_store %arg17[%swap3A_289, %swap3A_290], %broadcast_in_dim3A_287 {strides = array<i32>} : memref<8x128xf32, #tpu.memory_space<vmem>>, vector<16xf32>,
    %broadcast_in_dim3A_292 = arith.constant 0.000000e+00 : f32
    %broadcast_in_dim3A_293 = vector.broadcast %broadcast_in_dim3A_292 : f32 to vector<16xf32>
    %swap3A_294 = arith.constant 6 : i32
    %swap3A_295 = arith.index_cast %swap3A_294 : i32 to index
    %swap3A_296 = arith.constant 16 : index
    %swap3A_297 = tpu.vector_load %arg17[%swap3A_295, %swap3A_296] {strides = array<i32>} : memref<8x128xf32, #tpu.memory_space<vmem>>, vector<16xf32>,
    tpu.vector_store %arg17[%swap3A_295, %swap3A_296], %broadcast_in_dim3A_293 {strides = array<i32>} : memref<8x128xf32, #tpu.memory_space<vmem>>, vector<16xf32>,
    %broadcast_in_dim3A_298 = arith.constant 0.000000e+00 : f32
    %broadcast_in_dim3A_299 = vector.broadcast %broadcast_in_dim3A_298 : f32 to vector<16xf32>
    %swap3A_300 = arith.constant 6 : i32
    %swap3A_301 = arith.index_cast %swap3A_300 : i32 to index
    %swap3A_302 = arith.constant 32 : index
    %swap3A_303 = tpu.vector_load %arg17[%swap3A_301, %swap3A_302] {strides = array<i32>} : memref<8x128xf32, #tpu.memory_space<vmem>>, vector<16xf32>,
    tpu.vector_store %arg17[%swap3A_301, %swap3A_302], %broadcast_in_dim3A_299 {strides = array<i32>} : memref<8x128xf32, #tpu.memory_space<vmem>>, vector<16xf32>,
    %broadcast_in_dim3A_304 = arith.constant 0.000000e+00 : f32
    %broadcast_in_dim3A_305 = vector.broadcast %broadcast_in_dim3A_304 : f32 to vector<16xf32>
    %swap3A_306 = arith.constant 6 : i32
    %swap3A_307 = arith.index_cast %swap3A_306 : i32 to index
    %swap3A_308 = arith.constant 48 : index
    %swap3A_309 = tpu.vector_load %arg17[%swap3A_307, %swap3A_308] {strides = array<i32>} : memref<8x128xf32, #tpu.memory_space<vmem>>, vector<16xf32>,
    tpu.vector_store %arg17[%swap3A_307, %swap3A_308], %broadcast_in_dim3A_305 {strides = array<i32>} : memref<8x128xf32, #tpu.memory_space<vmem>>, vector<16xf32>,
    %broadcast_in_dim3A_310 = arith.constant 0.000000e+00 : f32
    %broadcast_in_dim3A_311 = vector.broadcast %broadcast_in_dim3A_310 : f32 to vector<16xf32>
    %swap3A_312 = arith.constant 6 : i32
    %swap3A_313 = arith.index_cast %swap3A_312 : i32 to index
    %swap3A_314 = arith.constant 64 : index
    %swap3A_315 = tpu.vector_load %arg17[%swap3A_313, %swap3A_314] {strides = array<i32>} : memref<8x128xf32, #tpu.memory_space<vmem>>, vector<16xf32>,
    tpu.vector_store %arg17[%swap3A_313, %swap3A_314], %broadcast_in_dim3A_311 {strides = array<i32>} : memref<8x128xf32, #tpu.memory_space<vmem>>, vector<16xf32>,
    %broadcast_in_dim3A_316 = arith.constant 0.000000e+00 : f32
    %broadcast_in_dim3A_317 = vector.broadcast %broadcast_in_dim3A_316 : f32 to vector<16xf32>
    %swap3A_318 = arith.constant 6 : i32
    %swap3A_319 = arith.index_cast %swap3A_318 : i32 to index
    %swap3A_320 = arith.constant 80 : index
    %swap3A_321 = tpu.vector_load %arg17[%swap3A_319, %swap3A_320] {strides = array<i32>} : memref<8x128xf32, #tpu.memory_space<vmem>>, vector<16xf32>,
    tpu.vector_store %arg17[%swap3A_319, %swap3A_320], %broadcast_in_dim3A_317 {strides = array<i32>} : memref<8x128xf32, #tpu.memory_space<vmem>>, vector<16xf32>,
    %broadcast_in_dim3A_322 = arith.constant 0.000000e+00 : f32
    %broadcast_in_dim3A_323 = vector.broadcast %broadcast_in_dim3A_322 : f32 to vector<16xf32>
    %swap3A_324 = arith.constant 6 : i32
    %swap3A_325 = arith.index_cast %swap3A_324 : i32 to index
    %swap3A_326 = arith.constant 96 : index
    %swap3A_327 = tpu.vector_load %arg17[%swap3A_325, %swap3A_326] {strides = array<i32>} : memref<8x128xf32, #tpu.memory_space<vmem>>, vector<16xf32>,
    tpu.vector_store %arg17[%swap3A_325, %swap3A_326], %broadcast_in_dim3A_323 {strides = array<i32>} : memref<8x128xf32, #tpu.memory_space<vmem>>, vector<16xf32>,
    %broadcast_in_dim3A_328 = arith.constant 0.000000e+00 : f32
    %broadcast_in_dim3A_329 = vector.broadcast %broadcast_in_dim3A_328 : f32 to vector<16xf32>
    %swap3A_330 = arith.constant 6 : i32
    %swap3A_331 = arith.index_cast %swap3A_330 : i32 to index
    %swap3A_332 = arith.constant 112 : index
    %swap3A_333 = tpu.vector_load %arg17[%swap3A_331, %swap3A_332] {strides = array<i32>} : memref<8x128xf32, #tpu.memory_space<vmem>>, vector<16xf32>,
    tpu.vector_store %arg17[%swap3A_331, %swap3A_332], %broadcast_in_dim3A_329 {strides = array<i32>} : memref<8x128xf32, #tpu.memory_space<vmem>>, vector<16xf32>,
    %broadcast_in_dim3A_334 = arith.constant 0.000000e+00 : f32
    %broadcast_in_dim3A_335 = vector.broadcast %broadcast_in_dim3A_334 : f32 to vector<16xf32>
    %swap3A_336 = arith.constant 7 : i32
    %swap3A_337 = arith.index_cast %swap3A_336 : i32 to index
    %swap3A_338 = arith.constant 0 : index
    %swap3A_339 = tpu.vector_load %arg17[%swap3A_337, %swap3A_338] {strides = array<i32>} : memref<8x128xf32, #tpu.memory_space<vmem>>, vector<16xf32>,
    tpu.vector_store %arg17[%swap3A_337, %swap3A_338], %broadcast_in_dim3A_335 {strides = array<i32>} : memref<8x128xf32, #tpu.memory_space<vmem>>, vector<16xf32>,
    %broadcast_in_dim3A_340 = arith.constant 0.000000e+00 : f32
    %broadcast_in_dim3A_341 = vector.broadcast %broadcast_in_dim3A_340 : f32 to vector<16xf32>
    %swap3A_342 = arith.constant 7 : i32
    %swap3A_343 = arith.index_cast %swap3A_342 : i32 to index
    %swap3A_344 = arith.constant 16 : index
    %swap3A_345 = tpu.vector_load %arg17[%swap3A_343, %swap3A_344] {strides = array<i32>} : memref<8x128xf32, #tpu.memory_space<vmem>>, vector<16xf32>,
    tpu.vector_store %arg17[%swap3A_343, %swap3A_344], %broadcast_in_dim3A_341 {strides = array<i32>} : memref<8x128xf32, #tpu.memory_space<vmem>>, vector<16xf32>,
    %broadcast_in_dim3A_346 = arith.constant 0.000000e+00 : f32
    %broadcast_in_dim3A_347 = vector.broadcast %broadcast_in_dim3A_346 : f32 to vector<16xf32>
    %swap3A_348 = arith.constant 7 : i32
    %swap3A_349 = arith.index_cast %swap3A_348 : i32 to index
    %swap3A_350 = arith.constant 32 : index
    %swap3A_351 = tpu.vector_load %arg17[%swap3A_349, %swap3A_350] {strides = array<i32>} : memref<8x128xf32, #tpu.memory_space<vmem>>, vector<16xf32>,
    tpu.vector_store %arg17[%swap3A_349, %swap3A_350], %broadcast_in_dim3A_347 {strides = array<i32>} : memref<8x128xf32, #tpu.memory_space<vmem>>, vector<16xf32>,
    %broadcast_in_dim3A_352 = arith.constant 0.000000e+00 : f32
    %broadcast_in_dim3A_353 = vector.broadcast %broadcast_in_dim3A_352 : f32 to vector<16xf32>
    %swap3A_354 = arith.constant 7 : i32
    %swap3A_355 = arith.index_cast %swap3A_354 : i32 to index
    %swap3A_356 = arith.constant 48 : index
    %swap3A_357 = tpu.vector_load %arg17[%swap3A_355, %swap3A_356] {strides = array<i32>} : memref<8x128xf32, #tpu.memory_space<vmem>>, vector<16xf32>,
    tpu.vector_store %arg17[%swap3A_355, %swap3A_356], %broadcast_in_dim3A_353 {strides = array<i32>} : memref<8x128xf32, #tpu.memory_space<vmem>>, vector<16xf32>,
    %broadcast_in_dim3A_358 = arith.constant 0.000000e+00 : f32
    %broadcast_in_dim3A_359 = vector.broadcast %broadcast_in_dim3A_358 : f32 to vector<16xf32>
    %swap3A_360 = arith.constant 7 : i32
    %swap3A_361 = arith.index_cast %swap3A_360 : i32 to index
    %swap3A_362 = arith.constant 64 : index
    %swap3A_363 = tpu.vector_load %arg17[%swap3A_361, %swap3A_362] {strides = array<i32>} : memref<8x128xf32, #tpu.memory_space<vmem>>, vector<16xf32>,
    tpu.vector_store %arg17[%swap3A_361, %swap3A_362], %broadcast_in_dim3A_359 {strides = array<i32>} : memref<8x128xf32, #tpu.memory_space<vmem>>, vector<16xf32>,
    %broadcast_in_dim3A_364 = arith.constant 0.000000e+00 : f32
    %broadcast_in_dim3A_365 = vector.broadcast %broadcast_in_dim3A_364 : f32 to vector<16xf32>
    %swap3A_366 = arith.constant 7 : i32
    %swap3A_367 = arith.index_cast %swap3A_366 : i32 to index
    %swap3A_368 = arith.constant 80 : index
    %swap3A_369 = tpu.vector_load %arg17[%swap3A_367, %swap3A_368] {strides = array<i32>} : memref<8x128xf32, #tpu.memory_space<vmem>>, vector<16xf32>,
    tpu.vector_store %arg17[%swap3A_367, %swap3A_368], %broadcast_in_dim3A_365 {strides = array<i32>} : memref<8x128xf32, #tpu.memory_space<vmem>>, vector<16xf32>,
    %broadcast_in_dim3A_370 = arith.constant 0.000000e+00 : f32
    %broadcast_in_dim3A_371 = vector.broadcast %broadcast_in_dim3A_370 : f32 to vector<16xf32>
    %swap3A_372 = arith.constant 7 : i32
    %swap3A_373 = arith.index_cast %swap3A_372 : i32 to index
    %swap3A_374 = arith.constant 96 : index
    %swap3A_375 = tpu.vector_load %arg17[%swap3A_373, %swap3A_374] {strides = array<i32>} : memref<8x128xf32, #tpu.memory_space<vmem>>, vector<16xf32>,
    tpu.vector_store %arg17[%swap3A_373, %swap3A_374], %broadcast_in_dim3A_371 {strides = array<i32>} : memref<8x128xf32, #tpu.memory_space<vmem>>, vector<16xf32>,
    %broadcast_in_dim3A_376 = arith.constant 0.000000e+00 : f32
    %broadcast_in_dim3A_377 = vector.broadcast %broadcast_in_dim3A_376 : f32 to vector<16xf32>
    %swap3A_378 = arith.constant 7 : i32
    %swap3A_379 = arith.index_cast %swap3A_378 : i32 to index
    %swap3A_380 = arith.constant 112 : index
    %swap3A_381 = tpu.vector_load %arg17[%swap3A_379, %swap3A_380] {strides = array<i32>} : memref<8x128xf32, #tpu.memory_space<vmem>>, vector<16xf32>,
    tpu.vector_store %arg17[%swap3A_379, %swap3A_380], %broadcast_in_dim3A_377 {strides = array<i32>} : memref<8x128xf32, #tpu.memory_space<vmem>>, vector<16xf32>,
    %scan3A = arith.constant 0 : i32
    %scan3A_382 = arith.constant 640 : i32
    %scan3A_383 = arith.addi %scan3A, %scan3A_382 : i32
    %scan3A_384 = arith.constant 1 : i32
    scf.for %scan3A_434 = %scan3A to %scan3A_383 step %scan3A_384  : i32 {
      %mul3A_435 = arith.constant 16 : i32
      %mul3A_436 = arith.muli %scan3A_434, %mul3A_435 : i32
      %add3A_437 = arith.constant 0 : i32
      %add3A_438 = arith.addi %add3A_437, %mul3A_436 : i32
      %broadcast_in_dim3A_439 = arith.constant 0.000000e+00 : f32
      %broadcast_in_dim3A_440 = vector.broadcast %broadcast_in_dim3A_439 : f32 to vector<16xf32>
      %swap3A_441 = arith.index_cast %add3A_438 : i32 to index
      %swap3A_442 = tpu.vector_load %arg31[%swap3A_441] {strides = array<i32>} : memref<10240xf32, #tpu.memory_space<vmem>>, vector<16xf32>,
      tpu.vector_store %arg31[%swap3A_441], %broadcast_in_dim3A_440 {strides = array<i32>} : memref<10240xf32, #tpu.memory_space<vmem>>, vector<16xf32>,
    }
    %scan3A_385 = arith.constant 640 : i32
    %scan3A_386 = arith.constant 0 : i32
    %scan3A_387 = arith.constant 80 : i32
    %scan3A_388 = arith.addi %scan3A_386, %scan3A_387 : i32
    %scan3A_389 = arith.constant 1 : i32
    scf.for %scan3A_434 = %scan3A_386 to %scan3A_388 step %scan3A_389  : i32 {
      %mul3A_435 = arith.constant 8 : i32
      %mul3A_436 = arith.muli %scan3A_434, %mul3A_435 : i32
      %add3A_437 = arith.constant 0 : i32
      %add3A_438 = arith.addi %add3A_437, %mul3A_436 : i32
      %mul3A_439 = arith.constant 640 : i32
      %mul3A_440 = arith.muli %arg1, %mul3A_439 : i32
      %add3A_441 = arith.addi %mul3A_440, %add3A_438 : i32
      "tpu.region"() ({
        %run_scoped3A = tpu.sem_alloc : memref<!tpu.dma_semaphore, #tpu.memory_space<semaphore_mem>>
        %dma_start3A_442 = arith.constant 0 : i32
        %dma_start3A_443 = tpu.memref_slice %arg18[%add3A_441, %dma_start3A_442] : memref<10240x128xf32, #tpu.memory_space<vmem_shared>> -> memref<8x128xf32, #tpu.memory_space<vmem_shared>>
        %dma_start3A_444 = arith.constant 0 : i32
        %dma_start3A_445 = tpu.memref_slice %arg18[%add3A_441, %dma_start3A_444] : memref<10240x128xf32, #tpu.memory_space<vmem_shared>> -> memref<8x128xf32, #tpu.memory_space<vmem_shared>>
        tpu.enqueue_dma source(%arg17 : memref<8x128xf32, #tpu.memory_space<vmem>>) target(%dma_start3A_445 : memref<8x128xf32, #tpu.memory_space<vmem_shared>>) target_semaphore(%run_scoped3A : memref<!tpu.dma_semaphore, #tpu.memory_space<semaphore_mem>>)
        %dma_wait3A_446 = arith.constant 0 : i32
        %dma_wait3A_447 = tpu.memref_slice %arg18[%add3A_441, %dma_wait3A_446] : memref<10240x128xf32, #tpu.memory_space<vmem_shared>> -> memref<8x128xf32, #tpu.memory_space<vmem_shared>>
        %dma_wait3A_448 = arith.constant 0 : i32
        %dma_wait3A_449 = tpu.memref_slice %arg18[%add3A_441, %dma_wait3A_448] : memref<10240x128xf32, #tpu.memory_space<vmem_shared>> -> memref<8x128xf32, #tpu.memory_space<vmem_shared>>
        tpu.wait_dma2 semaphore(%run_scoped3A : memref<!tpu.dma_semaphore, #tpu.memory_space<semaphore_mem>>) src(%arg17 : memref<8x128xf32, #tpu.memory_space<vmem>>) dst(%dma_wait3A_449 : memref<8x128xf32, #tpu.memory_space<vmem_shared>>)
        tpu.yield
      }) : () -> ()
    }
    %scan3A_390 = arith.constant 80 : i32
    %barrier3A = arith.constant 0 : index
    tpu.barrier barrier_id(%barrier3A)
    %mul3A = arith.constant 20480 : i32
    %mul3A_391 = arith.muli %arg1, %mul3A : i32
    %add3A = arith.constant 0 : i32
    %add3A_392 = arith.addi %mul3A_391, %add3A : i32
    %dma_start3A = tpu.memref_slice %arg3[%add3A_392] : memref<327936xi32, #tpu.memory_space<hbm>> -> memref<128xi32, #tpu.memory_space<hbm>>
    %dma_start3A_393 = tpu.memref_slice %arg3[%add3A_392] : memref<327936xi32, #tpu.memory_space<hbm>> -> memref<128xi32, #tpu.memory_space<hbm>>
    tpu.enqueue_dma source(%dma_start3A_393 : memref<128xi32, #tpu.memory_space<hbm>>) target(%arg7 : memref<128xi32, #tpu.memory_space<vmem>>) target_semaphore(%arg19 : memref<!tpu.dma_semaphore, #tpu.memory_space<semaphore_mem>>)
    %dma_start3A_394 = tpu.memref_slice %arg4[%add3A_392] : memref<327936xi32, #tpu.memory_space<hbm>> -> memref<128xi32, #tpu.memory_space<hbm>>
    %dma_start3A_395 = tpu.memref_slice %arg4[%add3A_392] : memref<327936xi32, #tpu.memory_space<hbm>> -> memref<128xi32, #tpu.memory_space<hbm>>
    tpu.enqueue_dma source(%dma_start3A_395 : memref<128xi32, #tpu.memory_space<hbm>>) target(%arg11 : memref<128xi32, #tpu.memory_space<vmem>>) target_semaphore(%arg23 : memref<!tpu.dma_semaphore, #tpu.memory_space<semaphore_mem>>)
    %add3A_396 = arith.constant 128 : i32
    %add3A_397 = arith.addi %mul3A_391, %add3A_396 : i32
    %dma_start3A_398 = tpu.memref_slice %arg3[%add3A_397] : memref<327936xi32, #tpu.memory_space<hbm>> -> memref<128xi32, #tpu.memory_space<hbm>>
    %dma_start3A_399 = tpu.memref_slice %arg3[%add3A_397] : memref<327936xi32, #tpu.memory_space<hbm>> -> memref<128xi32, #tpu.memory_space<hbm>>
    tpu.enqueue_dma source(%dma_start3A_399 : memref<128xi32, #tpu.memory_space<hbm>>) target(%arg8 : memref<128xi32, #tpu.memory_space<vmem>>) target_semaphore(%arg20 : memref<!tpu.dma_semaphore, #tpu.memory_space<semaphore_mem>>)
    %dma_start3A_400 = tpu.memref_slice %arg4[%add3A_397] : memref<327936xi32, #tpu.memory_space<hbm>> -> memref<128xi32, #tpu.memory_space<hbm>>
    %dma_start3A_401 = tpu.memref_slice %arg4[%add3A_397] : memref<327936xi32, #tpu.memory_space<hbm>> -> memref<128xi32, #tpu.memory_space<hbm>>
    tpu.enqueue_dma source(%dma_start3A_401 : memref<128xi32, #tpu.memory_space<hbm>>) target(%arg12 : memref<128xi32, #tpu.memory_space<vmem>>) target_semaphore(%arg24 : memref<!tpu.dma_semaphore, #tpu.memory_space<semaphore_mem>>)
    %dma_wait3A = arith.constant 0 : i32
    %dma_wait3A_402 = tpu.memref_slice %arg3[%dma_wait3A] : memref<327936xi32, #tpu.memory_space<hbm>> -> memref<128xi32, #tpu.memory_space<hbm>>
    %dma_wait3A_403 = arith.constant 0 : i32
    %dma_wait3A_404 = tpu.memref_slice %arg3[%dma_wait3A_403] : memref<327936xi32, #tpu.memory_space<hbm>> -> memref<128xi32, #tpu.memory_space<hbm>>
    tpu.wait_dma2 semaphore(%arg19 : memref<!tpu.dma_semaphore, #tpu.memory_space<semaphore_mem>>) src(%dma_wait3A_404 : memref<128xi32, #tpu.memory_space<hbm>>) dst(%arg7 : memref<128xi32, #tpu.memory_space<vmem>>)
    %dma_wait3A_405 = arith.constant 0 : i32
    %dma_wait3A_406 = tpu.memref_slice %arg4[%dma_wait3A_405] : memref<327936xi32, #tpu.memory_space<hbm>> -> memref<128xi32, #tpu.memory_space<hbm>>
    %dma_wait3A_407 = arith.constant 0 : i32
    %dma_wait3A_408 = tpu.memref_slice %arg4[%dma_wait3A_407] : memref<327936xi32, #tpu.memory_space<hbm>> -> memref<128xi32, #tpu.memory_space<hbm>>
    tpu.wait_dma2 semaphore(%arg23 : memref<!tpu.dma_semaphore, #tpu.memory_space<semaphore_mem>>) src(%dma_wait3A_408 : memref<128xi32, #tpu.memory_space<hbm>>) dst(%arg11 : memref<128xi32, #tpu.memory_space<vmem>>)
    %dma_start3A_409 = arith.constant 0 : i32
    %dma_start3A_410 = arith.constant 0 : i32
    %dma_start3A_411 = tpu.memref_slice %arg2[%dma_start3A_409, %dma_start3A_410] : memref<10000x128xf32, #tpu.memory_space<hbm>> -> memref<10000x128xf32, #tpu.memory_space<hbm>>
    tpu.enqueue_indirect_dma source(%dma_start3A_411 : memref<10000x128xf32, #tpu.memory_space<hbm>>) target(%arg15 : memref<128x128xf32, #tpu.memory_space<vmem>>) offsets(%arg7 : memref<128xi32, #tpu.memory_space<vmem>>) semaphore(%arg27 : memref<!tpu.dma_semaphore, #tpu.memory_space<semaphore_mem>>)
    %scan3A_412 = arith.constant 0 : i32
    %scan3A_413 = arith.constant 40 : i32
    %scan3A_414 = arith.addi %scan3A_412, %scan3A_413 : i32
    %scan3A_415 = arith.constant 1 : i32
    scf.for %scan3A_434 = %scan3A_412 to %scan3A_414 step %scan3A_415  : i32 {
      %mul3A_435 = arith.constant 4 : i32
      %mul3A_436 = arith.muli %scan3A_434, %mul3A_435 : i32
      %add3A_437 = arith.constant 0 : i32
      %add3A_438 = arith.addi %add3A_437, %mul3A_436 : i32
      %dma_wait3A_439 = arith.constant 0 : i32
      %dma_wait3A_440 = arith.constant 0 : i32
      %dma_wait3A_441 = tpu.memref_slice %arg2[%dma_wait3A_439, %dma_wait3A_440] : memref<10000x128xf32, #tpu.memory_space<hbm>> -> memref<10000x128xf32, #tpu.memory_space<hbm>>
      tpu.wait_indirect_dma semaphore(%arg27 : memref<!tpu.dma_semaphore, #tpu.memory_space<semaphore_mem>>) src(%dma_wait3A_441 : memref<10000x128xf32, #tpu.memory_space<hbm>>) dst(%arg15 : memref<128x128xf32, #tpu.memory_space<vmem>>)
      %gt3A = arith.constant 0 : i32
      %gt3A_442 = arith.cmpi sgt, %add3A_438, %gt3A : i32
      %convert_element_type3A = arith.extui %gt3A_442 : i1 to i32
      %cond3A = arith.constant 0 : i32
      %cond3A_443 = arith.cmpi ne, %convert_element_type3A, %cond3A : i32
      scf.if %cond3A_443 {
        %dma_wait3A_633 = arith.constant 0 : i32
        %dma_wait3A_634 = arith.constant 0 : i32
        %dma_wait3A_635 = tpu.memref_slice %arg18[%dma_wait3A_633, %dma_wait3A_634] : memref<10240x128xf32, #tpu.memory_space<vmem_shared>> -> memref<10240x128xf32, #tpu.memory_space<vmem_shared>>
        tpu.wait_indirect_dma semaphore(%arg30 : memref<!tpu.dma_semaphore, #tpu.memory_space<semaphore_mem>>) src(%arg16 : memref<128x128xf32, #tpu.memory_space<vmem>>) dst(%dma_wait3A_635 : memref<10240x128xf32, #tpu.memory_space<vmem_shared>>)
      } else {
      }
      %dma_wait3A_444 = arith.constant 0 : i32
      %dma_wait3A_445 = tpu.memref_slice %arg3[%dma_wait3A_444] : memref<327936xi32, #tpu.memory_space<hbm>> -> memref<128xi32, #tpu.memory_space<hbm>>
      %dma_wait3A_446 = arith.constant 0 : i32
      %dma_wait3A_447 = tpu.memref_slice %arg3[%dma_wait3A_446] : memref<327936xi32, #tpu.memory_space<hbm>> -> memref<128xi32, #tpu.memory_space<hbm>>
      tpu.wait_dma2 semaphore(%arg20 : memref<!tpu.dma_semaphore, #tpu.memory_space<semaphore_mem>>) src(%dma_wait3A_447 : memref<128xi32, #tpu.memory_space<hbm>>) dst(%arg8 : memref<128xi32, #tpu.memory_space<vmem>>)
      %dma_wait3A_448 = arith.constant 0 : i32
      %dma_wait3A_449 = tpu.memref_slice %arg4[%dma_wait3A_448] : memref<327936xi32, #tpu.memory_space<hbm>> -> memref<128xi32, #tpu.memory_space<hbm>>
      %dma_wait3A_450 = arith.constant 0 : i32
      %dma_wait3A_451 = tpu.memref_slice %arg4[%dma_wait3A_450] : memref<327936xi32, #tpu.memory_space<hbm>> -> memref<128xi32, #tpu.memory_space<hbm>>
      tpu.wait_dma2 semaphore(%arg24 : memref<!tpu.dma_semaphore, #tpu.memory_space<semaphore_mem>>) src(%dma_wait3A_451 : memref<128xi32, #tpu.memory_space<hbm>>) dst(%arg12 : memref<128xi32, #tpu.memory_space<vmem>>)
      %dma_start3A_452 = arith.constant 0 : i32
      %dma_start3A_453 = arith.constant 0 : i32
      %dma_start3A_454 = tpu.memref_slice %arg2[%dma_start3A_452, %dma_start3A_453] : memref<10000x128xf32, #tpu.memory_space<hbm>> -> memref<10000x128xf32, #tpu.memory_space<hbm>>
      tpu.enqueue_indirect_dma source(%dma_start3A_454 : memref<10000x128xf32, #tpu.memory_space<hbm>>) target(%arg16 : memref<128x128xf32, #tpu.memory_space<vmem>>) offsets(%arg8 : memref<128xi32, #tpu.memory_space<vmem>>) semaphore(%arg28 : memref<!tpu.dma_semaphore, #tpu.memory_space<semaphore_mem>>)
      %dma_start3A_455 = arith.constant 0 : i32
      %dma_start3A_456 = arith.constant 0 : i32
      %dma_start3A_457 = tpu.memref_slice %arg18[%dma_start3A_455, %dma_start3A_456] : memref<10240x128xf32, #tpu.memory_space<vmem_shared>> -> memref<10240x128xf32, #tpu.memory_space<vmem_shared>>
      tpu.enqueue_indirect_dma source(%arg15 : memref<128x128xf32, #tpu.memory_space<vmem>>) target(%dma_start3A_457 : memref<10240x128xf32, #tpu.memory_space<vmem_shared>>) offsets(%arg11 : memref<128xi32, #tpu.memory_space<vmem>>) semaphore(%arg29 : memref<!tpu.dma_semaphore, #tpu.memory_space<semaphore_mem>>) {add = true}
      %broadcast_in_dim3A_458 = arith.constant 1.000000e+00 : f32
      %broadcast_in_dim3A_459 = vector.broadcast %broadcast_in_dim3A_458 : f32 to vector<16xf32>
      %get3A = arith.constant 0 : index
      %get3A_460 = tpu.vector_load %arg11[%get3A] {strides = array<i32>} : memref<128xi32, #tpu.memory_space<vmem>>, vector<16xi32>,
      tpu.vector_store_idx %arg31[%get3A_460], %broadcast_in_dim3A_459 {add = true} : memref<10240xf32, #tpu.memory_space<vmem>>[vector<16xi32>], vector<16xf32>,
      %get3A_461 = arith.constant 16 : index
      %get3A_462 = tpu.vector_load %arg11[%get3A_461] {strides = array<i32>} : memref<128xi32, #tpu.memory_space<vmem>>, vector<16xi32>,
      tpu.vector_store_idx %arg31[%get3A_462], %broadcast_in_dim3A_459 {add = true} : memref<10240xf32, #tpu.memory_space<vmem>>[vector<16xi32>], vector<16xf32>,
      %get3A_463 = arith.constant 32 : index
      %get3A_464 = tpu.vector_load %arg11[%get3A_463] {strides = array<i32>} : memref<128xi32, #tpu.memory_space<vmem>>, vector<16xi32>,
      tpu.vector_store_idx %arg31[%get3A_464], %broadcast_in_dim3A_459 {add = true} : memref<10240xf32, #tpu.memory_space<vmem>>[vector<16xi32>], vector<16xf32>,
      %get3A_465 = arith.constant 48 : index
      %get3A_466 = tpu.vector_load %arg11[%get3A_465] {strides = array<i32>} : memref<128xi32, #tpu.memory_space<vmem>>, vector<16xi32>,
      tpu.vector_store_idx %arg31[%get3A_466], %broadcast_in_dim3A_459 {add = true} : memref<10240xf32, #tpu.memory_space<vmem>>[vector<16xi32>], vector<16xf32>,
      %get3A_467 = arith.constant 64 : index
      %get3A_468 = tpu.vector_load %arg11[%get3A_467] {strides = array<i32>} : memref<128xi32, #tpu.memory_space<vmem>>, vector<16xi32>,
      tpu.vector_store_idx %arg31[%get3A_468], %broadcast_in_dim3A_459 {add = true} : memref<10240xf32, #tpu.memory_space<vmem>>[vector<16xi32>], vector<16xf32>,
      %get3A_469 = arith.constant 80 : index
      %get3A_470 = tpu.vector_load %arg11[%get3A_469] {strides = array<i32>} : memref<128xi32, #tpu.memory_space<vmem>>, vector<16xi32>,
      tpu.vector_store_idx %arg31[%get3A_470], %broadcast_in_dim3A_459 {add = true} : memref<10240xf32, #tpu.memory_space<vmem>>[vector<16xi32>], vector<16xf32>,
      %get3A_471 = arith.constant 96 : index
      %get3A_472 = tpu.vector_load %arg11[%get3A_471] {strides = array<i32>} : memref<128xi32, #tpu.memory_space<vmem>>, vector<16xi32>,
      tpu.vector_store_idx %arg31[%get3A_472], %broadcast_in_dim3A_459 {add = true} : memref<10240xf32, #tpu.memory_space<vmem>>[vector<16xi32>], vector<16xf32>,
      %get3A_473 = arith.constant 112 : index
      %get3A_474 = tpu.vector_load %arg11[%get3A_473] {strides = array<i32>} : memref<128xi32, #tpu.memory_space<vmem>>, vector<16xi32>,
      tpu.vector_store_idx %arg31[%get3A_474], %broadcast_in_dim3A_459 {add = true} : memref<10240xf32, #tpu.memory_space<vmem>>[vector<16xi32>], vector<16xf32>,
      %add3A_475 = arith.constant 0 : i32
      %add3A_476 = arith.addi %add3A_438, %add3A_475 : i32
      %add3A_477 = arith.constant 2 : i32
      %add3A_478 = arith.addi %add3A_476, %add3A_477 : i32
      %mul3A_479 = arith.constant 128 : i32
      %mul3A_480 = arith.muli %add3A_478, %mul3A_479 : i32
      %add3A_481 = arith.addi %mul3A_391, %mul3A_480 : i32
      %dma_start3A_482 = tpu.memref_slice %arg3[%add3A_481] : memref<327936xi32, #tpu.memory_space<hbm>> -> memref<128xi32, #tpu.memory_space<hbm>>
      %dma_start3A_483 = tpu.memref_slice %arg3[%add3A_481] : memref<327936xi32, #tpu.memory_space<hbm>> -> memref<128xi32, #tpu.memory_space<hbm>>
      tpu.enqueue_dma source(%dma_start3A_483 : memref<128xi32, #tpu.memory_space<hbm>>) target(%arg9 : memref<128xi32, #tpu.memory_space<vmem>>) target_semaphore(%arg21 : memref<!tpu.dma_semaphore, #tpu.memory_space<semaphore_mem>>)
      %dma_start3A_484 = tpu.memref_slice %arg4[%add3A_481] : memref<327936xi32, #tpu.memory_space<hbm>> -> memref<128xi32, #tpu.memory_space<hbm>>
      %dma_start3A_485 = tpu.memref_slice %arg4[%add3A_481] : memref<327936xi32, #tpu.memory_space<hbm>> -> memref<128xi32, #tpu.memory_space<hbm>>
      tpu.enqueue_dma source(%dma_start3A_485 : memref<128xi32, #tpu.memory_space<hbm>>) target(%arg13 : memref<128xi32, #tpu.memory_space<vmem>>) target_semaphore(%arg25 : memref<!tpu.dma_semaphore, #tpu.memory_space<semaphore_mem>>)
      %dma_wait3A_486 = arith.constant 0 : i32
      %dma_wait3A_487 = arith.constant 0 : i32
      %dma_wait3A_488 = tpu.memref_slice %arg2[%dma_wait3A_486, %dma_wait3A_487] : memref<10000x128xf32, #tpu.memory_space<hbm>> -> memref<10000x128xf32, #tpu.memory_space<hbm>>
      tpu.wait_indirect_dma semaphore(%arg28 : memref<!tpu.dma_semaphore, #tpu.memory_space<semaphore_mem>>) src(%dma_wait3A_488 : memref<10000x128xf32, #tpu.memory_space<hbm>>) dst(%arg16 : memref<128x128xf32, #tpu.memory_space<vmem>>)
      %dma_wait3A_489 = arith.constant 0 : i32
      %dma_wait3A_490 = arith.constant 0 : i32
      %dma_wait3A_491 = tpu.memref_slice %arg18[%dma_wait3A_489, %dma_wait3A_490] : memref<10240x128xf32, #tpu.memory_space<vmem_shared>> -> memref<10240x128xf32, #tpu.memory_space<vmem_shared>>
      tpu.wait_indirect_dma semaphore(%arg29 : memref<!tpu.dma_semaphore, #tpu.memory_space<semaphore_mem>>) src(%arg15 : memref<128x128xf32, #tpu.memory_space<vmem>>) dst(%dma_wait3A_491 : memref<10240x128xf32, #tpu.memory_space<vmem_shared>>)
      %dma_wait3A_492 = arith.constant 0 : i32
      %dma_wait3A_493 = tpu.memref_slice %arg3[%dma_wait3A_492] : memref<327936xi32, #tpu.memory_space<hbm>> -> memref<128xi32, #tpu.memory_space<hbm>>
      %dma_wait3A_494 = arith.constant 0 : i32
      %dma_wait3A_495 = tpu.memref_slice %arg3[%dma_wait3A_494] : memref<327936xi32, #tpu.memory_space<hbm>> -> memref<128xi32, #tpu.memory_space<hbm>>
      tpu.wait_dma2 semaphore(%arg21 : memref<!tpu.dma_semaphore, #tpu.memory_space<semaphore_mem>>) src(%dma_wait3A_495 : memref<128xi32, #tpu.memory_space<hbm>>) dst(%arg9 : memref<128xi32, #tpu.memory_space<vmem>>)
      %dma_wait3A_496 = arith.constant 0 : i32
      %dma_wait3A_497 = tpu.memref_slice %arg4[%dma_wait3A_496] : memref<327936xi32, #tpu.memory_space<hbm>> -> memref<128xi32, #tpu.memory_space<hbm>>
      %dma_wait3A_498 = arith.constant 0 : i32
      %dma_wait3A_499 = tpu.memref_slice %arg4[%dma_wait3A_498] : memref<327936xi32, #tpu.memory_space<hbm>> -> memref<128xi32, #tpu.memory_space<hbm>>
      tpu.wait_dma2 semaphore(%arg25 : memref<!tpu.dma_semaphore, #tpu.memory_space<semaphore_mem>>) src(%dma_wait3A_499 : memref<128xi32, #tpu.memory_space<hbm>>) dst(%arg13 : memref<128xi32, #tpu.memory_space<vmem>>)
      %dma_start3A_500 = arith.constant 0 : i32
      %dma_start3A_501 = arith.constant 0 : i32
      %dma_start3A_502 = tpu.memref_slice %arg2[%dma_start3A_500, %dma_start3A_501] : memref<10000x128xf32, #tpu.memory_space<hbm>> -> memref<10000x128xf32, #tpu.memory_space<hbm>>
      tpu.enqueue_indirect_dma source(%dma_start3A_502 : memref<10000x128xf32, #tpu.memory_space<hbm>>) target(%arg15 : memref<128x128xf32, #tpu.memory_space<vmem>>) offsets(%arg9 : memref<128xi32, #tpu.memory_space<vmem>>) semaphore(%arg27 : memref<!tpu.dma_semaphore, #tpu.memory_space<semaphore_mem>>)
      %dma_start3A_503 = arith.constant 0 : i32
      %dma_start3A_504 = arith.constant 0 : i32
      %dma_start3A_505 = tpu.memref_slice %arg18[%dma_start3A_503, %dma_start3A_504] : memref<10240x128xf32, #tpu.memory_space<vmem_shared>> -> memref<10240x128xf32, #tpu.memory_space<vmem_shared>>
      tpu.enqueue_indirect_dma source(%arg16 : memref<128x128xf32, #tpu.memory_space<vmem>>) target(%dma_start3A_505 : memref<10240x128xf32, #tpu.memory_space<vmem_shared>>) offsets(%arg12 : memref<128xi32, #tpu.memory_space<vmem>>) semaphore(%arg30 : memref<!tpu.dma_semaphore, #tpu.memory_space<semaphore_mem>>) {add = true}
      %broadcast_in_dim3A_506 = arith.constant 1.000000e+00 : f32
      %broadcast_in_dim3A_507 = vector.broadcast %broadcast_in_dim3A_506 : f32 to vector<16xf32>
      %get3A_508 = arith.constant 0 : index
      %get3A_509 = tpu.vector_load %arg12[%get3A_508] {strides = array<i32>} : memref<128xi32, #tpu.memory_space<vmem>>, vector<16xi32>,
      tpu.vector_store_idx %arg31[%get3A_509], %broadcast_in_dim3A_507 {add = true} : memref<10240xf32, #tpu.memory_space<vmem>>[vector<16xi32>], vector<16xf32>,
      %get3A_510 = arith.constant 16 : index
      %get3A_511 = tpu.vector_load %arg12[%get3A_510] {strides = array<i32>} : memref<128xi32, #tpu.memory_space<vmem>>, vector<16xi32>,
      tpu.vector_store_idx %arg31[%get3A_511], %broadcast_in_dim3A_507 {add = true} : memref<10240xf32, #tpu.memory_space<vmem>>[vector<16xi32>], vector<16xf32>,
      %get3A_512 = arith.constant 32 : index
      %get3A_513 = tpu.vector_load %arg12[%get3A_512] {strides = array<i32>} : memref<128xi32, #tpu.memory_space<vmem>>, vector<16xi32>,
      tpu.vector_store_idx %arg31[%get3A_513], %broadcast_in_dim3A_507 {add = true} : memref<10240xf32, #tpu.memory_space<vmem>>[vector<16xi32>], vector<16xf32>,
      %get3A_514 = arith.constant 48 : index
      %get3A_515 = tpu.vector_load %arg12[%get3A_514] {strides = array<i32>} : memref<128xi32, #tpu.memory_space<vmem>>, vector<16xi32>,
      tpu.vector_store_idx %arg31[%get3A_515], %broadcast_in_dim3A_507 {add = true} : memref<10240xf32, #tpu.memory_space<vmem>>[vector<16xi32>], vector<16xf32>,
      %get3A_516 = arith.constant 64 : index
      %get3A_517 = tpu.vector_load %arg12[%get3A_516] {strides = array<i32>} : memref<128xi32, #tpu.memory_space<vmem>>, vector<16xi32>,
      tpu.vector_store_idx %arg31[%get3A_517], %broadcast_in_dim3A_507 {add = true} : memref<10240xf32, #tpu.memory_space<vmem>>[vector<16xi32>], vector<16xf32>,
      %get3A_518 = arith.constant 80 : index
      %get3A_519 = tpu.vector_load %arg12[%get3A_518] {strides = array<i32>} : memref<128xi32, #tpu.memory_space<vmem>>, vector<16xi32>,
      tpu.vector_store_idx %arg31[%get3A_519], %broadcast_in_dim3A_507 {add = true} : memref<10240xf32, #tpu.memory_space<vmem>>[vector<16xi32>], vector<16xf32>,
      %get3A_520 = arith.constant 96 : index
      %get3A_521 = tpu.vector_load %arg12[%get3A_520] {strides = array<i32>} : memref<128xi32, #tpu.memory_space<vmem>>, vector<16xi32>,
      tpu.vector_store_idx %arg31[%get3A_521], %broadcast_in_dim3A_507 {add = true} : memref<10240xf32, #tpu.memory_space<vmem>>[vector<16xi32>], vector<16xf32>,
      %get3A_522 = arith.constant 112 : index
      %get3A_523 = tpu.vector_load %arg12[%get3A_522] {strides = array<i32>} : memref<128xi32, #tpu.memory_space<vmem>>, vector<16xi32>,
      tpu.vector_store_idx %arg31[%get3A_523], %broadcast_in_dim3A_507 {add = true} : memref<10240xf32, #tpu.memory_space<vmem>>[vector<16xi32>], vector<16xf32>,
      %add3A_524 = arith.constant 1 : i32
      %add3A_525 = arith.addi %add3A_438, %add3A_524 : i32
      %add3A_526 = arith.constant 2 : i32
      %add3A_527 = arith.addi %add3A_525, %add3A_526 : i32
      %mul3A_528 = arith.constant 128 : i32
      %mul3A_529 = arith.muli %add3A_527, %mul3A_528 : i32
      %add3A_530 = arith.addi %mul3A_391, %mul3A_529 : i32
      %dma_start3A_531 = tpu.memref_slice %arg3[%add3A_530] : memref<327936xi32, #tpu.memory_space<hbm>> -> memref<128xi32, #tpu.memory_space<hbm>>
      %dma_start3A_532 = tpu.memref_slice %arg3[%add3A_530] : memref<327936xi32, #tpu.memory_space<hbm>> -> memref<128xi32, #tpu.memory_space<hbm>>
      tpu.enqueue_dma source(%dma_start3A_532 : memref<128xi32, #tpu.memory_space<hbm>>) target(%arg10 : memref<128xi32, #tpu.memory_space<vmem>>) target_semaphore(%arg22 : memref<!tpu.dma_semaphore, #tpu.memory_space<semaphore_mem>>)
      %dma_start3A_533 = tpu.memref_slice %arg4[%add3A_530] : memref<327936xi32, #tpu.memory_space<hbm>> -> memref<128xi32, #tpu.memory_space<hbm>>
      %dma_start3A_534 = tpu.memref_slice %arg4[%add3A_530] : memref<327936xi32, #tpu.memory_space<hbm>> -> memref<128xi32, #tpu.memory_space<hbm>>
      tpu.enqueue_dma source(%dma_start3A_534 : memref<128xi32, #tpu.memory_space<hbm>>) target(%arg14 : memref<128xi32, #tpu.memory_space<vmem>>) target_semaphore(%arg26 : memref<!tpu.dma_semaphore, #tpu.memory_space<semaphore_mem>>)
      %dma_wait3A_535 = arith.constant 0 : i32
      %dma_wait3A_536 = arith.constant 0 : i32
      %dma_wait3A_537 = tpu.memref_slice %arg2[%dma_wait3A_535, %dma_wait3A_536] : memref<10000x128xf32, #tpu.memory_space<hbm>> -> memref<10000x128xf32, #tpu.memory_space<hbm>>
      tpu.wait_indirect_dma semaphore(%arg27 : memref<!tpu.dma_semaphore, #tpu.memory_space<semaphore_mem>>) src(%dma_wait3A_537 : memref<10000x128xf32, #tpu.memory_space<hbm>>) dst(%arg15 : memref<128x128xf32, #tpu.memory_space<vmem>>)
      %dma_wait3A_538 = arith.constant 0 : i32
      %dma_wait3A_539 = arith.constant 0 : i32
      %dma_wait3A_540 = tpu.memref_slice %arg18[%dma_wait3A_538, %dma_wait3A_539] : memref<10240x128xf32, #tpu.memory_space<vmem_shared>> -> memref<10240x128xf32, #tpu.memory_space<vmem_shared>>
      tpu.wait_indirect_dma semaphore(%arg30 : memref<!tpu.dma_semaphore, #tpu.memory_space<semaphore_mem>>) src(%arg16 : memref<128x128xf32, #tpu.memory_space<vmem>>) dst(%dma_wait3A_540 : memref<10240x128xf32, #tpu.memory_space<vmem_shared>>)
      %dma_wait3A_541 = arith.constant 0 : i32
      %dma_wait3A_542 = tpu.memref_slice %arg3[%dma_wait3A_541] : memref<327936xi32, #tpu.memory_space<hbm>> -> memref<128xi32, #tpu.memory_space<hbm>>
      %dma_wait3A_543 = arith.constant 0 : i32
      %dma_wait3A_544 = tpu.memref_slice %arg3[%dma_wait3A_543] : memref<327936xi32, #tpu.memory_space<hbm>> -> memref<128xi32, #tpu.memory_space<hbm>>
      tpu.wait_dma2 semaphore(%arg22 : memref<!tpu.dma_semaphore, #tpu.memory_space<semaphore_mem>>) src(%dma_wait3A_544 : memref<128xi32, #tpu.memory_space<hbm>>) dst(%arg10 : memref<128xi32, #tpu.memory_space<vmem>>)
      %dma_wait3A_545 = arith.constant 0 : i32
      %dma_wait3A_546 = tpu.memref_slice %arg4[%dma_wait3A_545] : memref<327936xi32, #tpu.memory_space<hbm>> -> memref<128xi32, #tpu.memory_space<hbm>>
      %dma_wait3A_547 = arith.constant 0 : i32
      %dma_wait3A_548 = tpu.memref_slice %arg4[%dma_wait3A_547] : memref<327936xi32, #tpu.memory_space<hbm>> -> memref<128xi32, #tpu.memory_space<hbm>>
      tpu.wait_dma2 semaphore(%arg26 : memref<!tpu.dma_semaphore, #tpu.memory_space<semaphore_mem>>) src(%dma_wait3A_548 : memref<128xi32, #tpu.memory_space<hbm>>) dst(%arg14 : memref<128xi32, #tpu.memory_space<vmem>>)
      %dma_start3A_549 = arith.constant 0 : i32
      %dma_start3A_550 = arith.constant 0 : i32
      %dma_start3A_551 = tpu.memref_slice %arg2[%dma_start3A_549, %dma_start3A_550] : memref<10000x128xf32, #tpu.memory_space<hbm>> -> memref<10000x128xf32, #tpu.memory_space<hbm>>
      tpu.enqueue_indirect_dma source(%dma_start3A_551 : memref<10000x128xf32, #tpu.memory_space<hbm>>) target(%arg16 : memref<128x128xf32, #tpu.memory_space<vmem>>) offsets(%arg10 : memref<128xi32, #tpu.memory_space<vmem>>) semaphore(%arg28 : memref<!tpu.dma_semaphore, #tpu.memory_space<semaphore_mem>>)
      %dma_start3A_552 = arith.constant 0 : i32
      %dma_start3A_553 = arith.constant 0 : i32
      %dma_start3A_554 = tpu.memref_slice %arg18[%dma_start3A_552, %dma_start3A_553] : memref<10240x128xf32, #tpu.memory_space<vmem_shared>> -> memref<10240x128xf32, #tpu.memory_space<vmem_shared>>
      tpu.enqueue_indirect_dma source(%arg15 : memref<128x128xf32, #tpu.memory_space<vmem>>) target(%dma_start3A_554 : memref<10240x128xf32, #tpu.memory_space<vmem_shared>>) offsets(%arg13 : memref<128xi32, #tpu.memory_space<vmem>>) semaphore(%arg29 : memref<!tpu.dma_semaphore, #tpu.memory_space<semaphore_mem>>) {add = true}
      %broadcast_in_dim3A_555 = arith.constant 1.000000e+00 : f32
      %broadcast_in_dim3A_556 = vector.broadcast %broadcast_in_dim3A_555 : f32 to vector<16xf32>
      %get3A_557 = arith.constant 0 : index
      %get3A_558 = tpu.vector_load %arg13[%get3A_557] {strides = array<i32>} : memref<128xi32, #tpu.memory_space<vmem>>, vector<16xi32>,
      tpu.vector_store_idx %arg31[%get3A_558], %broadcast_in_dim3A_556 {add = true} : memref<10240xf32, #tpu.memory_space<vmem>>[vector<16xi32>], vector<16xf32>,
      %get3A_559 = arith.constant 16 : index
      %get3A_560 = tpu.vector_load %arg13[%get3A_559] {strides = array<i32>} : memref<128xi32, #tpu.memory_space<vmem>>, vector<16xi32>,
      tpu.vector_store_idx %arg31[%get3A_560], %broadcast_in_dim3A_556 {add = true} : memref<10240xf32, #tpu.memory_space<vmem>>[vector<16xi32>], vector<16xf32>,
      %get3A_561 = arith.constant 32 : index
      %get3A_562 = tpu.vector_load %arg13[%get3A_561] {strides = array<i32>} : memref<128xi32, #tpu.memory_space<vmem>>, vector<16xi32>,
      tpu.vector_store_idx %arg31[%get3A_562], %broadcast_in_dim3A_556 {add = true} : memref<10240xf32, #tpu.memory_space<vmem>>[vector<16xi32>], vector<16xf32>,
      %get3A_563 = arith.constant 48 : index
      %get3A_564 = tpu.vector_load %arg13[%get3A_563] {strides = array<i32>} : memref<128xi32, #tpu.memory_space<vmem>>, vector<16xi32>,
      tpu.vector_store_idx %arg31[%get3A_564], %broadcast_in_dim3A_556 {add = true} : memref<10240xf32, #tpu.memory_space<vmem>>[vector<16xi32>], vector<16xf32>,
      %get3A_565 = arith.constant 64 : index
      %get3A_566 = tpu.vector_load %arg13[%get3A_565] {strides = array<i32>} : memref<128xi32, #tpu.memory_space<vmem>>, vector<16xi32>,
      tpu.vector_store_idx %arg31[%get3A_566], %broadcast_in_dim3A_556 {add = true} : memref<10240xf32, #tpu.memory_space<vmem>>[vector<16xi32>], vector<16xf32>,
      %get3A_567 = arith.constant 80 : index
      %get3A_568 = tpu.vector_load %arg13[%get3A_567] {strides = array<i32>} : memref<128xi32, #tpu.memory_space<vmem>>, vector<16xi32>,
      tpu.vector_store_idx %arg31[%get3A_568], %broadcast_in_dim3A_556 {add = true} : memref<10240xf32, #tpu.memory_space<vmem>>[vector<16xi32>], vector<16xf32>,
      %get3A_569 = arith.constant 96 : index
      %get3A_570 = tpu.vector_load %arg13[%get3A_569] {strides = array<i32>} : memref<128xi32, #tpu.memory_space<vmem>>, vector<16xi32>,
      tpu.vector_store_idx %arg31[%get3A_570], %broadcast_in_dim3A_556 {add = true} : memref<10240xf32, #tpu.memory_space<vmem>>[vector<16xi32>], vector<16xf32>,
      %get3A_571 = arith.constant 112 : index
      %get3A_572 = tpu.vector_load %arg13[%get3A_571] {strides = array<i32>} : memref<128xi32, #tpu.memory_space<vmem>>, vector<16xi32>,
      tpu.vector_store_idx %arg31[%get3A_572], %broadcast_in_dim3A_556 {add = true} : memref<10240xf32, #tpu.memory_space<vmem>>[vector<16xi32>], vector<16xf32>,
      %add3A_573 = arith.constant 2 : i32
      %add3A_574 = arith.addi %add3A_438, %add3A_573 : i32
      %add3A_575 = arith.constant 2 : i32
      %add3A_576 = arith.addi %add3A_574, %add3A_575 : i32
      %mul3A_577 = arith.constant 128 : i32
      %mul3A_578 = arith.muli %add3A_576, %mul3A_577 : i32
      %add3A_579 = arith.addi %mul3A_391, %mul3A_578 : i32
      %dma_start3A_580 = tpu.memref_slice %arg3[%add3A_579] : memref<327936xi32, #tpu.memory_space<hbm>> -> memref<128xi32, #tpu.memory_space<hbm>>
      %dma_start3A_581 = tpu.memref_slice %arg3[%add3A_579] : memref<327936xi32, #tpu.memory_space<hbm>> -> memref<128xi32, #tpu.memory_space<hbm>>
      tpu.enqueue_dma source(%dma_start3A_581 : memref<128xi32, #tpu.memory_space<hbm>>) target(%arg7 : memref<128xi32, #tpu.memory_space<vmem>>) target_semaphore(%arg19 : memref<!tpu.dma_semaphore, #tpu.memory_space<semaphore_mem>>)
      %dma_start3A_582 = tpu.memref_slice %arg4[%add3A_579] : memref<327936xi32, #tpu.memory_space<hbm>> -> memref<128xi32, #tpu.memory_space<hbm>>
      %dma_start3A_583 = tpu.memref_slice %arg4[%add3A_579] : memref<327936xi32, #tpu.memory_space<hbm>> -> memref<128xi32, #tpu.memory_space<hbm>>
      tpu.enqueue_dma source(%dma_start3A_583 : memref<128xi32, #tpu.memory_space<hbm>>) target(%arg11 : memref<128xi32, #tpu.memory_space<vmem>>) target_semaphore(%arg23 : memref<!tpu.dma_semaphore, #tpu.memory_space<semaphore_mem>>)
      %dma_wait3A_584 = arith.constant 0 : i32
      %dma_wait3A_585 = arith.constant 0 : i32
      %dma_wait3A_586 = tpu.memref_slice %arg2[%dma_wait3A_584, %dma_wait3A_585] : memref<10000x128xf32, #tpu.memory_space<hbm>> -> memref<10000x128xf32, #tpu.memory_space<hbm>>
      tpu.wait_indirect_dma semaphore(%arg28 : memref<!tpu.dma_semaphore, #tpu.memory_space<semaphore_mem>>) src(%dma_wait3A_586 : memref<10000x128xf32, #tpu.memory_space<hbm>>) dst(%arg16 : memref<128x128xf32, #tpu.memory_space<vmem>>)
      %dma_wait3A_587 = arith.constant 0 : i32
      %dma_wait3A_588 = arith.constant 0 : i32
      %dma_wait3A_589 = tpu.memref_slice %arg18[%dma_wait3A_587, %dma_wait3A_588] : memref<10240x128xf32, #tpu.memory_space<vmem_shared>> -> memref<10240x128xf32, #tpu.memory_space<vmem_shared>>
      tpu.wait_indirect_dma semaphore(%arg29 : memref<!tpu.dma_semaphore, #tpu.memory_space<semaphore_mem>>) src(%arg15 : memref<128x128xf32, #tpu.memory_space<vmem>>) dst(%dma_wait3A_589 : memref<10240x128xf32, #tpu.memory_space<vmem_shared>>)
      %dma_wait3A_590 = arith.constant 0 : i32
      %dma_wait3A_591 = tpu.memref_slice %arg3[%dma_wait3A_590] : memref<327936xi32, #tpu.memory_space<hbm>> -> memref<128xi32, #tpu.memory_space<hbm>>
      %dma_wait3A_592 = arith.constant 0 : i32
      %dma_wait3A_593 = tpu.memref_slice %arg3[%dma_wait3A_592] : memref<327936xi32, #tpu.memory_space<hbm>> -> memref<128xi32, #tpu.memory_space<hbm>>
      tpu.wait_dma2 semaphore(%arg19 : memref<!tpu.dma_semaphore, #tpu.memory_space<semaphore_mem>>) src(%dma_wait3A_593 : memref<128xi32, #tpu.memory_space<hbm>>) dst(%arg7 : memref<128xi32, #tpu.memory_space<vmem>>)
      %dma_wait3A_594 = arith.constant 0 : i32
      %dma_wait3A_595 = tpu.memref_slice %arg4[%dma_wait3A_594] : memref<327936xi32, #tpu.memory_space<hbm>> -> memref<128xi32, #tpu.memory_space<hbm>>
      %dma_wait3A_596 = arith.constant 0 : i32
      %dma_wait3A_597 = tpu.memref_slice %arg4[%dma_wait3A_596] : memref<327936xi32, #tpu.memory_space<hbm>> -> memref<128xi32, #tpu.memory_space<hbm>>
      tpu.wait_dma2 semaphore(%arg23 : memref<!tpu.dma_semaphore, #tpu.memory_space<semaphore_mem>>) src(%dma_wait3A_597 : memref<128xi32, #tpu.memory_space<hbm>>) dst(%arg11 : memref<128xi32, #tpu.memory_space<vmem>>)
      %dma_start3A_598 = arith.constant 0 : i32
      %dma_start3A_599 = arith.constant 0 : i32
      %dma_start3A_600 = tpu.memref_slice %arg2[%dma_start3A_598, %dma_start3A_599] : memref<10000x128xf32, #tpu.memory_space<hbm>> -> memref<10000x128xf32, #tpu.memory_space<hbm>>
      tpu.enqueue_indirect_dma source(%dma_start3A_600 : memref<10000x128xf32, #tpu.memory_space<hbm>>) target(%arg15 : memref<128x128xf32, #tpu.memory_space<vmem>>) offsets(%arg7 : memref<128xi32, #tpu.memory_space<vmem>>) semaphore(%arg27 : memref<!tpu.dma_semaphore, #tpu.memory_space<semaphore_mem>>)
      %dma_start3A_601 = arith.constant 0 : i32
      %dma_start3A_602 = arith.constant 0 : i32
      %dma_start3A_603 = tpu.memref_slice %arg18[%dma_start3A_601, %dma_start3A_602] : memref<10240x128xf32, #tpu.memory_space<vmem_shared>> -> memref<10240x128xf32, #tpu.memory_space<vmem_shared>>
      tpu.enqueue_indirect_dma source(%arg16 : memref<128x128xf32, #tpu.memory_space<vmem>>) target(%dma_start3A_603 : memref<10240x128xf32, #tpu.memory_space<vmem_shared>>) offsets(%arg14 : memref<128xi32, #tpu.memory_space<vmem>>) semaphore(%arg30 : memref<!tpu.dma_semaphore, #tpu.memory_space<semaphore_mem>>) {add = true}
      %broadcast_in_dim3A_604 = arith.constant 1.000000e+00 : f32
      %broadcast_in_dim3A_605 = vector.broadcast %broadcast_in_dim3A_604 : f32 to vector<16xf32>
      %get3A_606 = arith.constant 0 : index
      %get3A_607 = tpu.vector_load %arg14[%get3A_606] {strides = array<i32>} : memref<128xi32, #tpu.memory_space<vmem>>, vector<16xi32>,
      tpu.vector_store_idx %arg31[%get3A_607], %broadcast_in_dim3A_605 {add = true} : memref<10240xf32, #tpu.memory_space<vmem>>[vector<16xi32>], vector<16xf32>,
      %get3A_608 = arith.constant 16 : index
      %get3A_609 = tpu.vector_load %arg14[%get3A_608] {strides = array<i32>} : memref<128xi32, #tpu.memory_space<vmem>>, vector<16xi32>,
      tpu.vector_store_idx %arg31[%get3A_609], %broadcast_in_dim3A_605 {add = true} : memref<10240xf32, #tpu.memory_space<vmem>>[vector<16xi32>], vector<16xf32>,
      %get3A_610 = arith.constant 32 : index
      %get3A_611 = tpu.vector_load %arg14[%get3A_610] {strides = array<i32>} : memref<128xi32, #tpu.memory_space<vmem>>, vector<16xi32>,
      tpu.vector_store_idx %arg31[%get3A_611], %broadcast_in_dim3A_605 {add = true} : memref<10240xf32, #tpu.memory_space<vmem>>[vector<16xi32>], vector<16xf32>,
      %get3A_612 = arith.constant 48 : index
      %get3A_613 = tpu.vector_load %arg14[%get3A_612] {strides = array<i32>} : memref<128xi32, #tpu.memory_space<vmem>>, vector<16xi32>,
      tpu.vector_store_idx %arg31[%get3A_613], %broadcast_in_dim3A_605 {add = true} : memref<10240xf32, #tpu.memory_space<vmem>>[vector<16xi32>], vector<16xf32>,
      %get3A_614 = arith.constant 64 : index
      %get3A_615 = tpu.vector_load %arg14[%get3A_614] {strides = array<i32>} : memref<128xi32, #tpu.memory_space<vmem>>, vector<16xi32>,
      tpu.vector_store_idx %arg31[%get3A_615], %broadcast_in_dim3A_605 {add = true} : memref<10240xf32, #tpu.memory_space<vmem>>[vector<16xi32>], vector<16xf32>,
      %get3A_616 = arith.constant 80 : index
      %get3A_617 = tpu.vector_load %arg14[%get3A_616] {strides = array<i32>} : memref<128xi32, #tpu.memory_space<vmem>>, vector<16xi32>,
      tpu.vector_store_idx %arg31[%get3A_617], %broadcast_in_dim3A_605 {add = true} : memref<10240xf32, #tpu.memory_space<vmem>>[vector<16xi32>], vector<16xf32>,
      %get3A_618 = arith.constant 96 : index
      %get3A_619 = tpu.vector_load %arg14[%get3A_618] {strides = array<i32>} : memref<128xi32, #tpu.memory_space<vmem>>, vector<16xi32>,
      tpu.vector_store_idx %arg31[%get3A_619], %broadcast_in_dim3A_605 {add = true} : memref<10240xf32, #tpu.memory_space<vmem>>[vector<16xi32>], vector<16xf32>,
      %get3A_620 = arith.constant 112 : index
      %get3A_621 = tpu.vector_load %arg14[%get3A_620] {strides = array<i32>} : memref<128xi32, #tpu.memory_space<vmem>>, vector<16xi32>,
      tpu.vector_store_idx %arg31[%get3A_621], %broadcast_in_dim3A_605 {add = true} : memref<10240xf32, #tpu.memory_space<vmem>>[vector<16xi32>], vector<16xf32>,
      %add3A_622 = arith.constant 3 : i32
      %add3A_623 = arith.addi %add3A_438, %add3A_622 : i32
      %add3A_624 = arith.constant 2 : i32
      %add3A_625 = arith.addi %add3A_623, %add3A_624 : i32
      %mul3A_626 = arith.constant 128 : i32
      %mul3A_627 = arith.muli %add3A_625, %mul3A_626 : i32
      %add3A_628 = arith.addi %mul3A_391, %mul3A_627 : i32
      %dma_start3A_629 = tpu.memref_slice %arg3[%add3A_628] : memref<327936xi32, #tpu.memory_space<hbm>> -> memref<128xi32, #tpu.memory_space<hbm>>
      %dma_start3A_630 = tpu.memref_slice %arg3[%add3A_628] : memref<327936xi32, #tpu.memory_space<hbm>> -> memref<128xi32, #tpu.memory_space<hbm>>
      tpu.enqueue_dma source(%dma_start3A_630 : memref<128xi32, #tpu.memory_space<hbm>>) target(%arg8 : memref<128xi32, #tpu.memory_space<vmem>>) target_semaphore(%arg20 : memref<!tpu.dma_semaphore, #tpu.memory_space<semaphore_mem>>)
      %dma_start3A_631 = tpu.memref_slice %arg4[%add3A_628] : memref<327936xi32, #tpu.memory_space<hbm>> -> memref<128xi32, #tpu.memory_space<hbm>>
      %dma_start3A_632 = tpu.memref_slice %arg4[%add3A_628] : memref<327936xi32, #tpu.memory_space<hbm>> -> memref<128xi32, #tpu.memory_space<hbm>>
      tpu.enqueue_dma source(%dma_start3A_632 : memref<128xi32, #tpu.memory_space<hbm>>) target(%arg12 : memref<128xi32, #tpu.memory_space<vmem>>) target_semaphore(%arg24 : memref<!tpu.dma_semaphore, #tpu.memory_space<semaphore_mem>>)
    }
    %scan3A_416 = arith.constant 40 : i32
    %dma_wait3A_417 = arith.constant 0 : i32
    %dma_wait3A_418 = arith.constant 0 : i32
    %dma_wait3A_419 = tpu.memref_slice %arg2[%dma_wait3A_417, %dma_wait3A_418] : memref<10000x128xf32, #tpu.memory_space<hbm>> -> memref<10000x128xf32, #tpu.memory_space<hbm>>
    tpu.wait_indirect_dma semaphore(%arg27 : memref<!tpu.dma_semaphore, #tpu.memory_space<semaphore_mem>>) src(%dma_wait3A_419 : memref<10000x128xf32, #tpu.memory_space<hbm>>) dst(%arg15 : memref<128x128xf32, #tpu.memory_space<vmem>>)
    %dma_wait3A_420 = arith.constant 0 : i32
    %dma_wait3A_421 = arith.constant 0 : i32
    %dma_wait3A_422 = tpu.memref_slice %arg18[%dma_wait3A_420, %dma_wait3A_421] : memref<10240x128xf32, #tpu.memory_space<vmem_shared>> -> memref<10240x128xf32, #tpu.memory_space<vmem_shared>>
    tpu.wait_indirect_dma semaphore(%arg30 : memref<!tpu.dma_semaphore, #tpu.memory_space<semaphore_mem>>) src(%arg16 : memref<128x128xf32, #tpu.memory_space<vmem>>) dst(%dma_wait3A_422 : memref<10240x128xf32, #tpu.memory_space<vmem_shared>>)
    %dma_wait3A_423 = arith.constant 0 : i32
    %dma_wait3A_424 = tpu.memref_slice %arg3[%dma_wait3A_423] : memref<327936xi32, #tpu.memory_space<hbm>> -> memref<128xi32, #tpu.memory_space<hbm>>
    %dma_wait3A_425 = arith.constant 0 : i32
    %dma_wait3A_426 = tpu.memref_slice %arg3[%dma_wait3A_425] : memref<327936xi32, #tpu.memory_space<hbm>> -> memref<128xi32, #tpu.memory_space<hbm>>
    tpu.wait_dma2 semaphore(%arg20 : memref<!tpu.dma_semaphore, #tpu.memory_space<semaphore_mem>>) src(%dma_wait3A_426 : memref<128xi32, #tpu.memory_space<hbm>>) dst(%arg8 : memref<128xi32, #tpu.memory_space<vmem>>)
    %dma_wait3A_427 = arith.constant 0 : i32
    %dma_wait3A_428 = tpu.memref_slice %arg4[%dma_wait3A_427] : memref<327936xi32, #tpu.memory_space<hbm>> -> memref<128xi32, #tpu.memory_space<hbm>>
    %dma_wait3A_429 = arith.constant 0 : i32
    %dma_wait3A_430 = tpu.memref_slice %arg4[%dma_wait3A_429] : memref<327936xi32, #tpu.memory_space<hbm>> -> memref<128xi32, #tpu.memory_space<hbm>>
    tpu.wait_dma2 semaphore(%arg24 : memref<!tpu.dma_semaphore, #tpu.memory_space<semaphore_mem>>) src(%dma_wait3A_430 : memref<128xi32, #tpu.memory_space<hbm>>) dst(%arg12 : memref<128xi32, #tpu.memory_space<vmem>>)
    %barrier3A_431 = arith.constant 0 : index
    tpu.barrier barrier_id(%barrier3A_431)
    %mul3A_432 = arith.constant 640 : i32
    %mul3A_433 = arith.muli %arg1, %mul3A_432 : i32
    "tpu.region"() ({
      %run_scoped3A = tpu.sem_alloc : memref<!tpu.dma_semaphore, #tpu.memory_space<semaphore_mem>>
      %dma_start3A_434 = arith.constant 0 : i32
      %dma_start3A_435 = tpu.memref_slice %arg5[%mul3A_433, %dma_start3A_434] : memref<10240x128xf32, #tpu.memory_space<hbm>> -> memref<640x128xf32, #tpu.memory_space<hbm>>
      %dma_start3A_436 = arith.constant 0 : i32
      %dma_start3A_437 = tpu.memref_slice %arg18[%mul3A_433, %dma_start3A_436] : memref<10240x128xf32, #tpu.memory_space<vmem_shared>> -> memref<640x128xf32, #tpu.memory_space<vmem_shared>>
      tpu.enqueue_dma source(%dma_start3A_437 : memref<640x128xf32, #tpu.memory_space<vmem_shared>>) target(%dma_start3A_435 : memref<640x128xf32, #tpu.memory_space<hbm>>) target_semaphore(%run_scoped3A : memref<!tpu.dma_semaphore, #tpu.memory_space<semaphore_mem>>)
      %dma_wait3A_438 = arith.constant 0 : i32
      %dma_wait3A_439 = tpu.memref_slice %arg5[%mul3A_433, %dma_wait3A_438] : memref<10240x128xf32, #tpu.memory_space<hbm>> -> memref<640x128xf32, #tpu.memory_space<hbm>>
      %dma_wait3A_440 = arith.constant 0 : i32
      %dma_wait3A_441 = tpu.memref_slice %arg18[%mul3A_433, %dma_wait3A_440] : memref<10240x128xf32, #tpu.memory_space<vmem_shared>> -> memref<640x128xf32, #tpu.memory_space<vmem_shared>>
      tpu.wait_dma2 semaphore(%run_scoped3A : memref<!tpu.dma_semaphore, #tpu.memory_space<semaphore_mem>>) src(%dma_wait3A_441 : memref<640x128xf32, #tpu.memory_space<vmem_shared>>) dst(%dma_wait3A_439 : memref<640x128xf32, #tpu.memory_space<hbm>>)
      tpu.yield
    }) : () -> ()
    "tpu.region"() ({
      %run_scoped3A = tpu.sem_alloc : memref<!tpu.dma_semaphore, #tpu.memory_space<semaphore_mem>>
      %dma_start3A_434 = arith.constant 0 : i32
      %dma_start3A_435 = tpu.memref_slice %arg6[%arg1, %dma_start3A_434] : memref<16x10240xf32, #tpu.memory_space<hbm>> -> memref<1x10240xf32, #tpu.memory_space<hbm>>
      %dma_start3A_436 = tpu.memref_squeeze %dma_start3A_435 : memref<1x10240xf32, #tpu.memory_space<hbm>> -> memref<10240xf32, #tpu.memory_space<hbm>>
      %dma_start3A_437 = arith.constant 0 : i32
      %dma_start3A_438 = tpu.memref_slice %arg6[%arg1, %dma_start3A_437] : memref<16x10240xf32, #tpu.memory_space<hbm>> -> memref<1x10240xf32, #tpu.memory_space<hbm>>
      %dma_start3A_439 = tpu.memref_squeeze %dma_start3A_438 : memref<1x10240xf32, #tpu.memory_space<hbm>> -> memref<10240xf32, #tpu.memory_space<hbm>>
      tpu.enqueue_dma source(%arg31 : memref<10240xf32, #tpu.memory_space<vmem>>) target(%dma_start3A_439 : memref<10240xf32, #tpu.memory_space<hbm>>) target_semaphore(%run_scoped3A : memref<!tpu.dma_semaphore, #tpu.memory_space<semaphore_mem>>)
      %dma_wait3A_440 = arith.constant 0 : i32
      %dma_wait3A_441 = tpu.memref_slice %arg6[%arg1, %dma_wait3A_440] : memref<16x10240xf32, #tpu.memory_space<hbm>> -> memref<1x10240xf32, #tpu.memory_space<hbm>>
      %dma_wait3A_442 = tpu.memref_squeeze %dma_wait3A_441 : memref<1x10240xf32, #tpu.memory_space<hbm>> -> memref<10240xf32, #tpu.memory_space<hbm>>
      %dma_wait3A_443 = arith.constant 0 : i32
      %dma_wait3A_444 = tpu.memref_slice %arg6[%arg1, %dma_wait3A_443] : memref<16x10240xf32, #tpu.memory_space<hbm>> -> memref<1x10240xf32, #tpu.memory_space<hbm>>
      %dma_wait3A_445 = tpu.memref_squeeze %dma_wait3A_444 : memref<1x10240xf32, #tpu.memory_space<hbm>> -> memref<10240xf32, #tpu.memory_space<hbm>>
      tpu.wait_dma2 semaphore(%run_scoped3A : memref<!tpu.dma_semaphore, #tpu.memory_space<semaphore_mem>>) src(%arg31 : memref<10240xf32, #tpu.memory_space<vmem>>) dst(%dma_wait3A_445 : memref<10240xf32, #tpu.memory_space<hbm>>)
      tpu.yield
    }) : () -> ()
    return
  }
}

#map = affine_map<(d0, d1) -> (0, 0)>
#map1 = affine_map<(d0, d1) -> (0)>
module attributes {stable_mosaic.version = 14 : i64} {
  func.func @k(%arg0: i32, %arg1: i32, %arg2: memref<10000x128xf32, #tpu.memory_space<hbm>>, %arg3: memref<327936xi32, #tpu.memory_space<hbm>>, %arg4: memref<327936xi32, #tpu.memory_space<hbm>>, %arg5: memref<10240x128xf32, #tpu.memory_space<hbm>>, %arg6: memref<128xi32, #tpu.memory_space<vmem>>, %arg7: memref<128xi32, #tpu.memory_space<vmem>>, %arg8: memref<128xi32, #tpu.memory_space<vmem>>, %arg9: memref<128xi32, #tpu.memory_space<vmem>>, %arg10: memref<128xi32, #tpu.memory_space<vmem>>, %arg11: memref<128xi32, #tpu.memory_space<vmem>>, %arg12: memref<128xi32, #tpu.memory_space<vmem>>, %arg13: memref<128xi32, #tpu.memory_space<vmem>>, %arg14: memref<128x128xf32, #tpu.memory_space<vmem>>, %arg15: memref<128x128xf32, #tpu.memory_space<vmem>>, %arg16: memref<8x128xf32, #tpu.memory_space<vmem>>, %arg17: memref<10240x128xf32, #tpu.memory_space<vmem_shared>>, %arg18: memref<!tpu.dma_semaphore, #tpu.memory_space<semaphore_mem>>, %arg19: memref<!tpu.dma_semaphore, #tpu.memory_space<semaphore_mem>>, %arg20: memref<!tpu.dma_semaphore, #tpu.memory_space<semaphore_mem>>, %arg21: memref<!tpu.dma_semaphore, #tpu.memory_space<semaphore_mem>>, %arg22: memref<!tpu.dma_semaphore, #tpu.memory_space<semaphore_mem>>, %arg23: memref<!tpu.dma_semaphore, #tpu.memory_space<semaphore_mem>>, %arg24: memref<!tpu.dma_semaphore, #tpu.memory_space<semaphore_mem>>, %arg25: memref<!tpu.dma_semaphore, #tpu.memory_space<semaphore_mem>>, %arg26: memref<!tpu.dma_semaphore, #tpu.memory_space<semaphore_mem>>, %arg27: memref<!tpu.dma_semaphore, #tpu.memory_space<semaphore_mem>>, %arg28: memref<!tpu.dma_semaphore, #tpu.memory_space<semaphore_mem>>, %arg29: memref<!tpu.dma_semaphore, #tpu.memory_space<semaphore_mem>>) attributes {dimension_semantics = [#tpu.dimension_semantics<core_parallel>, #tpu.dimension_semantics<subcore_parallel>], iteration_bounds = array<i64: 1, 16>, scalar_prefetch = 0 : i64, scratch_operands = 24 : i64, tpu.core_type = #tpu.core_type<sc_vector_subcore>, window_params = [{transform_indices = #map}, {transform_indices = #map1}, {transform_indices = #map1}, {transform_indices = #map}]} {
    %broadcast_in_dim3A = arith.constant 0.000000e+00 : f32
    %broadcast_in_dim3A_0 = vector.broadcast %broadcast_in_dim3A : f32 to vector<16xf32>
    %swap3A = arith.constant 0 : i32
    %swap3A_1 = arith.index_cast %swap3A : i32 to index
    %swap3A_2 = arith.constant 0 : index
    %swap3A_3 = tpu.vector_load %arg16[%swap3A_1, %swap3A_2] {strides = array<i32>} : memref<8x128xf32, #tpu.memory_space<vmem>>, vector<16xf32>,
    tpu.vector_store %arg16[%swap3A_1, %swap3A_2], %broadcast_in_dim3A_0 {strides = array<i32>} : memref<8x128xf32, #tpu.memory_space<vmem>>, vector<16xf32>,
    %broadcast_in_dim3A_4 = arith.constant 0.000000e+00 : f32
    %broadcast_in_dim3A_5 = vector.broadcast %broadcast_in_dim3A_4 : f32 to vector<16xf32>
    %swap3A_6 = arith.constant 0 : i32
    %swap3A_7 = arith.index_cast %swap3A_6 : i32 to index
    %swap3A_8 = arith.constant 16 : index
    %swap3A_9 = tpu.vector_load %arg16[%swap3A_7, %swap3A_8] {strides = array<i32>} : memref<8x128xf32, #tpu.memory_space<vmem>>, vector<16xf32>,
    tpu.vector_store %arg16[%swap3A_7, %swap3A_8], %broadcast_in_dim3A_5 {strides = array<i32>} : memref<8x128xf32, #tpu.memory_space<vmem>>, vector<16xf32>,
    %broadcast_in_dim3A_10 = arith.constant 0.000000e+00 : f32
    %broadcast_in_dim3A_11 = vector.broadcast %broadcast_in_dim3A_10 : f32 to vector<16xf32>
    %swap3A_12 = arith.constant 0 : i32
    %swap3A_13 = arith.index_cast %swap3A_12 : i32 to index
    %swap3A_14 = arith.constant 32 : index
    %swap3A_15 = tpu.vector_load %arg16[%swap3A_13, %swap3A_14] {strides = array<i32>} : memref<8x128xf32, #tpu.memory_space<vmem>>, vector<16xf32>,
    tpu.vector_store %arg16[%swap3A_13, %swap3A_14], %broadcast_in_dim3A_11 {strides = array<i32>} : memref<8x128xf32, #tpu.memory_space<vmem>>, vector<16xf32>,
    %broadcast_in_dim3A_16 = arith.constant 0.000000e+00 : f32
    %broadcast_in_dim3A_17 = vector.broadcast %broadcast_in_dim3A_16 : f32 to vector<16xf32>
    %swap3A_18 = arith.constant 0 : i32
    %swap3A_19 = arith.index_cast %swap3A_18 : i32 to index
    %swap3A_20 = arith.constant 48 : index
    %swap3A_21 = tpu.vector_load %arg16[%swap3A_19, %swap3A_20] {strides = array<i32>} : memref<8x128xf32, #tpu.memory_space<vmem>>, vector<16xf32>,
    tpu.vector_store %arg16[%swap3A_19, %swap3A_20], %broadcast_in_dim3A_17 {strides = array<i32>} : memref<8x128xf32, #tpu.memory_space<vmem>>, vector<16xf32>,
    %broadcast_in_dim3A_22 = arith.constant 0.000000e+00 : f32
    %broadcast_in_dim3A_23 = vector.broadcast %broadcast_in_dim3A_22 : f32 to vector<16xf32>
    %swap3A_24 = arith.constant 0 : i32
    %swap3A_25 = arith.index_cast %swap3A_24 : i32 to index
    %swap3A_26 = arith.constant 64 : index
    %swap3A_27 = tpu.vector_load %arg16[%swap3A_25, %swap3A_26] {strides = array<i32>} : memref<8x128xf32, #tpu.memory_space<vmem>>, vector<16xf32>,
    tpu.vector_store %arg16[%swap3A_25, %swap3A_26], %broadcast_in_dim3A_23 {strides = array<i32>} : memref<8x128xf32, #tpu.memory_space<vmem>>, vector<16xf32>,
    %broadcast_in_dim3A_28 = arith.constant 0.000000e+00 : f32
    %broadcast_in_dim3A_29 = vector.broadcast %broadcast_in_dim3A_28 : f32 to vector<16xf32>
    %swap3A_30 = arith.constant 0 : i32
    %swap3A_31 = arith.index_cast %swap3A_30 : i32 to index
    %swap3A_32 = arith.constant 80 : index
    %swap3A_33 = tpu.vector_load %arg16[%swap3A_31, %swap3A_32] {strides = array<i32>} : memref<8x128xf32, #tpu.memory_space<vmem>>, vector<16xf32>,
    tpu.vector_store %arg16[%swap3A_31, %swap3A_32], %broadcast_in_dim3A_29 {strides = array<i32>} : memref<8x128xf32, #tpu.memory_space<vmem>>, vector<16xf32>,
    %broadcast_in_dim3A_34 = arith.constant 0.000000e+00 : f32
    %broadcast_in_dim3A_35 = vector.broadcast %broadcast_in_dim3A_34 : f32 to vector<16xf32>
    %swap3A_36 = arith.constant 0 : i32
    %swap3A_37 = arith.index_cast %swap3A_36 : i32 to index
    %swap3A_38 = arith.constant 96 : index
    %swap3A_39 = tpu.vector_load %arg16[%swap3A_37, %swap3A_38] {strides = array<i32>} : memref<8x128xf32, #tpu.memory_space<vmem>>, vector<16xf32>,
    tpu.vector_store %arg16[%swap3A_37, %swap3A_38], %broadcast_in_dim3A_35 {strides = array<i32>} : memref<8x128xf32, #tpu.memory_space<vmem>>, vector<16xf32>,
    %broadcast_in_dim3A_40 = arith.constant 0.000000e+00 : f32
    %broadcast_in_dim3A_41 = vector.broadcast %broadcast_in_dim3A_40 : f32 to vector<16xf32>
    %swap3A_42 = arith.constant 0 : i32
    %swap3A_43 = arith.index_cast %swap3A_42 : i32 to index
    %swap3A_44 = arith.constant 112 : index
    %swap3A_45 = tpu.vector_load %arg16[%swap3A_43, %swap3A_44] {strides = array<i32>} : memref<8x128xf32, #tpu.memory_space<vmem>>, vector<16xf32>,
    tpu.vector_store %arg16[%swap3A_43, %swap3A_44], %broadcast_in_dim3A_41 {strides = array<i32>} : memref<8x128xf32, #tpu.memory_space<vmem>>, vector<16xf32>,
    %broadcast_in_dim3A_46 = arith.constant 0.000000e+00 : f32
    %broadcast_in_dim3A_47 = vector.broadcast %broadcast_in_dim3A_46 : f32 to vector<16xf32>
    %swap3A_48 = arith.constant 1 : i32
    %swap3A_49 = arith.index_cast %swap3A_48 : i32 to index
    %swap3A_50 = arith.constant 0 : index
    %swap3A_51 = tpu.vector_load %arg16[%swap3A_49, %swap3A_50] {strides = array<i32>} : memref<8x128xf32, #tpu.memory_space<vmem>>, vector<16xf32>,
    tpu.vector_store %arg16[%swap3A_49, %swap3A_50], %broadcast_in_dim3A_47 {strides = array<i32>} : memref<8x128xf32, #tpu.memory_space<vmem>>, vector<16xf32>,
    %broadcast_in_dim3A_52 = arith.constant 0.000000e+00 : f32
    %broadcast_in_dim3A_53 = vector.broadcast %broadcast_in_dim3A_52 : f32 to vector<16xf32>
    %swap3A_54 = arith.constant 1 : i32
    %swap3A_55 = arith.index_cast %swap3A_54 : i32 to index
    %swap3A_56 = arith.constant 16 : index
    %swap3A_57 = tpu.vector_load %arg16[%swap3A_55, %swap3A_56] {strides = array<i32>} : memref<8x128xf32, #tpu.memory_space<vmem>>, vector<16xf32>,
    tpu.vector_store %arg16[%swap3A_55, %swap3A_56], %broadcast_in_dim3A_53 {strides = array<i32>} : memref<8x128xf32, #tpu.memory_space<vmem>>, vector<16xf32>,
    %broadcast_in_dim3A_58 = arith.constant 0.000000e+00 : f32
    %broadcast_in_dim3A_59 = vector.broadcast %broadcast_in_dim3A_58 : f32 to vector<16xf32>
    %swap3A_60 = arith.constant 1 : i32
    %swap3A_61 = arith.index_cast %swap3A_60 : i32 to index
    %swap3A_62 = arith.constant 32 : index
    %swap3A_63 = tpu.vector_load %arg16[%swap3A_61, %swap3A_62] {strides = array<i32>} : memref<8x128xf32, #tpu.memory_space<vmem>>, vector<16xf32>,
    tpu.vector_store %arg16[%swap3A_61, %swap3A_62], %broadcast_in_dim3A_59 {strides = array<i32>} : memref<8x128xf32, #tpu.memory_space<vmem>>, vector<16xf32>,
    %broadcast_in_dim3A_64 = arith.constant 0.000000e+00 : f32
    %broadcast_in_dim3A_65 = vector.broadcast %broadcast_in_dim3A_64 : f32 to vector<16xf32>
    %swap3A_66 = arith.constant 1 : i32
    %swap3A_67 = arith.index_cast %swap3A_66 : i32 to index
    %swap3A_68 = arith.constant 48 : index
    %swap3A_69 = tpu.vector_load %arg16[%swap3A_67, %swap3A_68] {strides = array<i32>} : memref<8x128xf32, #tpu.memory_space<vmem>>, vector<16xf32>,
    tpu.vector_store %arg16[%swap3A_67, %swap3A_68], %broadcast_in_dim3A_65 {strides = array<i32>} : memref<8x128xf32, #tpu.memory_space<vmem>>, vector<16xf32>,
    %broadcast_in_dim3A_70 = arith.constant 0.000000e+00 : f32
    %broadcast_in_dim3A_71 = vector.broadcast %broadcast_in_dim3A_70 : f32 to vector<16xf32>
    %swap3A_72 = arith.constant 1 : i32
    %swap3A_73 = arith.index_cast %swap3A_72 : i32 to index
    %swap3A_74 = arith.constant 64 : index
    %swap3A_75 = tpu.vector_load %arg16[%swap3A_73, %swap3A_74] {strides = array<i32>} : memref<8x128xf32, #tpu.memory_space<vmem>>, vector<16xf32>,
    tpu.vector_store %arg16[%swap3A_73, %swap3A_74], %broadcast_in_dim3A_71 {strides = array<i32>} : memref<8x128xf32, #tpu.memory_space<vmem>>, vector<16xf32>,
    %broadcast_in_dim3A_76 = arith.constant 0.000000e+00 : f32
    %broadcast_in_dim3A_77 = vector.broadcast %broadcast_in_dim3A_76 : f32 to vector<16xf32>
    %swap3A_78 = arith.constant 1 : i32
    %swap3A_79 = arith.index_cast %swap3A_78 : i32 to index
    %swap3A_80 = arith.constant 80 : index
    %swap3A_81 = tpu.vector_load %arg16[%swap3A_79, %swap3A_80] {strides = array<i32>} : memref<8x128xf32, #tpu.memory_space<vmem>>, vector<16xf32>,
    tpu.vector_store %arg16[%swap3A_79, %swap3A_80], %broadcast_in_dim3A_77 {strides = array<i32>} : memref<8x128xf32, #tpu.memory_space<vmem>>, vector<16xf32>,
    %broadcast_in_dim3A_82 = arith.constant 0.000000e+00 : f32
    %broadcast_in_dim3A_83 = vector.broadcast %broadcast_in_dim3A_82 : f32 to vector<16xf32>
    %swap3A_84 = arith.constant 1 : i32
    %swap3A_85 = arith.index_cast %swap3A_84 : i32 to index
    %swap3A_86 = arith.constant 96 : index
    %swap3A_87 = tpu.vector_load %arg16[%swap3A_85, %swap3A_86] {strides = array<i32>} : memref<8x128xf32, #tpu.memory_space<vmem>>, vector<16xf32>,
    tpu.vector_store %arg16[%swap3A_85, %swap3A_86], %broadcast_in_dim3A_83 {strides = array<i32>} : memref<8x128xf32, #tpu.memory_space<vmem>>, vector<16xf32>,
    %broadcast_in_dim3A_88 = arith.constant 0.000000e+00 : f32
    %broadcast_in_dim3A_89 = vector.broadcast %broadcast_in_dim3A_88 : f32 to vector<16xf32>
    %swap3A_90 = arith.constant 1 : i32
    %swap3A_91 = arith.index_cast %swap3A_90 : i32 to index
    %swap3A_92 = arith.constant 112 : index
    %swap3A_93 = tpu.vector_load %arg16[%swap3A_91, %swap3A_92] {strides = array<i32>} : memref<8x128xf32, #tpu.memory_space<vmem>>, vector<16xf32>,
    tpu.vector_store %arg16[%swap3A_91, %swap3A_92], %broadcast_in_dim3A_89 {strides = array<i32>} : memref<8x128xf32, #tpu.memory_space<vmem>>, vector<16xf32>,
    %broadcast_in_dim3A_94 = arith.constant 0.000000e+00 : f32
    %broadcast_in_dim3A_95 = vector.broadcast %broadcast_in_dim3A_94 : f32 to vector<16xf32>
    %swap3A_96 = arith.constant 2 : i32
    %swap3A_97 = arith.index_cast %swap3A_96 : i32 to index
    %swap3A_98 = arith.constant 0 : index
    %swap3A_99 = tpu.vector_load %arg16[%swap3A_97, %swap3A_98] {strides = array<i32>} : memref<8x128xf32, #tpu.memory_space<vmem>>, vector<16xf32>,
    tpu.vector_store %arg16[%swap3A_97, %swap3A_98], %broadcast_in_dim3A_95 {strides = array<i32>} : memref<8x128xf32, #tpu.memory_space<vmem>>, vector<16xf32>,
    %broadcast_in_dim3A_100 = arith.constant 0.000000e+00 : f32
    %broadcast_in_dim3A_101 = vector.broadcast %broadcast_in_dim3A_100 : f32 to vector<16xf32>
    %swap3A_102 = arith.constant 2 : i32
    %swap3A_103 = arith.index_cast %swap3A_102 : i32 to index
    %swap3A_104 = arith.constant 16 : index
    %swap3A_105 = tpu.vector_load %arg16[%swap3A_103, %swap3A_104] {strides = array<i32>} : memref<8x128xf32, #tpu.memory_space<vmem>>, vector<16xf32>,
    tpu.vector_store %arg16[%swap3A_103, %swap3A_104], %broadcast_in_dim3A_101 {strides = array<i32>} : memref<8x128xf32, #tpu.memory_space<vmem>>, vector<16xf32>,
    %broadcast_in_dim3A_106 = arith.constant 0.000000e+00 : f32
    %broadcast_in_dim3A_107 = vector.broadcast %broadcast_in_dim3A_106 : f32 to vector<16xf32>
    %swap3A_108 = arith.constant 2 : i32
    %swap3A_109 = arith.index_cast %swap3A_108 : i32 to index
    %swap3A_110 = arith.constant 32 : index
    %swap3A_111 = tpu.vector_load %arg16[%swap3A_109, %swap3A_110] {strides = array<i32>} : memref<8x128xf32, #tpu.memory_space<vmem>>, vector<16xf32>,
    tpu.vector_store %arg16[%swap3A_109, %swap3A_110], %broadcast_in_dim3A_107 {strides = array<i32>} : memref<8x128xf32, #tpu.memory_space<vmem>>, vector<16xf32>,
    %broadcast_in_dim3A_112 = arith.constant 0.000000e+00 : f32
    %broadcast_in_dim3A_113 = vector.broadcast %broadcast_in_dim3A_112 : f32 to vector<16xf32>
    %swap3A_114 = arith.constant 2 : i32
    %swap3A_115 = arith.index_cast %swap3A_114 : i32 to index
    %swap3A_116 = arith.constant 48 : index
    %swap3A_117 = tpu.vector_load %arg16[%swap3A_115, %swap3A_116] {strides = array<i32>} : memref<8x128xf32, #tpu.memory_space<vmem>>, vector<16xf32>,
    tpu.vector_store %arg16[%swap3A_115, %swap3A_116], %broadcast_in_dim3A_113 {strides = array<i32>} : memref<8x128xf32, #tpu.memory_space<vmem>>, vector<16xf32>,
    %broadcast_in_dim3A_118 = arith.constant 0.000000e+00 : f32
    %broadcast_in_dim3A_119 = vector.broadcast %broadcast_in_dim3A_118 : f32 to vector<16xf32>
    %swap3A_120 = arith.constant 2 : i32
    %swap3A_121 = arith.index_cast %swap3A_120 : i32 to index
    %swap3A_122 = arith.constant 64 : index
    %swap3A_123 = tpu.vector_load %arg16[%swap3A_121, %swap3A_122] {strides = array<i32>} : memref<8x128xf32, #tpu.memory_space<vmem>>, vector<16xf32>,
    tpu.vector_store %arg16[%swap3A_121, %swap3A_122], %broadcast_in_dim3A_119 {strides = array<i32>} : memref<8x128xf32, #tpu.memory_space<vmem>>, vector<16xf32>,
    %broadcast_in_dim3A_124 = arith.constant 0.000000e+00 : f32
    %broadcast_in_dim3A_125 = vector.broadcast %broadcast_in_dim3A_124 : f32 to vector<16xf32>
    %swap3A_126 = arith.constant 2 : i32
    %swap3A_127 = arith.index_cast %swap3A_126 : i32 to index
    %swap3A_128 = arith.constant 80 : index
    %swap3A_129 = tpu.vector_load %arg16[%swap3A_127, %swap3A_128] {strides = array<i32>} : memref<8x128xf32, #tpu.memory_space<vmem>>, vector<16xf32>,
    tpu.vector_store %arg16[%swap3A_127, %swap3A_128], %broadcast_in_dim3A_125 {strides = array<i32>} : memref<8x128xf32, #tpu.memory_space<vmem>>, vector<16xf32>,
    %broadcast_in_dim3A_130 = arith.constant 0.000000e+00 : f32
    %broadcast_in_dim3A_131 = vector.broadcast %broadcast_in_dim3A_130 : f32 to vector<16xf32>
    %swap3A_132 = arith.constant 2 : i32
    %swap3A_133 = arith.index_cast %swap3A_132 : i32 to index
    %swap3A_134 = arith.constant 96 : index
    %swap3A_135 = tpu.vector_load %arg16[%swap3A_133, %swap3A_134] {strides = array<i32>} : memref<8x128xf32, #tpu.memory_space<vmem>>, vector<16xf32>,
    tpu.vector_store %arg16[%swap3A_133, %swap3A_134], %broadcast_in_dim3A_131 {strides = array<i32>} : memref<8x128xf32, #tpu.memory_space<vmem>>, vector<16xf32>,
    %broadcast_in_dim3A_136 = arith.constant 0.000000e+00 : f32
    %broadcast_in_dim3A_137 = vector.broadcast %broadcast_in_dim3A_136 : f32 to vector<16xf32>
    %swap3A_138 = arith.constant 2 : i32
    %swap3A_139 = arith.index_cast %swap3A_138 : i32 to index
    %swap3A_140 = arith.constant 112 : index
    %swap3A_141 = tpu.vector_load %arg16[%swap3A_139, %swap3A_140] {strides = array<i32>} : memref<8x128xf32, #tpu.memory_space<vmem>>, vector<16xf32>,
    tpu.vector_store %arg16[%swap3A_139, %swap3A_140], %broadcast_in_dim3A_137 {strides = array<i32>} : memref<8x128xf32, #tpu.memory_space<vmem>>, vector<16xf32>,
    %broadcast_in_dim3A_142 = arith.constant 0.000000e+00 : f32
    %broadcast_in_dim3A_143 = vector.broadcast %broadcast_in_dim3A_142 : f32 to vector<16xf32>
    %swap3A_144 = arith.constant 3 : i32
    %swap3A_145 = arith.index_cast %swap3A_144 : i32 to index
    %swap3A_146 = arith.constant 0 : index
    %swap3A_147 = tpu.vector_load %arg16[%swap3A_145, %swap3A_146] {strides = array<i32>} : memref<8x128xf32, #tpu.memory_space<vmem>>, vector<16xf32>,
    tpu.vector_store %arg16[%swap3A_145, %swap3A_146], %broadcast_in_dim3A_143 {strides = array<i32>} : memref<8x128xf32, #tpu.memory_space<vmem>>, vector<16xf32>,
    %broadcast_in_dim3A_148 = arith.constant 0.000000e+00 : f32
    %broadcast_in_dim3A_149 = vector.broadcast %broadcast_in_dim3A_148 : f32 to vector<16xf32>
    %swap3A_150 = arith.constant 3 : i32
    %swap3A_151 = arith.index_cast %swap3A_150 : i32 to index
    %swap3A_152 = arith.constant 16 : index
    %swap3A_153 = tpu.vector_load %arg16[%swap3A_151, %swap3A_152] {strides = array<i32>} : memref<8x128xf32, #tpu.memory_space<vmem>>, vector<16xf32>,
    tpu.vector_store %arg16[%swap3A_151, %swap3A_152], %broadcast_in_dim3A_149 {strides = array<i32>} : memref<8x128xf32, #tpu.memory_space<vmem>>, vector<16xf32>,
    %broadcast_in_dim3A_154 = arith.constant 0.000000e+00 : f32
    %broadcast_in_dim3A_155 = vector.broadcast %broadcast_in_dim3A_154 : f32 to vector<16xf32>
    %swap3A_156 = arith.constant 3 : i32
    %swap3A_157 = arith.index_cast %swap3A_156 : i32 to index
    %swap3A_158 = arith.constant 32 : index
    %swap3A_159 = tpu.vector_load %arg16[%swap3A_157, %swap3A_158] {strides = array<i32>} : memref<8x128xf32, #tpu.memory_space<vmem>>, vector<16xf32>,
    tpu.vector_store %arg16[%swap3A_157, %swap3A_158], %broadcast_in_dim3A_155 {strides = array<i32>} : memref<8x128xf32, #tpu.memory_space<vmem>>, vector<16xf32>,
    %broadcast_in_dim3A_160 = arith.constant 0.000000e+00 : f32
    %broadcast_in_dim3A_161 = vector.broadcast %broadcast_in_dim3A_160 : f32 to vector<16xf32>
    %swap3A_162 = arith.constant 3 : i32
    %swap3A_163 = arith.index_cast %swap3A_162 : i32 to index
    %swap3A_164 = arith.constant 48 : index
    %swap3A_165 = tpu.vector_load %arg16[%swap3A_163, %swap3A_164] {strides = array<i32>} : memref<8x128xf32, #tpu.memory_space<vmem>>, vector<16xf32>,
    tpu.vector_store %arg16[%swap3A_163, %swap3A_164], %broadcast_in_dim3A_161 {strides = array<i32>} : memref<8x128xf32, #tpu.memory_space<vmem>>, vector<16xf32>,
    %broadcast_in_dim3A_166 = arith.constant 0.000000e+00 : f32
    %broadcast_in_dim3A_167 = vector.broadcast %broadcast_in_dim3A_166 : f32 to vector<16xf32>
    %swap3A_168 = arith.constant 3 : i32
    %swap3A_169 = arith.index_cast %swap3A_168 : i32 to index
    %swap3A_170 = arith.constant 64 : index
    %swap3A_171 = tpu.vector_load %arg16[%swap3A_169, %swap3A_170] {strides = array<i32>} : memref<8x128xf32, #tpu.memory_space<vmem>>, vector<16xf32>,
    tpu.vector_store %arg16[%swap3A_169, %swap3A_170], %broadcast_in_dim3A_167 {strides = array<i32>} : memref<8x128xf32, #tpu.memory_space<vmem>>, vector<16xf32>,
    %broadcast_in_dim3A_172 = arith.constant 0.000000e+00 : f32
    %broadcast_in_dim3A_173 = vector.broadcast %broadcast_in_dim3A_172 : f32 to vector<16xf32>
    %swap3A_174 = arith.constant 3 : i32
    %swap3A_175 = arith.index_cast %swap3A_174 : i32 to index
    %swap3A_176 = arith.constant 80 : index
    %swap3A_177 = tpu.vector_load %arg16[%swap3A_175, %swap3A_176] {strides = array<i32>} : memref<8x128xf32, #tpu.memory_space<vmem>>, vector<16xf32>,
    tpu.vector_store %arg16[%swap3A_175, %swap3A_176], %broadcast_in_dim3A_173 {strides = array<i32>} : memref<8x128xf32, #tpu.memory_space<vmem>>, vector<16xf32>,
    %broadcast_in_dim3A_178 = arith.constant 0.000000e+00 : f32
    %broadcast_in_dim3A_179 = vector.broadcast %broadcast_in_dim3A_178 : f32 to vector<16xf32>
    %swap3A_180 = arith.constant 3 : i32
    %swap3A_181 = arith.index_cast %swap3A_180 : i32 to index
    %swap3A_182 = arith.constant 96 : index
    %swap3A_183 = tpu.vector_load %arg16[%swap3A_181, %swap3A_182] {strides = array<i32>} : memref<8x128xf32, #tpu.memory_space<vmem>>, vector<16xf32>,
    tpu.vector_store %arg16[%swap3A_181, %swap3A_182], %broadcast_in_dim3A_179 {strides = array<i32>} : memref<8x128xf32, #tpu.memory_space<vmem>>, vector<16xf32>,
    %broadcast_in_dim3A_184 = arith.constant 0.000000e+00 : f32
    %broadcast_in_dim3A_185 = vector.broadcast %broadcast_in_dim3A_184 : f32 to vector<16xf32>
    %swap3A_186 = arith.constant 3 : i32
    %swap3A_187 = arith.index_cast %swap3A_186 : i32 to index
    %swap3A_188 = arith.constant 112 : index
    %swap3A_189 = tpu.vector_load %arg16[%swap3A_187, %swap3A_188] {strides = array<i32>} : memref<8x128xf32, #tpu.memory_space<vmem>>, vector<16xf32>,
    tpu.vector_store %arg16[%swap3A_187, %swap3A_188], %broadcast_in_dim3A_185 {strides = array<i32>} : memref<8x128xf32, #tpu.memory_space<vmem>>, vector<16xf32>,
    %broadcast_in_dim3A_190 = arith.constant 0.000000e+00 : f32
    %broadcast_in_dim3A_191 = vector.broadcast %broadcast_in_dim3A_190 : f32 to vector<16xf32>
    %swap3A_192 = arith.constant 4 : i32
    %swap3A_193 = arith.index_cast %swap3A_192 : i32 to index
    %swap3A_194 = arith.constant 0 : index
    %swap3A_195 = tpu.vector_load %arg16[%swap3A_193, %swap3A_194] {strides = array<i32>} : memref<8x128xf32, #tpu.memory_space<vmem>>, vector<16xf32>,
    tpu.vector_store %arg16[%swap3A_193, %swap3A_194], %broadcast_in_dim3A_191 {strides = array<i32>} : memref<8x128xf32, #tpu.memory_space<vmem>>, vector<16xf32>,
    %broadcast_in_dim3A_196 = arith.constant 0.000000e+00 : f32
    %broadcast_in_dim3A_197 = vector.broadcast %broadcast_in_dim3A_196 : f32 to vector<16xf32>
    %swap3A_198 = arith.constant 4 : i32
    %swap3A_199 = arith.index_cast %swap3A_198 : i32 to index
    %swap3A_200 = arith.constant 16 : index
    %swap3A_201 = tpu.vector_load %arg16[%swap3A_199, %swap3A_200] {strides = array<i32>} : memref<8x128xf32, #tpu.memory_space<vmem>>, vector<16xf32>,
    tpu.vector_store %arg16[%swap3A_199, %swap3A_200], %broadcast_in_dim3A_197 {strides = array<i32>} : memref<8x128xf32, #tpu.memory_space<vmem>>, vector<16xf32>,
    %broadcast_in_dim3A_202 = arith.constant 0.000000e+00 : f32
    %broadcast_in_dim3A_203 = vector.broadcast %broadcast_in_dim3A_202 : f32 to vector<16xf32>
    %swap3A_204 = arith.constant 4 : i32
    %swap3A_205 = arith.index_cast %swap3A_204 : i32 to index
    %swap3A_206 = arith.constant 32 : index
    %swap3A_207 = tpu.vector_load %arg16[%swap3A_205, %swap3A_206] {strides = array<i32>} : memref<8x128xf32, #tpu.memory_space<vmem>>, vector<16xf32>,
    tpu.vector_store %arg16[%swap3A_205, %swap3A_206], %broadcast_in_dim3A_203 {strides = array<i32>} : memref<8x128xf32, #tpu.memory_space<vmem>>, vector<16xf32>,
    %broadcast_in_dim3A_208 = arith.constant 0.000000e+00 : f32
    %broadcast_in_dim3A_209 = vector.broadcast %broadcast_in_dim3A_208 : f32 to vector<16xf32>
    %swap3A_210 = arith.constant 4 : i32
    %swap3A_211 = arith.index_cast %swap3A_210 : i32 to index
    %swap3A_212 = arith.constant 48 : index
    %swap3A_213 = tpu.vector_load %arg16[%swap3A_211, %swap3A_212] {strides = array<i32>} : memref<8x128xf32, #tpu.memory_space<vmem>>, vector<16xf32>,
    tpu.vector_store %arg16[%swap3A_211, %swap3A_212], %broadcast_in_dim3A_209 {strides = array<i32>} : memref<8x128xf32, #tpu.memory_space<vmem>>, vector<16xf32>,
    %broadcast_in_dim3A_214 = arith.constant 0.000000e+00 : f32
    %broadcast_in_dim3A_215 = vector.broadcast %broadcast_in_dim3A_214 : f32 to vector<16xf32>
    %swap3A_216 = arith.constant 4 : i32
    %swap3A_217 = arith.index_cast %swap3A_216 : i32 to index
    %swap3A_218 = arith.constant 64 : index
    %swap3A_219 = tpu.vector_load %arg16[%swap3A_217, %swap3A_218] {strides = array<i32>} : memref<8x128xf32, #tpu.memory_space<vmem>>, vector<16xf32>,
    tpu.vector_store %arg16[%swap3A_217, %swap3A_218], %broadcast_in_dim3A_215 {strides = array<i32>} : memref<8x128xf32, #tpu.memory_space<vmem>>, vector<16xf32>,
    %broadcast_in_dim3A_220 = arith.constant 0.000000e+00 : f32
    %broadcast_in_dim3A_221 = vector.broadcast %broadcast_in_dim3A_220 : f32 to vector<16xf32>
    %swap3A_222 = arith.constant 4 : i32
    %swap3A_223 = arith.index_cast %swap3A_222 : i32 to index
    %swap3A_224 = arith.constant 80 : index
    %swap3A_225 = tpu.vector_load %arg16[%swap3A_223, %swap3A_224] {strides = array<i32>} : memref<8x128xf32, #tpu.memory_space<vmem>>, vector<16xf32>,
    tpu.vector_store %arg16[%swap3A_223, %swap3A_224], %broadcast_in_dim3A_221 {strides = array<i32>} : memref<8x128xf32, #tpu.memory_space<vmem>>, vector<16xf32>,
    %broadcast_in_dim3A_226 = arith.constant 0.000000e+00 : f32
    %broadcast_in_dim3A_227 = vector.broadcast %broadcast_in_dim3A_226 : f32 to vector<16xf32>
    %swap3A_228 = arith.constant 4 : i32
    %swap3A_229 = arith.index_cast %swap3A_228 : i32 to index
    %swap3A_230 = arith.constant 96 : index
    %swap3A_231 = tpu.vector_load %arg16[%swap3A_229, %swap3A_230] {strides = array<i32>} : memref<8x128xf32, #tpu.memory_space<vmem>>, vector<16xf32>,
    tpu.vector_store %arg16[%swap3A_229, %swap3A_230], %broadcast_in_dim3A_227 {strides = array<i32>} : memref<8x128xf32, #tpu.memory_space<vmem>>, vector<16xf32>,
    %broadcast_in_dim3A_232 = arith.constant 0.000000e+00 : f32
    %broadcast_in_dim3A_233 = vector.broadcast %broadcast_in_dim3A_232 : f32 to vector<16xf32>
    %swap3A_234 = arith.constant 4 : i32
    %swap3A_235 = arith.index_cast %swap3A_234 : i32 to index
    %swap3A_236 = arith.constant 112 : index
    %swap3A_237 = tpu.vector_load %arg16[%swap3A_235, %swap3A_236] {strides = array<i32>} : memref<8x128xf32, #tpu.memory_space<vmem>>, vector<16xf32>,
    tpu.vector_store %arg16[%swap3A_235, %swap3A_236], %broadcast_in_dim3A_233 {strides = array<i32>} : memref<8x128xf32, #tpu.memory_space<vmem>>, vector<16xf32>,
    %broadcast_in_dim3A_238 = arith.constant 0.000000e+00 : f32
    %broadcast_in_dim3A_239 = vector.broadcast %broadcast_in_dim3A_238 : f32 to vector<16xf32>
    %swap3A_240 = arith.constant 5 : i32
    %swap3A_241 = arith.index_cast %swap3A_240 : i32 to index
    %swap3A_242 = arith.constant 0 : index
    %swap3A_243 = tpu.vector_load %arg16[%swap3A_241, %swap3A_242] {strides = array<i32>} : memref<8x128xf32, #tpu.memory_space<vmem>>, vector<16xf32>,
    tpu.vector_store %arg16[%swap3A_241, %swap3A_242], %broadcast_in_dim3A_239 {strides = array<i32>} : memref<8x128xf32, #tpu.memory_space<vmem>>, vector<16xf32>,
    %broadcast_in_dim3A_244 = arith.constant 0.000000e+00 : f32
    %broadcast_in_dim3A_245 = vector.broadcast %broadcast_in_dim3A_244 : f32 to vector<16xf32>
    %swap3A_246 = arith.constant 5 : i32
    %swap3A_247 = arith.index_cast %swap3A_246 : i32 to index
    %swap3A_248 = arith.constant 16 : index
    %swap3A_249 = tpu.vector_load %arg16[%swap3A_247, %swap3A_248] {strides = array<i32>} : memref<8x128xf32, #tpu.memory_space<vmem>>, vector<16xf32>,
    tpu.vector_store %arg16[%swap3A_247, %swap3A_248], %broadcast_in_dim3A_245 {strides = array<i32>} : memref<8x128xf32, #tpu.memory_space<vmem>>, vector<16xf32>,
    %broadcast_in_dim3A_250 = arith.constant 0.000000e+00 : f32
    %broadcast_in_dim3A_251 = vector.broadcast %broadcast_in_dim3A_250 : f32 to vector<16xf32>
    %swap3A_252 = arith.constant 5 : i32
    %swap3A_253 = arith.index_cast %swap3A_252 : i32 to index
    %swap3A_254 = arith.constant 32 : index
    %swap3A_255 = tpu.vector_load %arg16[%swap3A_253, %swap3A_254] {strides = array<i32>} : memref<8x128xf32, #tpu.memory_space<vmem>>, vector<16xf32>,
    tpu.vector_store %arg16[%swap3A_253, %swap3A_254], %broadcast_in_dim3A_251 {strides = array<i32>} : memref<8x128xf32, #tpu.memory_space<vmem>>, vector<16xf32>,
    %broadcast_in_dim3A_256 = arith.constant 0.000000e+00 : f32
    %broadcast_in_dim3A_257 = vector.broadcast %broadcast_in_dim3A_256 : f32 to vector<16xf32>
    %swap3A_258 = arith.constant 5 : i32
    %swap3A_259 = arith.index_cast %swap3A_258 : i32 to index
    %swap3A_260 = arith.constant 48 : index
    %swap3A_261 = tpu.vector_load %arg16[%swap3A_259, %swap3A_260] {strides = array<i32>} : memref<8x128xf32, #tpu.memory_space<vmem>>, vector<16xf32>,
    tpu.vector_store %arg16[%swap3A_259, %swap3A_260], %broadcast_in_dim3A_257 {strides = array<i32>} : memref<8x128xf32, #tpu.memory_space<vmem>>, vector<16xf32>,
    %broadcast_in_dim3A_262 = arith.constant 0.000000e+00 : f32
    %broadcast_in_dim3A_263 = vector.broadcast %broadcast_in_dim3A_262 : f32 to vector<16xf32>
    %swap3A_264 = arith.constant 5 : i32
    %swap3A_265 = arith.index_cast %swap3A_264 : i32 to index
    %swap3A_266 = arith.constant 64 : index
    %swap3A_267 = tpu.vector_load %arg16[%swap3A_265, %swap3A_266] {strides = array<i32>} : memref<8x128xf32, #tpu.memory_space<vmem>>, vector<16xf32>,
    tpu.vector_store %arg16[%swap3A_265, %swap3A_266], %broadcast_in_dim3A_263 {strides = array<i32>} : memref<8x128xf32, #tpu.memory_space<vmem>>, vector<16xf32>,
    %broadcast_in_dim3A_268 = arith.constant 0.000000e+00 : f32
    %broadcast_in_dim3A_269 = vector.broadcast %broadcast_in_dim3A_268 : f32 to vector<16xf32>
    %swap3A_270 = arith.constant 5 : i32
    %swap3A_271 = arith.index_cast %swap3A_270 : i32 to index
    %swap3A_272 = arith.constant 80 : index
    %swap3A_273 = tpu.vector_load %arg16[%swap3A_271, %swap3A_272] {strides = array<i32>} : memref<8x128xf32, #tpu.memory_space<vmem>>, vector<16xf32>,
    tpu.vector_store %arg16[%swap3A_271, %swap3A_272], %broadcast_in_dim3A_269 {strides = array<i32>} : memref<8x128xf32, #tpu.memory_space<vmem>>, vector<16xf32>,
    %broadcast_in_dim3A_274 = arith.constant 0.000000e+00 : f32
    %broadcast_in_dim3A_275 = vector.broadcast %broadcast_in_dim3A_274 : f32 to vector<16xf32>
    %swap3A_276 = arith.constant 5 : i32
    %swap3A_277 = arith.index_cast %swap3A_276 : i32 to index
    %swap3A_278 = arith.constant 96 : index
    %swap3A_279 = tpu.vector_load %arg16[%swap3A_277, %swap3A_278] {strides = array<i32>} : memref<8x128xf32, #tpu.memory_space<vmem>>, vector<16xf32>,
    tpu.vector_store %arg16[%swap3A_277, %swap3A_278], %broadcast_in_dim3A_275 {strides = array<i32>} : memref<8x128xf32, #tpu.memory_space<vmem>>, vector<16xf32>,
    %broadcast_in_dim3A_280 = arith.constant 0.000000e+00 : f32
    %broadcast_in_dim3A_281 = vector.broadcast %broadcast_in_dim3A_280 : f32 to vector<16xf32>
    %swap3A_282 = arith.constant 5 : i32
    %swap3A_283 = arith.index_cast %swap3A_282 : i32 to index
    %swap3A_284 = arith.constant 112 : index
    %swap3A_285 = tpu.vector_load %arg16[%swap3A_283, %swap3A_284] {strides = array<i32>} : memref<8x128xf32, #tpu.memory_space<vmem>>, vector<16xf32>,
    tpu.vector_store %arg16[%swap3A_283, %swap3A_284], %broadcast_in_dim3A_281 {strides = array<i32>} : memref<8x128xf32, #tpu.memory_space<vmem>>, vector<16xf32>,
    %broadcast_in_dim3A_286 = arith.constant 0.000000e+00 : f32
    %broadcast_in_dim3A_287 = vector.broadcast %broadcast_in_dim3A_286 : f32 to vector<16xf32>
    %swap3A_288 = arith.constant 6 : i32
    %swap3A_289 = arith.index_cast %swap3A_288 : i32 to index
    %swap3A_290 = arith.constant 0 : index
    %swap3A_291 = tpu.vector_load %arg16[%swap3A_289, %swap3A_290] {strides = array<i32>} : memref<8x128xf32, #tpu.memory_space<vmem>>, vector<16xf32>,
    tpu.vector_store %arg16[%swap3A_289, %swap3A_290], %broadcast_in_dim3A_287 {strides = array<i32>} : memref<8x128xf32, #tpu.memory_space<vmem>>, vector<16xf32>,
    %broadcast_in_dim3A_292 = arith.constant 0.000000e+00 : f32
    %broadcast_in_dim3A_293 = vector.broadcast %broadcast_in_dim3A_292 : f32 to vector<16xf32>
    %swap3A_294 = arith.constant 6 : i32
    %swap3A_295 = arith.index_cast %swap3A_294 : i32 to index
    %swap3A_296 = arith.constant 16 : index
    %swap3A_297 = tpu.vector_load %arg16[%swap3A_295, %swap3A_296] {strides = array<i32>} : memref<8x128xf32, #tpu.memory_space<vmem>>, vector<16xf32>,
    tpu.vector_store %arg16[%swap3A_295, %swap3A_296], %broadcast_in_dim3A_293 {strides = array<i32>} : memref<8x128xf32, #tpu.memory_space<vmem>>, vector<16xf32>,
    %broadcast_in_dim3A_298 = arith.constant 0.000000e+00 : f32
    %broadcast_in_dim3A_299 = vector.broadcast %broadcast_in_dim3A_298 : f32 to vector<16xf32>
    %swap3A_300 = arith.constant 6 : i32
    %swap3A_301 = arith.index_cast %swap3A_300 : i32 to index
    %swap3A_302 = arith.constant 32 : index
    %swap3A_303 = tpu.vector_load %arg16[%swap3A_301, %swap3A_302] {strides = array<i32>} : memref<8x128xf32, #tpu.memory_space<vmem>>, vector<16xf32>,
    tpu.vector_store %arg16[%swap3A_301, %swap3A_302], %broadcast_in_dim3A_299 {strides = array<i32>} : memref<8x128xf32, #tpu.memory_space<vmem>>, vector<16xf32>,
    %broadcast_in_dim3A_304 = arith.constant 0.000000e+00 : f32
    %broadcast_in_dim3A_305 = vector.broadcast %broadcast_in_dim3A_304 : f32 to vector<16xf32>
    %swap3A_306 = arith.constant 6 : i32
    %swap3A_307 = arith.index_cast %swap3A_306 : i32 to index
    %swap3A_308 = arith.constant 48 : index
    %swap3A_309 = tpu.vector_load %arg16[%swap3A_307, %swap3A_308] {strides = array<i32>} : memref<8x128xf32, #tpu.memory_space<vmem>>, vector<16xf32>,
    tpu.vector_store %arg16[%swap3A_307, %swap3A_308], %broadcast_in_dim3A_305 {strides = array<i32>} : memref<8x128xf32, #tpu.memory_space<vmem>>, vector<16xf32>,
    %broadcast_in_dim3A_310 = arith.constant 0.000000e+00 : f32
    %broadcast_in_dim3A_311 = vector.broadcast %broadcast_in_dim3A_310 : f32 to vector<16xf32>
    %swap3A_312 = arith.constant 6 : i32
    %swap3A_313 = arith.index_cast %swap3A_312 : i32 to index
    %swap3A_314 = arith.constant 64 : index
    %swap3A_315 = tpu.vector_load %arg16[%swap3A_313, %swap3A_314] {strides = array<i32>} : memref<8x128xf32, #tpu.memory_space<vmem>>, vector<16xf32>,
    tpu.vector_store %arg16[%swap3A_313, %swap3A_314], %broadcast_in_dim3A_311 {strides = array<i32>} : memref<8x128xf32, #tpu.memory_space<vmem>>, vector<16xf32>,
    %broadcast_in_dim3A_316 = arith.constant 0.000000e+00 : f32
    %broadcast_in_dim3A_317 = vector.broadcast %broadcast_in_dim3A_316 : f32 to vector<16xf32>
    %swap3A_318 = arith.constant 6 : i32
    %swap3A_319 = arith.index_cast %swap3A_318 : i32 to index
    %swap3A_320 = arith.constant 80 : index
    %swap3A_321 = tpu.vector_load %arg16[%swap3A_319, %swap3A_320] {strides = array<i32>} : memref<8x128xf32, #tpu.memory_space<vmem>>, vector<16xf32>,
    tpu.vector_store %arg16[%swap3A_319, %swap3A_320], %broadcast_in_dim3A_317 {strides = array<i32>} : memref<8x128xf32, #tpu.memory_space<vmem>>, vector<16xf32>,
    %broadcast_in_dim3A_322 = arith.constant 0.000000e+00 : f32
    %broadcast_in_dim3A_323 = vector.broadcast %broadcast_in_dim3A_322 : f32 to vector<16xf32>
    %swap3A_324 = arith.constant 6 : i32
    %swap3A_325 = arith.index_cast %swap3A_324 : i32 to index
    %swap3A_326 = arith.constant 96 : index
    %swap3A_327 = tpu.vector_load %arg16[%swap3A_325, %swap3A_326] {strides = array<i32>} : memref<8x128xf32, #tpu.memory_space<vmem>>, vector<16xf32>,
    tpu.vector_store %arg16[%swap3A_325, %swap3A_326], %broadcast_in_dim3A_323 {strides = array<i32>} : memref<8x128xf32, #tpu.memory_space<vmem>>, vector<16xf32>,
    %broadcast_in_dim3A_328 = arith.constant 0.000000e+00 : f32
    %broadcast_in_dim3A_329 = vector.broadcast %broadcast_in_dim3A_328 : f32 to vector<16xf32>
    %swap3A_330 = arith.constant 6 : i32
    %swap3A_331 = arith.index_cast %swap3A_330 : i32 to index
    %swap3A_332 = arith.constant 112 : index
    %swap3A_333 = tpu.vector_load %arg16[%swap3A_331, %swap3A_332] {strides = array<i32>} : memref<8x128xf32, #tpu.memory_space<vmem>>, vector<16xf32>,
    tpu.vector_store %arg16[%swap3A_331, %swap3A_332], %broadcast_in_dim3A_329 {strides = array<i32>} : memref<8x128xf32, #tpu.memory_space<vmem>>, vector<16xf32>,
    %broadcast_in_dim3A_334 = arith.constant 0.000000e+00 : f32
    %broadcast_in_dim3A_335 = vector.broadcast %broadcast_in_dim3A_334 : f32 to vector<16xf32>
    %swap3A_336 = arith.constant 7 : i32
    %swap3A_337 = arith.index_cast %swap3A_336 : i32 to index
    %swap3A_338 = arith.constant 0 : index
    %swap3A_339 = tpu.vector_load %arg16[%swap3A_337, %swap3A_338] {strides = array<i32>} : memref<8x128xf32, #tpu.memory_space<vmem>>, vector<16xf32>,
    tpu.vector_store %arg16[%swap3A_337, %swap3A_338], %broadcast_in_dim3A_335 {strides = array<i32>} : memref<8x128xf32, #tpu.memory_space<vmem>>, vector<16xf32>,
    %broadcast_in_dim3A_340 = arith.constant 0.000000e+00 : f32
    %broadcast_in_dim3A_341 = vector.broadcast %broadcast_in_dim3A_340 : f32 to vector<16xf32>
    %swap3A_342 = arith.constant 7 : i32
    %swap3A_343 = arith.index_cast %swap3A_342 : i32 to index
    %swap3A_344 = arith.constant 16 : index
    %swap3A_345 = tpu.vector_load %arg16[%swap3A_343, %swap3A_344] {strides = array<i32>} : memref<8x128xf32, #tpu.memory_space<vmem>>, vector<16xf32>,
    tpu.vector_store %arg16[%swap3A_343, %swap3A_344], %broadcast_in_dim3A_341 {strides = array<i32>} : memref<8x128xf32, #tpu.memory_space<vmem>>, vector<16xf32>,
    %broadcast_in_dim3A_346 = arith.constant 0.000000e+00 : f32
    %broadcast_in_dim3A_347 = vector.broadcast %broadcast_in_dim3A_346 : f32 to vector<16xf32>
    %swap3A_348 = arith.constant 7 : i32
    %swap3A_349 = arith.index_cast %swap3A_348 : i32 to index
    %swap3A_350 = arith.constant 32 : index
    %swap3A_351 = tpu.vector_load %arg16[%swap3A_349, %swap3A_350] {strides = array<i32>} : memref<8x128xf32, #tpu.memory_space<vmem>>, vector<16xf32>,
    tpu.vector_store %arg16[%swap3A_349, %swap3A_350], %broadcast_in_dim3A_347 {strides = array<i32>} : memref<8x128xf32, #tpu.memory_space<vmem>>, vector<16xf32>,
    %broadcast_in_dim3A_352 = arith.constant 0.000000e+00 : f32
    %broadcast_in_dim3A_353 = vector.broadcast %broadcast_in_dim3A_352 : f32 to vector<16xf32>
    %swap3A_354 = arith.constant 7 : i32
    %swap3A_355 = arith.index_cast %swap3A_354 : i32 to index
    %swap3A_356 = arith.constant 48 : index
    %swap3A_357 = tpu.vector_load %arg16[%swap3A_355, %swap3A_356] {strides = array<i32>} : memref<8x128xf32, #tpu.memory_space<vmem>>, vector<16xf32>,
    tpu.vector_store %arg16[%swap3A_355, %swap3A_356], %broadcast_in_dim3A_353 {strides = array<i32>} : memref<8x128xf32, #tpu.memory_space<vmem>>, vector<16xf32>,
    %broadcast_in_dim3A_358 = arith.constant 0.000000e+00 : f32
    %broadcast_in_dim3A_359 = vector.broadcast %broadcast_in_dim3A_358 : f32 to vector<16xf32>
    %swap3A_360 = arith.constant 7 : i32
    %swap3A_361 = arith.index_cast %swap3A_360 : i32 to index
    %swap3A_362 = arith.constant 64 : index
    %swap3A_363 = tpu.vector_load %arg16[%swap3A_361, %swap3A_362] {strides = array<i32>} : memref<8x128xf32, #tpu.memory_space<vmem>>, vector<16xf32>,
    tpu.vector_store %arg16[%swap3A_361, %swap3A_362], %broadcast_in_dim3A_359 {strides = array<i32>} : memref<8x128xf32, #tpu.memory_space<vmem>>, vector<16xf32>,
    %broadcast_in_dim3A_364 = arith.constant 0.000000e+00 : f32
    %broadcast_in_dim3A_365 = vector.broadcast %broadcast_in_dim3A_364 : f32 to vector<16xf32>
    %swap3A_366 = arith.constant 7 : i32
    %swap3A_367 = arith.index_cast %swap3A_366 : i32 to index
    %swap3A_368 = arith.constant 80 : index
    %swap3A_369 = tpu.vector_load %arg16[%swap3A_367, %swap3A_368] {strides = array<i32>} : memref<8x128xf32, #tpu.memory_space<vmem>>, vector<16xf32>,
    tpu.vector_store %arg16[%swap3A_367, %swap3A_368], %broadcast_in_dim3A_365 {strides = array<i32>} : memref<8x128xf32, #tpu.memory_space<vmem>>, vector<16xf32>,
    %broadcast_in_dim3A_370 = arith.constant 0.000000e+00 : f32
    %broadcast_in_dim3A_371 = vector.broadcast %broadcast_in_dim3A_370 : f32 to vector<16xf32>
    %swap3A_372 = arith.constant 7 : i32
    %swap3A_373 = arith.index_cast %swap3A_372 : i32 to index
    %swap3A_374 = arith.constant 96 : index
    %swap3A_375 = tpu.vector_load %arg16[%swap3A_373, %swap3A_374] {strides = array<i32>} : memref<8x128xf32, #tpu.memory_space<vmem>>, vector<16xf32>,
    tpu.vector_store %arg16[%swap3A_373, %swap3A_374], %broadcast_in_dim3A_371 {strides = array<i32>} : memref<8x128xf32, #tpu.memory_space<vmem>>, vector<16xf32>,
    %broadcast_in_dim3A_376 = arith.constant 0.000000e+00 : f32
    %broadcast_in_dim3A_377 = vector.broadcast %broadcast_in_dim3A_376 : f32 to vector<16xf32>
    %swap3A_378 = arith.constant 7 : i32
    %swap3A_379 = arith.index_cast %swap3A_378 : i32 to index
    %swap3A_380 = arith.constant 112 : index
    %swap3A_381 = tpu.vector_load %arg16[%swap3A_379, %swap3A_380] {strides = array<i32>} : memref<8x128xf32, #tpu.memory_space<vmem>>, vector<16xf32>,
    tpu.vector_store %arg16[%swap3A_379, %swap3A_380], %broadcast_in_dim3A_377 {strides = array<i32>} : memref<8x128xf32, #tpu.memory_space<vmem>>, vector<16xf32>,
    %scan3A = arith.constant 0 : i32
    %scan3A_382 = arith.constant 80 : i32
    %scan3A_383 = arith.addi %scan3A, %scan3A_382 : i32
    %scan3A_384 = arith.constant 1 : i32
    scf.for %scan3A_429 = %scan3A to %scan3A_383 step %scan3A_384  : i32 {
      %mul3A_430 = arith.constant 8 : i32
      %mul3A_431 = arith.muli %scan3A_429, %mul3A_430 : i32
      %add3A_432 = arith.constant 0 : i32
      %add3A_433 = arith.addi %add3A_432, %mul3A_431 : i32
      %mul3A_434 = arith.constant 640 : i32
      %mul3A_435 = arith.muli %arg1, %mul3A_434 : i32
      %add3A_436 = arith.addi %mul3A_435, %add3A_433 : i32
      "tpu.region"() ({
        %run_scoped3A = tpu.sem_alloc : memref<!tpu.dma_semaphore, #tpu.memory_space<semaphore_mem>>
        %dma_start3A_437 = arith.constant 0 : i32
        %dma_start3A_438 = tpu.memref_slice %arg17[%add3A_436, %dma_start3A_437] : memref<10240x128xf32, #tpu.memory_space<vmem_shared>> -> memref<8x128xf32, #tpu.memory_space<vmem_shared>>
        %dma_start3A_439 = arith.constant 0 : i32
        %dma_start3A_440 = tpu.memref_slice %arg17[%add3A_436, %dma_start3A_439] : memref<10240x128xf32, #tpu.memory_space<vmem_shared>> -> memref<8x128xf32, #tpu.memory_space<vmem_shared>>
        tpu.enqueue_dma source(%arg16 : memref<8x128xf32, #tpu.memory_space<vmem>>) target(%dma_start3A_440 : memref<8x128xf32, #tpu.memory_space<vmem_shared>>) target_semaphore(%run_scoped3A : memref<!tpu.dma_semaphore, #tpu.memory_space<semaphore_mem>>)
        %dma_wait3A_441 = arith.constant 0 : i32
        %dma_wait3A_442 = tpu.memref_slice %arg17[%add3A_436, %dma_wait3A_441] : memref<10240x128xf32, #tpu.memory_space<vmem_shared>> -> memref<8x128xf32, #tpu.memory_space<vmem_shared>>
        %dma_wait3A_443 = arith.constant 0 : i32
        %dma_wait3A_444 = tpu.memref_slice %arg17[%add3A_436, %dma_wait3A_443] : memref<10240x128xf32, #tpu.memory_space<vmem_shared>> -> memref<8x128xf32, #tpu.memory_space<vmem_shared>>
        tpu.wait_dma2 semaphore(%run_scoped3A : memref<!tpu.dma_semaphore, #tpu.memory_space<semaphore_mem>>) src(%arg16 : memref<8x128xf32, #tpu.memory_space<vmem>>) dst(%dma_wait3A_444 : memref<8x128xf32, #tpu.memory_space<vmem_shared>>)
        tpu.yield
      }) : () -> ()
    }
    %scan3A_385 = arith.constant 80 : i32
    %barrier3A = arith.constant 0 : index
    tpu.barrier barrier_id(%barrier3A)
    %mul3A = arith.constant 20480 : i32
    %mul3A_386 = arith.muli %arg1, %mul3A : i32
    %add3A = arith.constant 0 : i32
    %add3A_387 = arith.addi %mul3A_386, %add3A : i32
    %dma_start3A = tpu.memref_slice %arg3[%add3A_387] : memref<327936xi32, #tpu.memory_space<hbm>> -> memref<128xi32, #tpu.memory_space<hbm>>
    %dma_start3A_388 = tpu.memref_slice %arg3[%add3A_387] : memref<327936xi32, #tpu.memory_space<hbm>> -> memref<128xi32, #tpu.memory_space<hbm>>
    tpu.enqueue_dma source(%dma_start3A_388 : memref<128xi32, #tpu.memory_space<hbm>>) target(%arg6 : memref<128xi32, #tpu.memory_space<vmem>>) target_semaphore(%arg18 : memref<!tpu.dma_semaphore, #tpu.memory_space<semaphore_mem>>)
    %dma_start3A_389 = tpu.memref_slice %arg4[%add3A_387] : memref<327936xi32, #tpu.memory_space<hbm>> -> memref<128xi32, #tpu.memory_space<hbm>>
    %dma_start3A_390 = tpu.memref_slice %arg4[%add3A_387] : memref<327936xi32, #tpu.memory_space<hbm>> -> memref<128xi32, #tpu.memory_space<hbm>>
    tpu.enqueue_dma source(%dma_start3A_390 : memref<128xi32, #tpu.memory_space<hbm>>) target(%arg10 : memref<128xi32, #tpu.memory_space<vmem>>) target_semaphore(%arg22 : memref<!tpu.dma_semaphore, #tpu.memory_space<semaphore_mem>>)
    %add3A_391 = arith.constant 128 : i32
    %add3A_392 = arith.addi %mul3A_386, %add3A_391 : i32
    %dma_start3A_393 = tpu.memref_slice %arg3[%add3A_392] : memref<327936xi32, #tpu.memory_space<hbm>> -> memref<128xi32, #tpu.memory_space<hbm>>
    %dma_start3A_394 = tpu.memref_slice %arg3[%add3A_392] : memref<327936xi32, #tpu.memory_space<hbm>> -> memref<128xi32, #tpu.memory_space<hbm>>
    tpu.enqueue_dma source(%dma_start3A_394 : memref<128xi32, #tpu.memory_space<hbm>>) target(%arg7 : memref<128xi32, #tpu.memory_space<vmem>>) target_semaphore(%arg19 : memref<!tpu.dma_semaphore, #tpu.memory_space<semaphore_mem>>)
    %dma_start3A_395 = tpu.memref_slice %arg4[%add3A_392] : memref<327936xi32, #tpu.memory_space<hbm>> -> memref<128xi32, #tpu.memory_space<hbm>>
    %dma_start3A_396 = tpu.memref_slice %arg4[%add3A_392] : memref<327936xi32, #tpu.memory_space<hbm>> -> memref<128xi32, #tpu.memory_space<hbm>>
    tpu.enqueue_dma source(%dma_start3A_396 : memref<128xi32, #tpu.memory_space<hbm>>) target(%arg11 : memref<128xi32, #tpu.memory_space<vmem>>) target_semaphore(%arg23 : memref<!tpu.dma_semaphore, #tpu.memory_space<semaphore_mem>>)
    %dma_wait3A = arith.constant 0 : i32
    %dma_wait3A_397 = tpu.memref_slice %arg3[%dma_wait3A] : memref<327936xi32, #tpu.memory_space<hbm>> -> memref<128xi32, #tpu.memory_space<hbm>>
    %dma_wait3A_398 = arith.constant 0 : i32
    %dma_wait3A_399 = tpu.memref_slice %arg3[%dma_wait3A_398] : memref<327936xi32, #tpu.memory_space<hbm>> -> memref<128xi32, #tpu.memory_space<hbm>>
    tpu.wait_dma2 semaphore(%arg18 : memref<!tpu.dma_semaphore, #tpu.memory_space<semaphore_mem>>) src(%dma_wait3A_399 : memref<128xi32, #tpu.memory_space<hbm>>) dst(%arg6 : memref<128xi32, #tpu.memory_space<vmem>>)
    %dma_wait3A_400 = arith.constant 0 : i32
    %dma_wait3A_401 = tpu.memref_slice %arg4[%dma_wait3A_400] : memref<327936xi32, #tpu.memory_space<hbm>> -> memref<128xi32, #tpu.memory_space<hbm>>
    %dma_wait3A_402 = arith.constant 0 : i32
    %dma_wait3A_403 = tpu.memref_slice %arg4[%dma_wait3A_402] : memref<327936xi32, #tpu.memory_space<hbm>> -> memref<128xi32, #tpu.memory_space<hbm>>
    tpu.wait_dma2 semaphore(%arg22 : memref<!tpu.dma_semaphore, #tpu.memory_space<semaphore_mem>>) src(%dma_wait3A_403 : memref<128xi32, #tpu.memory_space<hbm>>) dst(%arg10 : memref<128xi32, #tpu.memory_space<vmem>>)
    %dma_start3A_404 = arith.constant 0 : i32
    %dma_start3A_405 = arith.constant 0 : i32
    %dma_start3A_406 = tpu.memref_slice %arg2[%dma_start3A_404, %dma_start3A_405] : memref<10000x128xf32, #tpu.memory_space<hbm>> -> memref<10000x128xf32, #tpu.memory_space<hbm>>
    tpu.enqueue_indirect_dma source(%dma_start3A_406 : memref<10000x128xf32, #tpu.memory_space<hbm>>) target(%arg14 : memref<128x128xf32, #tpu.memory_space<vmem>>) offsets(%arg6 : memref<128xi32, #tpu.memory_space<vmem>>) semaphore(%arg26 : memref<!tpu.dma_semaphore, #tpu.memory_space<semaphore_mem>>)
    %scan3A_407 = arith.constant 0 : i32
    %scan3A_408 = arith.constant 40 : i32
    %scan3A_409 = arith.addi %scan3A_407, %scan3A_408 : i32
    %scan3A_410 = arith.constant 1 : i32
    scf.for %scan3A_429 = %scan3A_407 to %scan3A_409 step %scan3A_410  : i32 {
      %mul3A_430 = arith.constant 4 : i32
      %mul3A_431 = arith.muli %scan3A_429, %mul3A_430 : i32
      %add3A_432 = arith.constant 0 : i32
      %add3A_433 = arith.addi %add3A_432, %mul3A_431 : i32
      %dma_wait3A_434 = arith.constant 0 : i32
      %dma_wait3A_435 = arith.constant 0 : i32
      %dma_wait3A_436 = tpu.memref_slice %arg2[%dma_wait3A_434, %dma_wait3A_435] : memref<10000x128xf32, #tpu.memory_space<hbm>> -> memref<10000x128xf32, #tpu.memory_space<hbm>>
      tpu.wait_indirect_dma semaphore(%arg26 : memref<!tpu.dma_semaphore, #tpu.memory_space<semaphore_mem>>) src(%dma_wait3A_436 : memref<10000x128xf32, #tpu.memory_space<hbm>>) dst(%arg14 : memref<128x128xf32, #tpu.memory_space<vmem>>)
      %gt3A = arith.constant 0 : i32
      %gt3A_437 = arith.cmpi sgt, %add3A_433, %gt3A : i32
      %convert_element_type3A = arith.extui %gt3A_437 : i1 to i32
      %cond3A = arith.constant 0 : i32
      %cond3A_438 = arith.cmpi ne, %convert_element_type3A, %cond3A : i32
      scf.if %cond3A_438 {
        %dma_wait3A_557 = arith.constant 0 : i32
        %dma_wait3A_558 = arith.constant 0 : i32
        %dma_wait3A_559 = tpu.memref_slice %arg17[%dma_wait3A_557, %dma_wait3A_558] : memref<10240x128xf32, #tpu.memory_space<vmem_shared>> -> memref<10240x128xf32, #tpu.memory_space<vmem_shared>>
        tpu.wait_indirect_dma semaphore(%arg29 : memref<!tpu.dma_semaphore, #tpu.memory_space<semaphore_mem>>) src(%arg15 : memref<128x128xf32, #tpu.memory_space<vmem>>) dst(%dma_wait3A_559 : memref<10240x128xf32, #tpu.memory_space<vmem_shared>>)
      } else {
      }
      %dma_wait3A_439 = arith.constant 0 : i32
      %dma_wait3A_440 = tpu.memref_slice %arg3[%dma_wait3A_439] : memref<327936xi32, #tpu.memory_space<hbm>> -> memref<128xi32, #tpu.memory_space<hbm>>
      %dma_wait3A_441 = arith.constant 0 : i32
      %dma_wait3A_442 = tpu.memref_slice %arg3[%dma_wait3A_441] : memref<327936xi32, #tpu.memory_space<hbm>> -> memref<128xi32, #tpu.memory_space<hbm>>
      tpu.wait_dma2 semaphore(%arg19 : memref<!tpu.dma_semaphore, #tpu.memory_space<semaphore_mem>>) src(%dma_wait3A_442 : memref<128xi32, #tpu.memory_space<hbm>>) dst(%arg7 : memref<128xi32, #tpu.memory_space<vmem>>)
      %dma_wait3A_443 = arith.constant 0 : i32
      %dma_wait3A_444 = tpu.memref_slice %arg4[%dma_wait3A_443] : memref<327936xi32, #tpu.memory_space<hbm>> -> memref<128xi32, #tpu.memory_space<hbm>>
      %dma_wait3A_445 = arith.constant 0 : i32
      %dma_wait3A_446 = tpu.memref_slice %arg4[%dma_wait3A_445] : memref<327936xi32, #tpu.memory_space<hbm>> -> memref<128xi32, #tpu.memory_space<hbm>>
      tpu.wait_dma2 semaphore(%arg23 : memref<!tpu.dma_semaphore, #tpu.memory_space<semaphore_mem>>) src(%dma_wait3A_446 : memref<128xi32, #tpu.memory_space<hbm>>) dst(%arg11 : memref<128xi32, #tpu.memory_space<vmem>>)
      %dma_start3A_447 = arith.constant 0 : i32
      %dma_start3A_448 = arith.constant 0 : i32
      %dma_start3A_449 = tpu.memref_slice %arg2[%dma_start3A_447, %dma_start3A_448] : memref<10000x128xf32, #tpu.memory_space<hbm>> -> memref<10000x128xf32, #tpu.memory_space<hbm>>
      tpu.enqueue_indirect_dma source(%dma_start3A_449 : memref<10000x128xf32, #tpu.memory_space<hbm>>) target(%arg15 : memref<128x128xf32, #tpu.memory_space<vmem>>) offsets(%arg7 : memref<128xi32, #tpu.memory_space<vmem>>) semaphore(%arg27 : memref<!tpu.dma_semaphore, #tpu.memory_space<semaphore_mem>>)
      %dma_start3A_450 = arith.constant 0 : i32
      %dma_start3A_451 = arith.constant 0 : i32
      %dma_start3A_452 = tpu.memref_slice %arg17[%dma_start3A_450, %dma_start3A_451] : memref<10240x128xf32, #tpu.memory_space<vmem_shared>> -> memref<10240x128xf32, #tpu.memory_space<vmem_shared>>
      tpu.enqueue_indirect_dma source(%arg14 : memref<128x128xf32, #tpu.memory_space<vmem>>) target(%dma_start3A_452 : memref<10240x128xf32, #tpu.memory_space<vmem_shared>>) offsets(%arg10 : memref<128xi32, #tpu.memory_space<vmem>>) semaphore(%arg28 : memref<!tpu.dma_semaphore, #tpu.memory_space<semaphore_mem>>) {add = true}
      %add3A_453 = arith.constant 0 : i32
      %add3A_454 = arith.addi %add3A_433, %add3A_453 : i32
      %add3A_455 = arith.constant 2 : i32
      %add3A_456 = arith.addi %add3A_454, %add3A_455 : i32
      %mul3A_457 = arith.constant 128 : i32
      %mul3A_458 = arith.muli %add3A_456, %mul3A_457 : i32
      %add3A_459 = arith.addi %mul3A_386, %mul3A_458 : i32
      %dma_start3A_460 = tpu.memref_slice %arg3[%add3A_459] : memref<327936xi32, #tpu.memory_space<hbm>> -> memref<128xi32, #tpu.memory_space<hbm>>
      %dma_start3A_461 = tpu.memref_slice %arg3[%add3A_459] : memref<327936xi32, #tpu.memory_space<hbm>> -> memref<128xi32, #tpu.memory_space<hbm>>
      tpu.enqueue_dma source(%dma_start3A_461 : memref<128xi32, #tpu.memory_space<hbm>>) target(%arg8 : memref<128xi32, #tpu.memory_space<vmem>>) target_semaphore(%arg20 : memref<!tpu.dma_semaphore, #tpu.memory_space<semaphore_mem>>)
      %dma_start3A_462 = tpu.memref_slice %arg4[%add3A_459] : memref<327936xi32, #tpu.memory_space<hbm>> -> memref<128xi32, #tpu.memory_space<hbm>>
      %dma_start3A_463 = tpu.memref_slice %arg4[%add3A_459] : memref<327936xi32, #tpu.memory_space<hbm>> -> memref<128xi32, #tpu.memory_space<hbm>>
      tpu.enqueue_dma source(%dma_start3A_463 : memref<128xi32, #tpu.memory_space<hbm>>) target(%arg12 : memref<128xi32, #tpu.memory_space<vmem>>) target_semaphore(%arg24 : memref<!tpu.dma_semaphore, #tpu.memory_space<semaphore_mem>>)
      %dma_wait3A_464 = arith.constant 0 : i32
      %dma_wait3A_465 = arith.constant 0 : i32
      %dma_wait3A_466 = tpu.memref_slice %arg2[%dma_wait3A_464, %dma_wait3A_465] : memref<10000x128xf32, #tpu.memory_space<hbm>> -> memref<10000x128xf32, #tpu.memory_space<hbm>>
      tpu.wait_indirect_dma semaphore(%arg27 : memref<!tpu.dma_semaphore, #tpu.memory_space<semaphore_mem>>) src(%dma_wait3A_466 : memref<10000x128xf32, #tpu.memory_space<hbm>>) dst(%arg15 : memref<128x128xf32, #tpu.memory_space<vmem>>)
      %dma_wait3A_467 = arith.constant 0 : i32
      %dma_wait3A_468 = arith.constant 0 : i32
      %dma_wait3A_469 = tpu.memref_slice %arg17[%dma_wait3A_467, %dma_wait3A_468] : memref<10240x128xf32, #tpu.memory_space<vmem_shared>> -> memref<10240x128xf32, #tpu.memory_space<vmem_shared>>
      tpu.wait_indirect_dma semaphore(%arg28 : memref<!tpu.dma_semaphore, #tpu.memory_space<semaphore_mem>>) src(%arg14 : memref<128x128xf32, #tpu.memory_space<vmem>>) dst(%dma_wait3A_469 : memref<10240x128xf32, #tpu.memory_space<vmem_shared>>)
      %dma_wait3A_470 = arith.constant 0 : i32
      %dma_wait3A_471 = tpu.memref_slice %arg3[%dma_wait3A_470] : memref<327936xi32, #tpu.memory_space<hbm>> -> memref<128xi32, #tpu.memory_space<hbm>>
      %dma_wait3A_472 = arith.constant 0 : i32
      %dma_wait3A_473 = tpu.memref_slice %arg3[%dma_wait3A_472] : memref<327936xi32, #tpu.memory_space<hbm>> -> memref<128xi32, #tpu.memory_space<hbm>>
      tpu.wait_dma2 semaphore(%arg20 : memref<!tpu.dma_semaphore, #tpu.memory_space<semaphore_mem>>) src(%dma_wait3A_473 : memref<128xi32, #tpu.memory_space<hbm>>) dst(%arg8 : memref<128xi32, #tpu.memory_space<vmem>>)
      %dma_wait3A_474 = arith.constant 0 : i32
      %dma_wait3A_475 = tpu.memref_slice %arg4[%dma_wait3A_474] : memref<327936xi32, #tpu.memory_space<hbm>> -> memref<128xi32, #tpu.memory_space<hbm>>
      %dma_wait3A_476 = arith.constant 0 : i32
      %dma_wait3A_477 = tpu.memref_slice %arg4[%dma_wait3A_476] : memref<327936xi32, #tpu.memory_space<hbm>> -> memref<128xi32, #tpu.memory_space<hbm>>
      tpu.wait_dma2 semaphore(%arg24 : memref<!tpu.dma_semaphore, #tpu.memory_space<semaphore_mem>>) src(%dma_wait3A_477 : memref<128xi32, #tpu.memory_space<hbm>>) dst(%arg12 : memref<128xi32, #tpu.memory_space<vmem>>)
      %dma_start3A_478 = arith.constant 0 : i32
      %dma_start3A_479 = arith.constant 0 : i32
      %dma_start3A_480 = tpu.memref_slice %arg2[%dma_start3A_478, %dma_start3A_479] : memref<10000x128xf32, #tpu.memory_space<hbm>> -> memref<10000x128xf32, #tpu.memory_space<hbm>>
      tpu.enqueue_indirect_dma source(%dma_start3A_480 : memref<10000x128xf32, #tpu.memory_space<hbm>>) target(%arg14 : memref<128x128xf32, #tpu.memory_space<vmem>>) offsets(%arg8 : memref<128xi32, #tpu.memory_space<vmem>>) semaphore(%arg26 : memref<!tpu.dma_semaphore, #tpu.memory_space<semaphore_mem>>)
      %dma_start3A_481 = arith.constant 0 : i32
      %dma_start3A_482 = arith.constant 0 : i32
      %dma_start3A_483 = tpu.memref_slice %arg17[%dma_start3A_481, %dma_start3A_482] : memref<10240x128xf32, #tpu.memory_space<vmem_shared>> -> memref<10240x128xf32, #tpu.memory_space<vmem_shared>>
      tpu.enqueue_indirect_dma source(%arg15 : memref<128x128xf32, #tpu.memory_space<vmem>>) target(%dma_start3A_483 : memref<10240x128xf32, #tpu.memory_space<vmem_shared>>) offsets(%arg11 : memref<128xi32, #tpu.memory_space<vmem>>) semaphore(%arg29 : memref<!tpu.dma_semaphore, #tpu.memory_space<semaphore_mem>>) {add = true}
      %add3A_484 = arith.constant 1 : i32
      %add3A_485 = arith.addi %add3A_433, %add3A_484 : i32
      %add3A_486 = arith.constant 2 : i32
      %add3A_487 = arith.addi %add3A_485, %add3A_486 : i32
      %mul3A_488 = arith.constant 128 : i32
      %mul3A_489 = arith.muli %add3A_487, %mul3A_488 : i32
      %add3A_490 = arith.addi %mul3A_386, %mul3A_489 : i32
      %dma_start3A_491 = tpu.memref_slice %arg3[%add3A_490] : memref<327936xi32, #tpu.memory_space<hbm>> -> memref<128xi32, #tpu.memory_space<hbm>>
      %dma_start3A_492 = tpu.memref_slice %arg3[%add3A_490] : memref<327936xi32, #tpu.memory_space<hbm>> -> memref<128xi32, #tpu.memory_space<hbm>>
      tpu.enqueue_dma source(%dma_start3A_492 : memref<128xi32, #tpu.memory_space<hbm>>) target(%arg9 : memref<128xi32, #tpu.memory_space<vmem>>) target_semaphore(%arg21 : memref<!tpu.dma_semaphore, #tpu.memory_space<semaphore_mem>>)
      %dma_start3A_493 = tpu.memref_slice %arg4[%add3A_490] : memref<327936xi32, #tpu.memory_space<hbm>> -> memref<128xi32, #tpu.memory_space<hbm>>
      %dma_start3A_494 = tpu.memref_slice %arg4[%add3A_490] : memref<327936xi32, #tpu.memory_space<hbm>> -> memref<128xi32, #tpu.memory_space<hbm>>
      tpu.enqueue_dma source(%dma_start3A_494 : memref<128xi32, #tpu.memory_space<hbm>>) target(%arg13 : memref<128xi32, #tpu.memory_space<vmem>>) target_semaphore(%arg25 : memref<!tpu.dma_semaphore, #tpu.memory_space<semaphore_mem>>)
      %dma_wait3A_495 = arith.constant 0 : i32
      %dma_wait3A_496 = arith.constant 0 : i32
      %dma_wait3A_497 = tpu.memref_slice %arg2[%dma_wait3A_495, %dma_wait3A_496] : memref<10000x128xf32, #tpu.memory_space<hbm>> -> memref<10000x128xf32, #tpu.memory_space<hbm>>
      tpu.wait_indirect_dma semaphore(%arg26 : memref<!tpu.dma_semaphore, #tpu.memory_space<semaphore_mem>>) src(%dma_wait3A_497 : memref<10000x128xf32, #tpu.memory_space<hbm>>) dst(%arg14 : memref<128x128xf32, #tpu.memory_space<vmem>>)
      %dma_wait3A_498 = arith.constant 0 : i32
      %dma_wait3A_499 = arith.constant 0 : i32
      %dma_wait3A_500 = tpu.memref_slice %arg17[%dma_wait3A_498, %dma_wait3A_499] : memref<10240x128xf32, #tpu.memory_space<vmem_shared>> -> memref<10240x128xf32, #tpu.memory_space<vmem_shared>>
      tpu.wait_indirect_dma semaphore(%arg29 : memref<!tpu.dma_semaphore, #tpu.memory_space<semaphore_mem>>) src(%arg15 : memref<128x128xf32, #tpu.memory_space<vmem>>) dst(%dma_wait3A_500 : memref<10240x128xf32, #tpu.memory_space<vmem_shared>>)
      %dma_wait3A_501 = arith.constant 0 : i32
      %dma_wait3A_502 = tpu.memref_slice %arg3[%dma_wait3A_501] : memref<327936xi32, #tpu.memory_space<hbm>> -> memref<128xi32, #tpu.memory_space<hbm>>
      %dma_wait3A_503 = arith.constant 0 : i32
      %dma_wait3A_504 = tpu.memref_slice %arg3[%dma_wait3A_503] : memref<327936xi32, #tpu.memory_space<hbm>> -> memref<128xi32, #tpu.memory_space<hbm>>
      tpu.wait_dma2 semaphore(%arg21 : memref<!tpu.dma_semaphore, #tpu.memory_space<semaphore_mem>>) src(%dma_wait3A_504 : memref<128xi32, #tpu.memory_space<hbm>>) dst(%arg9 : memref<128xi32, #tpu.memory_space<vmem>>)
      %dma_wait3A_505 = arith.constant 0 : i32
      %dma_wait3A_506 = tpu.memref_slice %arg4[%dma_wait3A_505] : memref<327936xi32, #tpu.memory_space<hbm>> -> memref<128xi32, #tpu.memory_space<hbm>>
      %dma_wait3A_507 = arith.constant 0 : i32
      %dma_wait3A_508 = tpu.memref_slice %arg4[%dma_wait3A_507] : memref<327936xi32, #tpu.memory_space<hbm>> -> memref<128xi32, #tpu.memory_space<hbm>>
      tpu.wait_dma2 semaphore(%arg25 : memref<!tpu.dma_semaphore, #tpu.memory_space<semaphore_mem>>) src(%dma_wait3A_508 : memref<128xi32, #tpu.memory_space<hbm>>) dst(%arg13 : memref<128xi32, #tpu.memory_space<vmem>>)
      %dma_start3A_509 = arith.constant 0 : i32
      %dma_start3A_510 = arith.constant 0 : i32
      %dma_start3A_511 = tpu.memref_slice %arg2[%dma_start3A_509, %dma_start3A_510] : memref<10000x128xf32, #tpu.memory_space<hbm>> -> memref<10000x128xf32, #tpu.memory_space<hbm>>
      tpu.enqueue_indirect_dma source(%dma_start3A_511 : memref<10000x128xf32, #tpu.memory_space<hbm>>) target(%arg15 : memref<128x128xf32, #tpu.memory_space<vmem>>) offsets(%arg9 : memref<128xi32, #tpu.memory_space<vmem>>) semaphore(%arg27 : memref<!tpu.dma_semaphore, #tpu.memory_space<semaphore_mem>>)
      %dma_start3A_512 = arith.constant 0 : i32
      %dma_start3A_513 = arith.constant 0 : i32
      %dma_start3A_514 = tpu.memref_slice %arg17[%dma_start3A_512, %dma_start3A_513] : memref<10240x128xf32, #tpu.memory_space<vmem_shared>> -> memref<10240x128xf32, #tpu.memory_space<vmem_shared>>
      tpu.enqueue_indirect_dma source(%arg14 : memref<128x128xf32, #tpu.memory_space<vmem>>) target(%dma_start3A_514 : memref<10240x128xf32, #tpu.memory_space<vmem_shared>>) offsets(%arg12 : memref<128xi32, #tpu.memory_space<vmem>>) semaphore(%arg28 : memref<!tpu.dma_semaphore, #tpu.memory_space<semaphore_mem>>) {add = true}
      %add3A_515 = arith.constant 2 : i32
      %add3A_516 = arith.addi %add3A_433, %add3A_515 : i32
      %add3A_517 = arith.constant 2 : i32
      %add3A_518 = arith.addi %add3A_516, %add3A_517 : i32
      %mul3A_519 = arith.constant 128 : i32
      %mul3A_520 = arith.muli %add3A_518, %mul3A_519 : i32
      %add3A_521 = arith.addi %mul3A_386, %mul3A_520 : i32
      %dma_start3A_522 = tpu.memref_slice %arg3[%add3A_521] : memref<327936xi32, #tpu.memory_space<hbm>> -> memref<128xi32, #tpu.memory_space<hbm>>
      %dma_start3A_523 = tpu.memref_slice %arg3[%add3A_521] : memref<327936xi32, #tpu.memory_space<hbm>> -> memref<128xi32, #tpu.memory_space<hbm>>
      tpu.enqueue_dma source(%dma_start3A_523 : memref<128xi32, #tpu.memory_space<hbm>>) target(%arg6 : memref<128xi32, #tpu.memory_space<vmem>>) target_semaphore(%arg18 : memref<!tpu.dma_semaphore, #tpu.memory_space<semaphore_mem>>)
      %dma_start3A_524 = tpu.memref_slice %arg4[%add3A_521] : memref<327936xi32, #tpu.memory_space<hbm>> -> memref<128xi32, #tpu.memory_space<hbm>>
      %dma_start3A_525 = tpu.memref_slice %arg4[%add3A_521] : memref<327936xi32, #tpu.memory_space<hbm>> -> memref<128xi32, #tpu.memory_space<hbm>>
      tpu.enqueue_dma source(%dma_start3A_525 : memref<128xi32, #tpu.memory_space<hbm>>) target(%arg10 : memref<128xi32, #tpu.memory_space<vmem>>) target_semaphore(%arg22 : memref<!tpu.dma_semaphore, #tpu.memory_space<semaphore_mem>>)
      %dma_wait3A_526 = arith.constant 0 : i32
      %dma_wait3A_527 = arith.constant 0 : i32
      %dma_wait3A_528 = tpu.memref_slice %arg2[%dma_wait3A_526, %dma_wait3A_527] : memref<10000x128xf32, #tpu.memory_space<hbm>> -> memref<10000x128xf32, #tpu.memory_space<hbm>>
      tpu.wait_indirect_dma semaphore(%arg27 : memref<!tpu.dma_semaphore, #tpu.memory_space<semaphore_mem>>) src(%dma_wait3A_528 : memref<10000x128xf32, #tpu.memory_space<hbm>>) dst(%arg15 : memref<128x128xf32, #tpu.memory_space<vmem>>)
      %dma_wait3A_529 = arith.constant 0 : i32
      %dma_wait3A_530 = arith.constant 0 : i32
      %dma_wait3A_531 = tpu.memref_slice %arg17[%dma_wait3A_529, %dma_wait3A_530] : memref<10240x128xf32, #tpu.memory_space<vmem_shared>> -> memref<10240x128xf32, #tpu.memory_space<vmem_shared>>
      tpu.wait_indirect_dma semaphore(%arg28 : memref<!tpu.dma_semaphore, #tpu.memory_space<semaphore_mem>>) src(%arg14 : memref<128x128xf32, #tpu.memory_space<vmem>>) dst(%dma_wait3A_531 : memref<10240x128xf32, #tpu.memory_space<vmem_shared>>)
      %dma_wait3A_532 = arith.constant 0 : i32
      %dma_wait3A_533 = tpu.memref_slice %arg3[%dma_wait3A_532] : memref<327936xi32, #tpu.memory_space<hbm>> -> memref<128xi32, #tpu.memory_space<hbm>>
      %dma_wait3A_534 = arith.constant 0 : i32
      %dma_wait3A_535 = tpu.memref_slice %arg3[%dma_wait3A_534] : memref<327936xi32, #tpu.memory_space<hbm>> -> memref<128xi32, #tpu.memory_space<hbm>>
      tpu.wait_dma2 semaphore(%arg18 : memref<!tpu.dma_semaphore, #tpu.memory_space<semaphore_mem>>) src(%dma_wait3A_535 : memref<128xi32, #tpu.memory_space<hbm>>) dst(%arg6 : memref<128xi32, #tpu.memory_space<vmem>>)
      %dma_wait3A_536 = arith.constant 0 : i32
      %dma_wait3A_537 = tpu.memref_slice %arg4[%dma_wait3A_536] : memref<327936xi32, #tpu.memory_space<hbm>> -> memref<128xi32, #tpu.memory_space<hbm>>
      %dma_wait3A_538 = arith.constant 0 : i32
      %dma_wait3A_539 = tpu.memref_slice %arg4[%dma_wait3A_538] : memref<327936xi32, #tpu.memory_space<hbm>> -> memref<128xi32, #tpu.memory_space<hbm>>
      tpu.wait_dma2 semaphore(%arg22 : memref<!tpu.dma_semaphore, #tpu.memory_space<semaphore_mem>>) src(%dma_wait3A_539 : memref<128xi32, #tpu.memory_space<hbm>>) dst(%arg10 : memref<128xi32, #tpu.memory_space<vmem>>)
      %dma_start3A_540 = arith.constant 0 : i32
      %dma_start3A_541 = arith.constant 0 : i32
      %dma_start3A_542 = tpu.memref_slice %arg2[%dma_start3A_540, %dma_start3A_541] : memref<10000x128xf32, #tpu.memory_space<hbm>> -> memref<10000x128xf32, #tpu.memory_space<hbm>>
      tpu.enqueue_indirect_dma source(%dma_start3A_542 : memref<10000x128xf32, #tpu.memory_space<hbm>>) target(%arg14 : memref<128x128xf32, #tpu.memory_space<vmem>>) offsets(%arg6 : memref<128xi32, #tpu.memory_space<vmem>>) semaphore(%arg26 : memref<!tpu.dma_semaphore, #tpu.memory_space<semaphore_mem>>)
      %dma_start3A_543 = arith.constant 0 : i32
      %dma_start3A_544 = arith.constant 0 : i32
      %dma_start3A_545 = tpu.memref_slice %arg17[%dma_start3A_543, %dma_start3A_544] : memref<10240x128xf32, #tpu.memory_space<vmem_shared>> -> memref<10240x128xf32, #tpu.memory_space<vmem_shared>>
      tpu.enqueue_indirect_dma source(%arg15 : memref<128x128xf32, #tpu.memory_space<vmem>>) target(%dma_start3A_545 : memref<10240x128xf32, #tpu.memory_space<vmem_shared>>) offsets(%arg13 : memref<128xi32, #tpu.memory_space<vmem>>) semaphore(%arg29 : memref<!tpu.dma_semaphore, #tpu.memory_space<semaphore_mem>>) {add = true}
      %add3A_546 = arith.constant 3 : i32
      %add3A_547 = arith.addi %add3A_433, %add3A_546 : i32
      %add3A_548 = arith.constant 2 : i32
      %add3A_549 = arith.addi %add3A_547, %add3A_548 : i32
      %mul3A_550 = arith.constant 128 : i32
      %mul3A_551 = arith.muli %add3A_549, %mul3A_550 : i32
      %add3A_552 = arith.addi %mul3A_386, %mul3A_551 : i32
      %dma_start3A_553 = tpu.memref_slice %arg3[%add3A_552] : memref<327936xi32, #tpu.memory_space<hbm>> -> memref<128xi32, #tpu.memory_space<hbm>>
      %dma_start3A_554 = tpu.memref_slice %arg3[%add3A_552] : memref<327936xi32, #tpu.memory_space<hbm>> -> memref<128xi32, #tpu.memory_space<hbm>>
      tpu.enqueue_dma source(%dma_start3A_554 : memref<128xi32, #tpu.memory_space<hbm>>) target(%arg7 : memref<128xi32, #tpu.memory_space<vmem>>) target_semaphore(%arg19 : memref<!tpu.dma_semaphore, #tpu.memory_space<semaphore_mem>>)
      %dma_start3A_555 = tpu.memref_slice %arg4[%add3A_552] : memref<327936xi32, #tpu.memory_space<hbm>> -> memref<128xi32, #tpu.memory_space<hbm>>
      %dma_start3A_556 = tpu.memref_slice %arg4[%add3A_552] : memref<327936xi32, #tpu.memory_space<hbm>> -> memref<128xi32, #tpu.memory_space<hbm>>
      tpu.enqueue_dma source(%dma_start3A_556 : memref<128xi32, #tpu.memory_space<hbm>>) target(%arg11 : memref<128xi32, #tpu.memory_space<vmem>>) target_semaphore(%arg23 : memref<!tpu.dma_semaphore, #tpu.memory_space<semaphore_mem>>)
    }
    %scan3A_411 = arith.constant 40 : i32
    %dma_wait3A_412 = arith.constant 0 : i32
    %dma_wait3A_413 = arith.constant 0 : i32
    %dma_wait3A_414 = tpu.memref_slice %arg2[%dma_wait3A_412, %dma_wait3A_413] : memref<10000x128xf32, #tpu.memory_space<hbm>> -> memref<10000x128xf32, #tpu.memory_space<hbm>>
    tpu.wait_indirect_dma semaphore(%arg26 : memref<!tpu.dma_semaphore, #tpu.memory_space<semaphore_mem>>) src(%dma_wait3A_414 : memref<10000x128xf32, #tpu.memory_space<hbm>>) dst(%arg14 : memref<128x128xf32, #tpu.memory_space<vmem>>)
    %dma_wait3A_415 = arith.constant 0 : i32
    %dma_wait3A_416 = arith.constant 0 : i32
    %dma_wait3A_417 = tpu.memref_slice %arg17[%dma_wait3A_415, %dma_wait3A_416] : memref<10240x128xf32, #tpu.memory_space<vmem_shared>> -> memref<10240x128xf32, #tpu.memory_space<vmem_shared>>
    tpu.wait_indirect_dma semaphore(%arg29 : memref<!tpu.dma_semaphore, #tpu.memory_space<semaphore_mem>>) src(%arg15 : memref<128x128xf32, #tpu.memory_space<vmem>>) dst(%dma_wait3A_417 : memref<10240x128xf32, #tpu.memory_space<vmem_shared>>)
    %dma_wait3A_418 = arith.constant 0 : i32
    %dma_wait3A_419 = tpu.memref_slice %arg3[%dma_wait3A_418] : memref<327936xi32, #tpu.memory_space<hbm>> -> memref<128xi32, #tpu.memory_space<hbm>>
    %dma_wait3A_420 = arith.constant 0 : i32
    %dma_wait3A_421 = tpu.memref_slice %arg3[%dma_wait3A_420] : memref<327936xi32, #tpu.memory_space<hbm>> -> memref<128xi32, #tpu.memory_space<hbm>>
    tpu.wait_dma2 semaphore(%arg19 : memref<!tpu.dma_semaphore, #tpu.memory_space<semaphore_mem>>) src(%dma_wait3A_421 : memref<128xi32, #tpu.memory_space<hbm>>) dst(%arg7 : memref<128xi32, #tpu.memory_space<vmem>>)
    %dma_wait3A_422 = arith.constant 0 : i32
    %dma_wait3A_423 = tpu.memref_slice %arg4[%dma_wait3A_422] : memref<327936xi32, #tpu.memory_space<hbm>> -> memref<128xi32, #tpu.memory_space<hbm>>
    %dma_wait3A_424 = arith.constant 0 : i32
    %dma_wait3A_425 = tpu.memref_slice %arg4[%dma_wait3A_424] : memref<327936xi32, #tpu.memory_space<hbm>> -> memref<128xi32, #tpu.memory_space<hbm>>
    tpu.wait_dma2 semaphore(%arg23 : memref<!tpu.dma_semaphore, #tpu.memory_space<semaphore_mem>>) src(%dma_wait3A_425 : memref<128xi32, #tpu.memory_space<hbm>>) dst(%arg11 : memref<128xi32, #tpu.memory_space<vmem>>)
    %barrier3A_426 = arith.constant 0 : index
    tpu.barrier barrier_id(%barrier3A_426)
    %mul3A_427 = arith.constant 640 : i32
    %mul3A_428 = arith.muli %arg1, %mul3A_427 : i32
    "tpu.region"() ({
      %run_scoped3A = tpu.sem_alloc : memref<!tpu.dma_semaphore, #tpu.memory_space<semaphore_mem>>
      %dma_start3A_429 = arith.constant 0 : i32
      %dma_start3A_430 = tpu.memref_slice %arg5[%mul3A_428, %dma_start3A_429] : memref<10240x128xf32, #tpu.memory_space<hbm>> -> memref<640x128xf32, #tpu.memory_space<hbm>>
      %dma_start3A_431 = arith.constant 0 : i32
      %dma_start3A_432 = tpu.memref_slice %arg17[%mul3A_428, %dma_start3A_431] : memref<10240x128xf32, #tpu.memory_space<vmem_shared>> -> memref<640x128xf32, #tpu.memory_space<vmem_shared>>
      tpu.enqueue_dma source(%dma_start3A_432 : memref<640x128xf32, #tpu.memory_space<vmem_shared>>) target(%dma_start3A_430 : memref<640x128xf32, #tpu.memory_space<hbm>>) target_semaphore(%run_scoped3A : memref<!tpu.dma_semaphore, #tpu.memory_space<semaphore_mem>>)
      %dma_wait3A_433 = arith.constant 0 : i32
      %dma_wait3A_434 = tpu.memref_slice %arg5[%mul3A_428, %dma_wait3A_433] : memref<10240x128xf32, #tpu.memory_space<hbm>> -> memref<640x128xf32, #tpu.memory_space<hbm>>
      %dma_wait3A_435 = arith.constant 0 : i32
      %dma_wait3A_436 = tpu.memref_slice %arg17[%mul3A_428, %dma_wait3A_435] : memref<10240x128xf32, #tpu.memory_space<vmem_shared>> -> memref<640x128xf32, #tpu.memory_space<vmem_shared>>
      tpu.wait_dma2 semaphore(%run_scoped3A : memref<!tpu.dma_semaphore, #tpu.memory_space<semaphore_mem>>) src(%dma_wait3A_436 : memref<640x128xf32, #tpu.memory_space<vmem_shared>>) dst(%dma_wait3A_434 : memref<640x128xf32, #tpu.memory_space<hbm>>)
      tpu.yield
    }) : () -> ()
    return
  }
}

module attributes {stable_mosaic.version = 14 : i64} {
  func.func @_layer1_body(%arg0: i32, %arg1: memref<400x128xf32, #tpu.memory_space<vmem>>, %arg2: memref<400x128xf32, #tpu.memory_space<vmem>>, %arg3: memref<400x16xf32, #tpu.memory_space<vmem>>, %arg4: memref<128x256xf32, #tpu.memory_space<vmem>>, %arg5: memref<128x256xf32, #tpu.memory_space<vmem>>, %arg6: memref<1x256xf32, #tpu.memory_space<vmem>>, %arg7: memref<256x128xf32, #tpu.memory_space<vmem>>, %arg8: memref<256x128xf32, #tpu.memory_space<vmem>>, %arg9: memref<1x128xf32, #tpu.memory_space<vmem>>, %arg10: memref<400x128xf32, #tpu.memory_space<vmem>>, %arg11: memref<400x128xf32, #tpu.memory_space<vmem>>) attributes {dimension_semantics = [#tpu.dimension_semantics<arbitrary>], iteration_bounds = array<i64: 25>, scalar_prefetch = 0 : i64, scratch_operands = 0 : i64, tpu.core_type = #tpu.core_type<tc>, window_params = [{transform_indices = @transform_0, window_bounds = array<i64: 400, 128>}, {transform_indices = @transform_1, window_bounds = array<i64: 400, 128>}, {transform_indices = @transform_2, window_bounds = array<i64: 400, 16>}, {pipeline_mode = #tpu.pipeline_mode<synchronous>, transform_indices = @transform_3, window_bounds = array<i64: 128, 256>}, {pipeline_mode = #tpu.pipeline_mode<synchronous>, transform_indices = @transform_4, window_bounds = array<i64: 128, 256>}, {pipeline_mode = #tpu.pipeline_mode<synchronous>, transform_indices = @transform_5, window_bounds = array<i64: 1, 256>}, {pipeline_mode = #tpu.pipeline_mode<synchronous>, transform_indices = @transform_6, window_bounds = array<i64: 256, 128>}, {pipeline_mode = #tpu.pipeline_mode<synchronous>, transform_indices = @transform_7, window_bounds = array<i64: 256, 128>}, {pipeline_mode = #tpu.pipeline_mode<synchronous>, transform_indices = @transform_8, window_bounds = array<i64: 1, 128>}, {transform_indices = @transform_9, window_bounds = array<i64: 400, 128>}, {transform_indices = @transform_10, window_bounds = array<i64: 400, 128>}]} {
    %get3A = arith.constant 0 : index
    %get3A_0 = arith.constant 0 : index
    %get3A_1 = vector.load %arg3[%get3A, %get3A_0] : memref<400x16xf32, #tpu.memory_space<vmem>>, vector<400x16xf32>
    %reduce_sum3A = arith.constant dense<0.000000e+00> : vector<400xf32>
    %reduce_sum3A_2 = vector.multi_reduction <add>, %get3A_1, %reduce_sum3A [1] : vector<400x16xf32> to vector<400xf32>
    %broadcast_in_dim3A = vector.shape_cast %reduce_sum3A_2 : vector<400xf32> to vector<400x1xf32>
    %get3A_3 = arith.constant 0 : index
    %get3A_4 = arith.constant 0 : index
    %get3A_5 = vector.load %arg2[%get3A_3, %get3A_4] : memref<400x128xf32, #tpu.memory_space<vmem>>, vector<400x128xf32>
    %max3A = arith.constant 1.000000e+00 : f32
    %max3A_6 = vector.broadcast %max3A : f32 to vector<400x1xf32>
    %max3A_7 = arith.maximumf %broadcast_in_dim3A, %max3A_6 : vector<400x1xf32>
    %div3A = vector.broadcast %max3A_7 : vector<400x1xf32> to vector<400x128xf32>
    %div3A_8 = arith.divf %get3A_5, %div3A : vector<400x128xf32>
    %get3A_9 = arith.constant 0 : index
    %get3A_10 = arith.constant 0 : index
    %get3A_11 = vector.load %arg4[%get3A_9, %get3A_10] : memref<128x256xf32, #tpu.memory_space<vmem>>, vector<128x256xf32>
    %dot_general3A = arith.constant dense<0.000000e+00> : vector<400x256xf32>
    %dot_general3A_12 = tpu.matmul %div3A_8, %get3A_11, %dot_general3A {dimension_numbers = #tpu.dot_dimension_numbers<[1], [0], [0], [1], [0, 0, 1, 1], [], []>, transpose_lhs_hint = false} : vector<400x128xf32>, vector<128x256xf32>, vector<400x256xf32> -> vector<400x256xf32>
    %get3A_13 = arith.constant 0 : index
    %get3A_14 = arith.constant 0 : index
    %get3A_15 = vector.load %arg1[%get3A_13, %get3A_14] : memref<400x128xf32, #tpu.memory_space<vmem>>, vector<400x128xf32>
    %get3A_16 = arith.constant 0 : index
    %get3A_17 = arith.constant 0 : index
    %get3A_18 = vector.load %arg5[%get3A_16, %get3A_17] : memref<128x256xf32, #tpu.memory_space<vmem>>, vector<128x256xf32>
    %dot_general3A_19 = arith.constant dense<0.000000e+00> : vector<400x256xf32>
    %dot_general3A_20 = tpu.matmul %get3A_15, %get3A_18, %dot_general3A_19 {dimension_numbers = #tpu.dot_dimension_numbers<[1], [0], [0], [1], [0, 0, 1, 1], [], []>, transpose_lhs_hint = false} : vector<400x128xf32>, vector<128x256xf32>, vector<400x256xf32> -> vector<400x256xf32>
    %add3A = arith.addf %dot_general3A_12, %dot_general3A_20 : vector<400x256xf32>
    %get3A_21 = arith.constant 0 : index
    %get3A_22 = arith.constant 0 : index
    %get3A_23 = vector.load %arg6[%get3A_21, %get3A_22] : memref<1x256xf32, #tpu.memory_space<vmem>>, vector<1x256xf32>
    %add3A_24 = vector.broadcast %get3A_23 : vector<1x256xf32> to vector<400x256xf32>
    %add3A_25 = arith.addf %add3A, %add3A_24 : vector<400x256xf32>
    %mul3A = arith.constant 5.000000e-01 : f32
    %mul3A_26 = vector.broadcast %mul3A : f32 to vector<400x256xf32>
    %mul3A_27 = arith.mulf %mul3A_26, %add3A_25 : vector<400x256xf32>
    %mul3A_28 = arith.constant 0.707106769 : f32
    %mul3A_29 = vector.broadcast %mul3A_28 : f32 to vector<400x256xf32>
    %mul3A_30 = arith.mulf %add3A_25, %mul3A_29 : vector<400x256xf32>
    %erf3A = math.erf %mul3A_30 : vector<400x256xf32>
    %add3A_31 = arith.constant 1.000000e+00 : f32
    %add3A_32 = vector.broadcast %add3A_31 : f32 to vector<400x256xf32>
    %add3A_33 = arith.addf %add3A_32, %erf3A : vector<400x256xf32>
    %mul3A_34 = arith.mulf %mul3A_27, %add3A_33 : vector<400x256xf32>
    %get3A_35 = arith.constant 0 : index
    %get3A_36 = arith.constant 0 : index
    %get3A_37 = vector.load %arg7[%get3A_35, %get3A_36] : memref<256x128xf32, #tpu.memory_space<vmem>>, vector<256x128xf32>
    %dot_general3A_38 = arith.constant dense<0.000000e+00> : vector<400x128xf32>
    %dot_general3A_39 = tpu.matmul %mul3A_34, %get3A_37, %dot_general3A_38 {dimension_numbers = #tpu.dot_dimension_numbers<[1], [0], [0], [1], [0, 0, 1, 1], [], []>, transpose_lhs_hint = false} : vector<400x256xf32>, vector<256x128xf32>, vector<400x128xf32> -> vector<400x128xf32>
    %swap3A = arith.constant 0 : index
    %swap3A_40 = arith.constant 0 : index
    %swap3A_41 = vector.load %arg10[%swap3A, %swap3A_40] : memref<400x128xf32, #tpu.memory_space<vmem>>, vector<400x128xf32>
    tpu.vector_store %arg10[%swap3A, %swap3A_40], %dot_general3A_39 {strides = array<i32>} : memref<400x128xf32, #tpu.memory_space<vmem>>, vector<400x128xf32>,
    %get3A_42 = arith.constant 0 : index
    %get3A_43 = arith.constant 0 : index
    %get3A_44 = vector.load %arg8[%get3A_42, %get3A_43] : memref<256x128xf32, #tpu.memory_space<vmem>>, vector<256x128xf32>
    %dot_general3A_45 = arith.constant dense<0.000000e+00> : vector<400x128xf32>
    %dot_general3A_46 = tpu.matmul %mul3A_34, %get3A_44, %dot_general3A_45 {dimension_numbers = #tpu.dot_dimension_numbers<[1], [0], [0], [1], [0, 0, 1, 1], [], []>, transpose_lhs_hint = false} : vector<400x256xf32>, vector<256x128xf32>, vector<400x128xf32> -> vector<400x128xf32>
    %get3A_47 = arith.constant 0 : index
    %get3A_48 = arith.constant 0 : index
    %get3A_49 = vector.load %arg9[%get3A_47, %get3A_48] : memref<1x128xf32, #tpu.memory_space<vmem>>, vector<1x128xf32>
    %add3A_50 = vector.broadcast %get3A_49 : vector<1x128xf32> to vector<400x128xf32>
    %add3A_51 = arith.addf %dot_general3A_46, %add3A_50 : vector<400x128xf32>
    %swap3A_52 = arith.constant 0 : index
    %swap3A_53 = arith.constant 0 : index
    %swap3A_54 = vector.load %arg11[%swap3A_52, %swap3A_53] : memref<400x128xf32, #tpu.memory_space<vmem>>, vector<400x128xf32>
    tpu.vector_store %arg11[%swap3A_52, %swap3A_53], %add3A_51 {strides = array<i32>} : memref<400x128xf32, #tpu.memory_space<vmem>>, vector<400x128xf32>,
    return
  }
  func.func @transform_0(%arg0: i32) -> (i32, i32) {
    %c0_i32 = arith.constant 0 : i32
    %c0_i32_0 = arith.constant 0 : i32
    return %arg0, %c0_i32 : i32, i32
  }
  func.func @transform_1(%arg0: i32) -> (i32, i32) {
    %c0_i32 = arith.constant 0 : i32
    %c0_i32_0 = arith.constant 0 : i32
    return %arg0, %c0_i32 : i32, i32
  }
  func.func @transform_2(%arg0: i32) -> (i32, i32) {
    %c0_i32 = arith.constant 0 : i32
    %c0_i32_0 = arith.constant 0 : i32
    return %arg0, %c0_i32 : i32, i32
  }
  func.func @transform_3(%arg0: i32) -> (i32, i32) {
    %c0_i32 = arith.constant 0 : i32
    %c0_i32_0 = arith.constant 0 : i32
    %c0_i32_1 = arith.constant 0 : i32
    return %c0_i32, %c0_i32_0 : i32, i32
  }
  func.func @transform_4(%arg0: i32) -> (i32, i32) {
    %c0_i32 = arith.constant 0 : i32
    %c0_i32_0 = arith.constant 0 : i32
    %c0_i32_1 = arith.constant 0 : i32
    return %c0_i32, %c0_i32_0 : i32, i32
  }
  func.func @transform_5(%arg0: i32) -> (i32, i32) {
    %c0_i32 = arith.constant 0 : i32
    %c0_i32_0 = arith.constant 0 : i32
    %c0_i32_1 = arith.constant 0 : i32
    return %c0_i32, %c0_i32_0 : i32, i32
  }
  func.func @transform_6(%arg0: i32) -> (i32, i32) {
    %c0_i32 = arith.constant 0 : i32
    %c0_i32_0 = arith.constant 0 : i32
    %c0_i32_1 = arith.constant 0 : i32
    return %c0_i32, %c0_i32_0 : i32, i32
  }
  func.func @transform_7(%arg0: i32) -> (i32, i32) {
    %c0_i32 = arith.constant 0 : i32
    %c0_i32_0 = arith.constant 0 : i32
    %c0_i32_1 = arith.constant 0 : i32
    return %c0_i32, %c0_i32_0 : i32, i32
  }
  func.func @transform_8(%arg0: i32) -> (i32, i32) {
    %c0_i32 = arith.constant 0 : i32
    %c0_i32_0 = arith.constant 0 : i32
    %c0_i32_1 = arith.constant 0 : i32
    return %c0_i32, %c0_i32_0 : i32, i32
  }
  func.func @transform_9(%arg0: i32) -> (i32, i32) {
    %c0_i32 = arith.constant 0 : i32
    %c0_i32_0 = arith.constant 0 : i32
    return %arg0, %c0_i32 : i32, i32
  }
  func.func @transform_10(%arg0: i32) -> (i32, i32) {
    %c0_i32 = arith.constant 0 : i32
    %c0_i32_0 = arith.constant 0 : i32
    return %arg0, %c0_i32 : i32, i32
  }
}

module attributes {stable_mosaic.version = 14 : i64} {
  func.func @_layer2_body(%arg0: i32, %arg1: memref<400x128xf32, #tpu.memory_space<vmem>>, %arg2: memref<400x16xf32, #tpu.memory_space<vmem>>, %arg3: memref<400x128xf32, #tpu.memory_space<vmem>>, %arg4: memref<400x128xf32, #tpu.memory_space<vmem>>) attributes {dimension_semantics = [#tpu.dimension_semantics<arbitrary>], iteration_bounds = array<i64: 25>, scalar_prefetch = 0 : i64, scratch_operands = 0 : i64, tpu.core_type = #tpu.core_type<tc>, window_params = [{transform_indices = @transform_0, window_bounds = array<i64: 400, 128>}, {transform_indices = @transform_1, window_bounds = array<i64: 400, 16>}, {transform_indices = @transform_2, window_bounds = array<i64: 400, 128>}, {transform_indices = @transform_3, window_bounds = array<i64: 400, 128>}]} {
    %get3A = arith.constant 0 : index
    %get3A_0 = arith.constant 0 : index
    %get3A_1 = vector.load %arg2[%get3A, %get3A_0] : memref<400x16xf32, #tpu.memory_space<vmem>>, vector<400x16xf32>
    %reduce_sum3A = arith.constant dense<0.000000e+00> : vector<400xf32>
    %reduce_sum3A_2 = vector.multi_reduction <add>, %get3A_1, %reduce_sum3A [1] : vector<400x16xf32> to vector<400xf32>
    %broadcast_in_dim3A = vector.shape_cast %reduce_sum3A_2 : vector<400xf32> to vector<400x1xf32>
    %get3A_3 = arith.constant 0 : index
    %get3A_4 = arith.constant 0 : index
    %get3A_5 = vector.load %arg1[%get3A_3, %get3A_4] : memref<400x128xf32, #tpu.memory_space<vmem>>, vector<400x128xf32>
    %max3A = arith.constant 1.000000e+00 : f32
    %max3A_6 = vector.broadcast %max3A : f32 to vector<400x1xf32>
    %max3A_7 = arith.maximumf %broadcast_in_dim3A, %max3A_6 : vector<400x1xf32>
    %div3A = vector.broadcast %max3A_7 : vector<400x1xf32> to vector<400x128xf32>
    %div3A_8 = arith.divf %get3A_5, %div3A : vector<400x128xf32>
    %get3A_9 = arith.constant 0 : index
    %get3A_10 = arith.constant 0 : index
    %get3A_11 = vector.load %arg3[%get3A_9, %get3A_10] : memref<400x128xf32, #tpu.memory_space<vmem>>, vector<400x128xf32>
    %add3A = arith.addf %div3A_8, %get3A_11 : vector<400x128xf32>
    %swap3A = arith.constant 0 : index
    %swap3A_12 = arith.constant 0 : index
    %swap3A_13 = vector.load %arg4[%swap3A, %swap3A_12] : memref<400x128xf32, #tpu.memory_space<vmem>>, vector<400x128xf32>
    tpu.vector_store %arg4[%swap3A, %swap3A_12], %add3A {strides = array<i32>} : memref<400x128xf32, #tpu.memory_space<vmem>>, vector<400x128xf32>,
    return
  }
  func.func @transform_0(%arg0: i32) -> (i32, i32) {
    %c0_i32 = arith.constant 0 : i32
    %c0_i32_0 = arith.constant 0 : i32
    return %arg0, %c0_i32 : i32, i32
  }
  func.func @transform_1(%arg0: i32) -> (i32, i32) {
    %c0_i32 = arith.constant 0 : i32
    %c0_i32_0 = arith.constant 0 : i32
    return %arg0, %c0_i32 : i32, i32
  }
  func.func @transform_2(%arg0: i32) -> (i32, i32) {
    %c0_i32 = arith.constant 0 : i32
    %c0_i32_0 = arith.constant 0 : i32
    return %arg0, %c0_i32 : i32, i32
  }
  func.func @transform_3(%arg0: i32) -> (i32, i32) {
    %c0_i32 = arith.constant 0 : i32
    %c0_i32_0 = arith.constant 0 : i32
    return %arg0, %c0_i32 : i32, i32
  }
}

</mosaic_0001>

<sc_bundles>
// kernel: kernel.6.cloned.1.call-start
scs
__scs_entry_jumppad:
0x0: {  	(pc) =	sbr.rel $0x88, $3  }
0x1: {  	(tag) =	ssettag $0x0;
	lr =	simm.s32 $0x1  }
0x2: {  	[smem:$0x3F99] =	sst lr;
	_ =	strace $0xD0000000  }
0x3: {  	_ = 	snop  }
0x4: {  	_ = 	snop  }
0x5: {  	_ = 	snop  }
0x6: {  	_ = 	snop  }
0x7: {  	_ = 	snop  }
__scs_overlays_trampoline_lowered:
0x8: {  	[smem:$0x3FA8] =	sst s0  }
0x9: {  	[smem:$0x3FA9] =	sst s1  }
0xa: {  	[smem:$0x3FAA] =	sst s2  }
0xb: {  	[smem:$0x3FAB] =	sst s3  }
0xc: {  	[smem:$0x3FAC] =	sst s4  }
0xd: {  	[smem:$0x3FAD] =	sst s5  }
0xe: {  	[smem:$0x3FAE] =	sst s6  }
0xf: {  	[smem:$0x3FAF] =	sst s7  }
0x10: {  	[smem:$0x3FB0] =	sst s8  }
0x11: {  	[smem:$0x3FB1] =	sst s9;
	s0 =	simm.s32 @!p0 $0x0  }
0x12: {  	s1 =	sld [smem:$0x3F97];
	s0 =	simm.s32 @p0 $0x1  }
0x13: {  	[smem:$0x3FB2] =	sst s0;
	s0 =	simm.s32 @!p1 $0x0  }
0x14: {  	s2 =	sld [smem:$0x3F96];
	s0 =	simm.s32 @p1 $0x1  }
0x15: {  	[smem:$0x3FB3] =	sst s0;
	s0 =	simm.s32 @!p2 $0x0  }
0x16: {  	s3 =	sld [smem:$0x3FDB];
	s0 =	simm.s32 @p2 $0x1  }
0x17: {  	s4 =	simm.s32 $0x1BF5;
	[smem:$0x3FB5] =	sst s0  }
0x18: {  	s0 =	sld [smem:$0x3F98];
	_ =	swait.ge [sflag:s4], $0x0  }
0x19: {  	s7 =	sld [smem:$0x3F99]  }
0x1a: {  	s8 =	sadd.s32 $0xFFFFE003, lr  }
0x1b: {  	s9 =	sadd.s32 $0xFFFFFEF7, lr;
	s5 =	simm.s32 $0xFFFFFFFF;
	p2 =	slt.u32 s8, $0xFFFFF086  }
0x1c: {  	p1 =	slt.u32 s9, $0xF7A;
	s5 =	simm.s32 @!p2 $0x0  }
0x1d: {  	s5 =	simm.s32 @p1 $0x1;
	p0 =	seq.s32 s7, s2  }
0x1e: {  	s7 =	smul.u32 @!p0 $0xF7A, s2;
	p2 =	seq.s32 @!p0 s5, $0x0  }
0x1f: {  	s9 =	smul.u32 $0xF7A, s1;
	s8 =	simm.s32 @!p0 $0x1BF5;
	p2 =	por !p2, p0  }
0x20: {  	[sflag:s8] =	ssyncset.s32 @!p0 $0xFFFFF086;
	s6 =	sadd.s32 @!p0 s3, s7;
	s7 =	simm.s32 @!p0 $0x108  }
0x21: {  	s3 =	sadd.s32 s3, s9;
	s6 =	sadd.s32 @!p0 $0x88, s6;
	s7 =	simm.s32 @p2 $0x1082  }
0x22: {  	[simem:s7], [sflag:s8] =	dma.local @!p0 [hbm:s6], $0xF7A  }
0x23: {  	s9 =	sor.u32 $0xD0000000, s2;
	s6 =	simm.s32 $0x108;
	_ =	swait.ge @!p0 [sflag:s8], $0x0  }
0x24: {  	s3 =	sadd.s32 $0x88, s3;
	s6 =	simm.s32 @!p1 $0x1082;
	[sflag:s4] =	ssyncset.s32 $0xFFFFF086  }
0x25: {  	[simem:s6], [sflag:s4] =	dma.local [hbm:s3], $0xF7A  }
0x26: {  	[smem:$0x3F99] =	sst s1;
	(tag) =	ssettag s2;
	_ =	strace s9  }
0x27: {  	s1 =	sld [smem:$0x3FA9]  }
0x28: {  	s2 =	sld [smem:$0x3FAA]  }
0x29: {  	s4 =	sld [smem:$0x3FAC]  }
0x2a: {  	p0 =	seq.s32 s5, $0x0;
	s5 =	sld [smem:$0x3FAD]  }
0x2b: {  	s6 =	sld [smem:$0x3FAE]  }
0x2c: {  	s7 =	sld [smem:$0x3FAF]  }
0x2d: {  	s3 =	simm.s32 $0x108;
	s8 =	sld [smem:$0x3FB0]  }
0x2e: {  	s3 =	simm.s32 @!p0 $0x1082;
	s9 =	sld [smem:$0x3FB1]  }
0x2f: {  	lr =	sadd.s32 s0, s3;
	s0 =	sld [smem:$0x3FA8]  }
0x30: {  	s3 =	sld [smem:$0x3FAB]  }
0x31: {  	[smem:$0x3FB4] =	sst s10  }
0x32: {  	s10 =	sld [smem:$0x3FB2];
	_ =	sdelay $0x3  }
0x33: {  	p0 =	seq.s32 s10, $0x1;
	s10 =	sld [smem:$0x3FB4];
	_ =	sdelay $0x3  }
0x34: {  	[smem:$0x3FB4] =	sst s10  }
0x35: {  	s10 =	sld [smem:$0x3FB3];
	_ =	sdelay $0x3  }
0x36: {  	p1 =	seq.s32 s10, $0x1;
	s10 =	sld [smem:$0x3FB4];
	_ =	sdelay $0x3  }
0x37: {  	[smem:$0x3FB4] =	sst s10  }
0x38: {  	s10 =	sld [smem:$0x3FB5]  }
0x39: {  	_ = 	snop;
	(pc) =	sbr.ind lr, $3  }
0x3a: {  	_ = 	snop  }
0x3b: {  	_ = 	snop  }
0x3c: {  	p2 =	seq.s32 s10, $0x1;
	s10 =	sld [smem:$0x3FB4]  }
0x3d: {  	_ =	shalt  }
0x3e: {  	_ =	shalt  }
0x3f: {  	_ =	shalt  }
0x40: {  	_ =	shalt  }
0x41: {  	_ =	shalt  }
0x42: {  	_ =	shalt  }
0x43: {  	_ =	shalt  }
0x44: {  	_ =	shalt  }
0x45: {  	_ =	shalt  }
0x46: {  	_ =	shalt  }
0x47: {  	_ =	shalt  }
0x48: {  	_ =	shalt  }
0x49: {  	_ =	shalt  }
0x4a: {  	_ =	shalt  }
0x4b: {  	_ =	shalt  }
0x4c: {  	_ =	shalt  }
0x4d: {  	_ =	shalt  }
0x4e: {  	_ =	shalt  }
0x4f: {  	_ =	shalt  }
0x50: {  	_ =	shalt  }
0x51: {  	_ =	shalt  }
0x52: {  	_ =	shalt  }
0x53: {  	_ =	shalt  }
0x54: {  	_ =	shalt  }
0x55: {  	_ =	shalt  }
0x56: {  	_ =	shalt  }
0x57: {  	_ =	shalt  }
0x58: {  	_ =	shalt  }
0x59: {  	_ =	shalt  }
0x5a: {  	_ =	shalt  }
0x5b: {  	_ =	shalt  }
0x5c: {  	_ =	shalt  }
0x5d: {  	_ =	shalt  }
0x5e: {  	_ =	shalt  }
0x5f: {  	_ =	shalt  }
0x60: {  	_ =	shalt  }
0x61: {  	_ =	shalt  }
0x62: {  	_ =	shalt  }
0x63: {  	_ =	shalt  }
0x64: {  	_ =	shalt  }
0x65: {  	_ =	shalt  }
0x66: {  	_ =	shalt  }
0x67: {  	_ =	shalt  }
0x68: {  	_ =	shalt  }
0x69: {  	_ =	shalt  }
0x6a: {  	_ =	shalt  }
0x6b: {  	_ =	shalt  }
0x6c: {  	_ =	shalt  }
0x6d: {  	_ =	shalt  }
0x6e: {  	_ =	shalt  }
0x6f: {  	_ =	shalt  }
0x70: {  	_ =	shalt  }
0x71: {  	_ =	shalt  }
0x72: {  	_ =	shalt  }
0x73: {  	_ =	shalt  }
0x74: {  	_ =	shalt  }
0x75: {  	_ =	shalt  }
0x76: {  	_ =	shalt  }
0x77: {  	_ =	shalt  }
0x78: {  	_ =	shalt  }
0x79: {  	_ =	shalt  }
0x7a: {  	_ =	shalt  }
0x7b: {  	_ =	shalt  }
0x7c: {  	_ =	shalt  }
0x7d: {  	_ =	shalt  }
0x7e: {  	_ =	shalt  }
0x7f: {  	_ =	shalt  }
0x80: {  	_ =	shalt  }
0x81: {  	_ =	shalt  }
0x82: {  	_ =	shalt  }
0x83: {  	_ =	shalt  }
0x84: {  	_ =	shalt  }
0x85: {  	_ =	shalt  }
0x86: {  	_ =	shalt  }
0x87: {  	_ =	shalt  }
.Lfunc_end0:
.L_simem_size_0:
called_computation_lowered:
.L_overlay_start_0:
0x88: {  	s0 =	sld [smem:$0x3FD9]  }
0x89: {  	s1 =	sld [smem:$0x3FFE];
	_ =	sdelay $0x3  }
0x8a: {  	s0 =	sadd.s32 s1, s0  }
0x8b: {  	[smem:$0x3FC0] =	sst s0  }
0x8c: {  	_ = 	snop  }
0x8d: {  	s0 =	sld [smem:$0x3FC9]  }
0x8e: {  	s16 =	sld [smem:$0x3FD0];
	(tm) =	ssettm $0x1  }
0x8f: {  	s2 =	sld [smem:$0x3FFB];
	_ =	sdelay $0x3  }
0x90: {  	_ =	strace s2  }
0x91: {  	s2 =	sld [smem:$0x3FFC];
	_ =	sdelay $0x3  }
0x92: {  	_ =	strace s2  }
0x93: {  	s2 =	sld [smem:$0x3FFD];
	_ =	sdelay $0x3  }
0x94: {  	_ =	strace s2  }
0x95: {  	_ =	strace $0x8FFFFFFF  }
0x96: {  	s17 =	sld [smem:$0x3FDB];
	_ =	sdelay $0x1  }
0x97: {  	s3 =	simm.s32 $_scs_section_size  }
0x98: {  	s4 =	simm.s32 $_size__tile_overlayer_lowered;
	s5 =	simm.s32 $_tile_overlayer_lowered  }
0x99: {  	s20 =	simm.s32 $0x1BFF;
	s19 =	sshll.u32 s5, $0x1;
	s2 =	sadd.s32 s3, s17  }
0x9a: {  	s6 =	simm.s32 $0x0;
	s18 =	sshll.u32 s4, $0x1;
	s4 =	sadd.s32 s19, s2  }
0x9b: {  	[timem:s6], [sflag:s20] =	dma.local [hbm:s4], s18  }
0x9c: {  	_ =	swait.ge [sflag:s20], s18  }
0x9d: {  	s3 =	ssub.s32 $0x0, s18;
	[sflag:s20] =	ssyncset.done $0x0  }
0x9e: {  	[sflag:s20] =	ssyncadd.s32 s3;
	_ =	sdelay $0x1  }
0x9f: {  	s21 =	simm.s32 $0x1B8B  }
0xa0: {  	_ =	swait.ge [sflag:s21], $0x1  }
0xa1: {  	[sflag:s21] =	ssyncset.done $0x0  }
0xa2: {  	s23 =	simm.s32 $0x1B8E;
	s22 =	sld [smem:$0x3FFE];
	[sflag:s21] =	ssyncadd.s32 $0xFFFFFFFF  }
0xa3: {  	s24 =	simm.s32 $execute0_lowered;
	[smem:$0x3FD2] =	sst s23  }
0xa4: {  	s4 =	sshll.u32 s24, $0x1;
	_ =	strace $0x80000046;
	[dreg:$0x1] =	wrdreg $0xFFFFFFFF  }
0xa5: {  	s25 =	simm.s32 $_size_execute0_lowered;
	s2 =	sadd.s32 s2, s4;
	[dreg:$0x0] =	wrdreg $0x0  }
0xa6: {  	s4 =	sshll.u32 s25, $0x1;
	[dreg:$0x2] =	wrdreg s2  }
0xa7: {  	[dreg:$0x3] =	wrdreg s4  }
0xa8: {  	[dreg:$0x4] =	wrdreg $0xC0  }
0xa9: {  	_ =	task [dreg:s6], $0x5FFFF  }
0xaa: {  	[dreg:$0x1] =	wrdreg $0xFFFFFFFF  }
0xab: {  	[dreg:$0x0] =	wrdreg $0x60  }
0xac: {  	[dreg:$0x2] =	wrdreg s0  }
0xad: {  	[dreg:$0x3] =	wrdreg s22  }
0xae: {  	[dreg:$0x4] =	wrdreg s16  }
0xaf: {  	[dreg:$0x5] =	wrdreg $0x88000  }
0xb0: {  	[dreg:$0x6] =	wrdreg $0x9  }
0xb1: {  	_ =	task.clear_ibuf [dreg:s6], $0x7FFFF;
	_ =	strace $0x90000046  }
0xb2: {  	s26 =	simm.s32 $0x9;
	_ =	strace $0x80000048  }
0xb3: {  	_ =	swait.ge [sflag:s26], $0x1  }
0xb4: {  	[sflag:s26] =	ssyncadd.s32 $0xFFFFFFFF  }
0xb5: {  	_ =	strace $0x90000048  }
0xb6: {  	_ =	sfence  }
0xb7: {  	s28 =	sld [smem:$0x0];
	_ =	sdelay $0x1  }
0xb8: {  	s29 =	srdreg.scid  }
0xb9: {  	s30 =	sshll.u32 s29, $0xD;
	s31 =	sshrl.u32 s29, $0x2  }
0xba: {  	s1 =	sand.u32 $0x1, s29;
	s2 =	sand.u32 $0x4000, s30;
	s0 =	sadd.s32 s31, s28  }
0xbb: {  	s1 =	sor.u32 s2, s1;
	s0 =	sshll.u32 s0, $0x11  }
0xbc: {  	s0 =	sor.u32 s0, s1  }
0xbd: {  	s0 =	sadd.s32 $0x8F2B, s0  }
0xbe: {  	[sflag:s0] =	ssyncadd.remote.s32 $0x1  }
0xbf: {  	_ =	sfence.sel $0xFFFF  }
0xc0: {  	[dreg:$0x0] =	wrdreg $0xFFFFFFFF;
	(pc) =	sbr.abs _section_cstart, $3  }
0xc1: {  	[dreg:$0x1] =	wrdreg $0xFFFFFFFF  }
0xc2: {  	_ =	task.clear_ibuf [dreg:s6], $0x2FFFF;
	_ =	strace $0x9FFFFFFF  }
0xc3: {  	(tm) =	ssettm $0x7FFFFFFF  }
tec
execute0_lowered:
.L_overlay_start_1:
0x0: {  	(tag) =	ssettag $0x1  }
0x1: {  	s2 =	rddreg [dreg:$0x0]  }
0x2: {  	s4 =	rddreg [dreg:$0x1];
	s0 =	simm.s32 $0x0  }
0x3: {  	v0 =	vimm.f32 $0.0e+00;
	[smem:$0x7FF] =	sst s0  }
0x4: {  	s3 =	rddreg [dreg:$0x3];
	_ =	strace $0x80000047;
	[tilespmem:$0x8400] =	vst v0  }
0x5: {  	[tilespmem:$0x8410] =	vst v0  }
0x6: {  	[tilespmem:$0x8420] =	vst v0  }
0x7: {  	[tilespmem:$0x8430] =	vst v0  }
0x8: {  	[tilespmem:$0x8440] =	vst v0  }
0x9: {  	[tilespmem:$0x8450] =	vst v0  }
0xa: {  	[tilespmem:$0x8460] =	vst v0  }
0xb: {  	[tilespmem:$0x8470] =	vst v0  }
0xc: {  	[tilespmem:$0x8480] =	vst v0  }
0xd: {  	[tilespmem:$0x8490] =	vst v0  }
0xe: {  	[tilespmem:$0x84A0] =	vst v0  }
0xf: {  	[tilespmem:$0x84B0] =	vst v0  }
0x10: {  	[tilespmem:$0x84C0] =	vst v0  }
0x11: {  	[tilespmem:$0x84D0] =	vst v0  }
0x12: {  	[tilespmem:$0x84E0] =	vst v0  }
0x13: {  	[tilespmem:$0x84F0] =	vst v0  }
0x14: {  	[tilespmem:$0x8500] =	vst v0  }
0x15: {  	[tilespmem:$0x8510] =	vst v0  }
0x16: {  	[tilespmem:$0x8520] =	vst v0  }
0x17: {  	[tilespmem:$0x8530] =	vst v0  }
0x18: {  	[tilespmem:$0x8540] =	vst v0  }
0x19: {  	[tilespmem:$0x8550] =	vst v0  }
0x1a: {  	[tilespmem:$0x8560] =	vst v0  }
0x1b: {  	[tilespmem:$0x8570] =	vst v0  }
0x1c: {  	[tilespmem:$0x8580] =	vst v0  }
0x1d: {  	[tilespmem:$0x8590] =	vst v0  }
0x1e: {  	[tilespmem:$0x85A0] =	vst v0  }
0x1f: {  	[tilespmem:$0x85B0] =	vst v0  }
0x20: {  	[tilespmem:$0x85C0] =	vst v0  }
0x21: {  	[tilespmem:$0x85D0] =	vst v0  }
0x22: {  	[tilespmem:$0x85E0] =	vst v0  }
0x23: {  	[tilespmem:$0x85F0] =	vst v0  }
0x24: {  	[tilespmem:$0x8600] =	vst v0  }
0x25: {  	[tilespmem:$0x8610] =	vst v0  }
0x26: {  	[tilespmem:$0x8620] =	vst v0  }
0x27: {  	[tilespmem:$0x8630] =	vst v0  }
0x28: {  	[tilespmem:$0x8640] =	vst v0  }
0x29: {  	[tilespmem:$0x8650] =	vst v0  }
0x2a: {  	[tilespmem:$0x8660] =	vst v0  }
0x2b: {  	[tilespmem:$0x8670] =	vst v0  }
0x2c: {  	[tilespmem:$0x8680] =	vst v0  }
0x2d: {  	[tilespmem:$0x8690] =	vst v0  }
0x2e: {  	[tilespmem:$0x86A0] =	vst v0  }
0x2f: {  	[tilespmem:$0x86B0] =	vst v0  }
0x30: {  	[tilespmem:$0x86C0] =	vst v0  }
0x31: {  	[tilespmem:$0x86D0] =	vst v0  }
0x32: {  	[tilespmem:$0x86E0] =	vst v0  }
0x33: {  	[tilespmem:$0x86F0] =	vst v0  }
0x34: {  	[tilespmem:$0x8700] =	vst v0  }
0x35: {  	[tilespmem:$0x8710] =	vst v0  }
0x36: {  	[tilespmem:$0x8720] =	vst v0  }
0x37: {  	[tilespmem:$0x8730] =	vst v0  }
0x38: {  	[tilespmem:$0x8740] =	vst v0  }
0x39: {  	[tilespmem:$0x8750] =	vst v0  }
0x3a: {  	[tilespmem:$0x8760] =	vst v0  }
0x3b: {  	[tilespmem:$0x8770] =	vst v0  }
0x3c: {  	[tilespmem:$0x8780] =	vst v0  }
0x3d: {  	[tilespmem:$0x8790] =	vst v0  }
0x3e: {  	[tilespmem:$0x87A0] =	vst v0  }
0x3f: {  	[tilespmem:$0x87B0] =	vst v0  }
0x40: {  	[tilespmem:$0x87C0] =	vst v0  }
0x41: {  	s6 =	simm.s32 $0x40;
	[tilespmem:$0x87D0] =	vst v0  }
0x42: {  	s0 =	sadd.s32 $0xCA00, s4;
	s1 =	sadd.s32 $0x2800, s4;
	s4 =	sadd.s32 $0x16C00, s4;
	[tilespmem:$0x87E0] =	vst v0  }
0x43: {  	s7 =	simm.s32 $0x0;
	[dreg:$0x7] =	wrdreg s4;
	s4 =	stileid.u32;
	[tilespmem:$0x87F0] =	vst v0  }
.LBB2_1:
0x44: {  	p0 =	sne.s32 s6, $0x9FC0;
	[tilespmem:s7+$0x1C800] =	vst v0;
	s7 =	smov.u32 s6;
	s6 =	sadd.s32 $0x40, s6  }
.Ltmp0:
0x45: {  	(pc) =	sbr.rel @p0 .LBB2_1-.Ltmp0, $2  }
0x46: {  	_ =	sdelay $0x2  }
0x47: {  	s7 =	sshra.s32 s7, $0x2  }
0x48: {  	s6 =	smul.u32 $0x50000, s4;
	_ =	sdelay $0x1  }
0x49: {  	s6 =	sshrl.u32 s6, $0x2  }
0x4a: {  	s6 =	sadd.s32 s6, s3  }
0x4b: {  	[tilespmem:s7+$0x1C800] =	vst v0;
	s8 =	simm.s32 $0x8400;
	s7 =	simm.s32 $0xD;
	s31 =	sadd.s32 $0x0, s6  }
0x4c: {  	[spmem:s31] =	stream.linear.scatter [tilespmem:s8], [sflag:$0xD], $0x400, $0x38;
	[tilespmem:$0x1F000] =	vst v63  }
0x4d: {  	s9 =	simm.s32 $0x1000;
	_ =	swait.ge [sflag:s7], $0x400  }
.LBB2_3:
0x4e: {  	s10 =	sshra.s32 s9, $0x2;
	[sflag:s7] =	ssyncset.done $0x0;
	p0 =	sne.s32 s9, $0x4F000  }
.Ltmp1:
0x4f: {  	s10 =	sadd.s32 s10, s6;
	[sflag:s7] =	ssyncadd.s32 $0xFFFFFC00;
	(pc) =	sbr.rel @p0 .LBB2_3-.Ltmp1, $3  }
0x50: {  	[spmem:s10] =	stream.linear.scatter [tilespmem:s8], [sflag:$0xD], $0x400, $0x38;
	[tilespmem:$0x1F000] =	vst v63  }
0x51: {  	s9 =	sadd.s32 $0x1000, s9;
	_ =	sdelay $0x1  }
0x52: {  	_ =	swait.ge [sflag:s7], $0x400  }
0x53: {  	s8 =	smul.u32 $0x5000, s4;
	[sflag:s7] =	ssyncset.done $0x0;
	s12 =	simm.s32 $0x5  }
0x54: {  	s13 =	simm.s32 $0x400;
	s14 =	smul.u32 $0xA00, s4;
	s15 =	simm.s32 $0x2  }
0x55: {  	s16 =	simm.s32 $0x6;
	s17 =	simm.s32 $0x4400;
	s18 =	simm.s32 $0x1C800  }
0x56: {  	s19 =	simm.s32 $0x100;
	s20 =	simm.s32 $0x300;
	s21 =	simm.s32 $0xA  }
0x57: {  	s22 =	simm.s32 $0xB;
	[sflag:s7] =	ssyncadd.s32 $0xFFFFFC00;
	s8 =	sshrl.u32 s8, $0x3  }
0x58: {  	s7 =	simm.s32 $0x0;
	[bflag:$0x0] =	sbarrier.arrive $0xFFFF;
	s9 =	sadd.s32 s0, s8  }
0x59: {  	[tilespmem:s7], [sflag:$0x1] =	stream.linear.gather [hbm4b:s9+s7], $0x80, $0x38;
	[tilespmem:$0x1F000] =	vst v63  }
0x5a: {  	s23 =	sadd.s32 s1, s8;
	s10 =	sor.u32 $0x10, s8;
	s8 =	simm.s32 $0x200  }
0x5b: {  	[tilespmem:s8], [sflag:$0x5] =	stream.linear.gather [hbm4b:s23+s7], $0x80, $0x38;
	[tilespmem:$0x1F000] =	vst v63  }
0x5c: {  	s28 =	simm.s32 $0xC;
	s11 =	sadd.s32 s0, s10;
	s9 =	simm.s32 $0x80  }
0x5d: {  	[tilespmem:s9], [sflag:$0x2] =	stream.linear.gather [hbm4b:s11+s7], $0x80, $0x38;
	[tilespmem:$0x1F000] =	vst v63  }
0x5e: {  	s24 =	sadd.s32 s1, s10;
	s10 =	simm.s32 $0x280;
	s11 =	simm.s32 $0x1  }
0x5f: {  	[tilespmem:s10], [sflag:$0x6] =	stream.linear.gather [hbm4b:s24+s7], $0x80, $0x38;
	[tilespmem:$0x1F000] =	vst v63  }
0x60: {  	s29 =	simm.s32 $0x4;
	s30 =	simm.s32 $0x8;
	_ =	swait.ge [sflag:s11], $0x80  }
0x61: {  	s31 =	simm.s32 $0x0;
	s25 =	sadd.s32 s14, s1;
	[sflag:s11] =	ssyncset.done $0x0  }
0x62: {  	s26 =	sadd.s32 s14, s0;
	s14 =	simm.s32 $0x9;
	[sflag:s11] =	ssyncadd.s32 $0xFFFFFF80  }
0x63: {  	s23 =	simm.s32 $0x3;
	_ =	swait.ge [sflag:s12], $0x80;
	[dreg:$0x5] =	wrdreg s25  }
0x64: {  	s24 =	simm.s32 $0x7;
	[dreg:$0x6] =	wrdreg s26;
	[sflag:s12] =	ssyncset.done $0x0  }
0x65: {  	s25 =	simm.s32 $0x180;
	s26 =	simm.s32 $0x380;
	[sflag:s12] =	ssyncadd.s32 $0xFFFFFF80  }
0x66: {  	v0 =	vimm.f32 $1.000000000e+00;
	[tilespmem:s13], [sflag:$0x9] =	stream.indirect.gather [hbm4b:s2+s9], $0x80, s7, s9, $0xb8;
	[tilespmem:$0x1F000] =	vst v63  }
.LBB2_5:
0x67: {  	_ =	swait.ge [sflag:s14], $0x4000  }
0x68: {  	p0 =	seq.s32 s31, $0x0;
	[sflag:s14] =	ssyncset.done $0x0  }
0x69: {  	s0 =	simm.s32 @!p0 $0xC;
	[sflag:s14] =	ssyncadd.s32 $0xFFFFC000  }
0x6a: {  	_ =	swait.ge @!p0 [sflag:s0], $0x4000  }
0x6b: {  	[sflag:s0] =	ssyncset.done @!p0 $0x0  }
0x6c: {  	[sflag:s0] =	ssyncadd.s32 @!p0 $0xFFFFC000  }
0x6d: {  	_ =	swait.ge [sflag:s15], $0x80  }
0x6e: {  	[sflag:s15] =	ssyncset.done $0x0  }
0x6f: {  	[sflag:s15] =	ssyncadd.s32 $0xFFFFFF80  }
0x70: {  	_ =	swait.ge [sflag:s16], $0x80  }
0x71: {  	[sflag:s16] =	ssyncset.done $0x0  }
0x72: {  	[sflag:s16] =	ssyncadd.s32 $0xFFFFFF80  }
0x73: {  	[tilespmem:s17], [sflag:$0xA] =	stream.indirect.gather [hbm4b:s2+s9], $0x80, s9, s9, $0xb8;
	[tilespmem:$0x1F000] =	vst v63  }
0x74: {  	_ = 	snop  }
0x75: {  	[spmem:s3] =	stream.indirect.scatter.add.f32 [tilespmem:s13], [sflag:$0xB], $0x80, s8, s9, $0xb8;
	[tilespmem:$0x1F000] =	vst v63  }
0x76: {  	v1 =	vld [tilespmem:$0x200];
	_ =	sdelay $0x7  }
0x77: {  	[tilespmem:v1+s18+$0x0] =	vst.idx.add.f32.msk $0xffff, v0  }
0x78: {  	v1 =	vld [tilespmem:$0x210];
	_ =	sdelay $0x7  }
0x79: {  	[tilespmem:v1+s18+$0x0] =	vst.idx.add.f32.msk $0xffff, v0  }
0x7a: {  	v1 =	vld [tilespmem:$0x220];
	_ =	sdelay $0x7  }
0x7b: {  	[tilespmem:v1+s18+$0x0] =	vst.idx.add.f32.msk $0xffff, v0  }
0x7c: {  	v1 =	vld [tilespmem:$0x230];
	_ =	sdelay $0x7  }
0x7d: {  	[tilespmem:v1+s18+$0x0] =	vst.idx.add.f32.msk $0xffff, v0  }
0x7e: {  	v1 =	vld [tilespmem:$0x240];
	_ =	sdelay $0x7  }
0x7f: {  	[tilespmem:v1+s18+$0x0] =	vst.idx.add.f32.msk $0xffff, v0  }
0x80: {  	v1 =	vld [tilespmem:$0x250];
	_ =	sdelay $0x7  }
0x81: {  	[tilespmem:v1+s18+$0x0] =	vst.idx.add.f32.msk $0xffff, v0  }
0x82: {  	v1 =	vld [tilespmem:$0x260];
	_ =	sdelay $0x7  }
0x83: {  	[tilespmem:v1+s18+$0x0] =	vst.idx.add.f32.msk $0xffff, v0  }
0x84: {  	v1 =	vld [tilespmem:$0x270];
	_ =	sdelay $0x5  }
0x85: {  	s1 =	rddreg [dreg:$0x6]  }
0x86: {  	s0 =	sadd.s32 s31, s1;
	s1 =	rddreg [dreg:$0x5]  }
0x87: {  	s5 =	sadd.s32 $0x20, s0;
	s1 =	sadd.s32 s31, s1;
	[tilespmem:v1+s18+$0x0] =	vst.idx.add.f32.msk $0xffff, v0  }
0x88: {  	[tilespmem:s19], [sflag:$0x3] =	stream.linear.gather [hbm4b:s5+s7], $0x80, $0x38;
	[tilespmem:$0x1F000] =	vst v63  }
0x89: {  	s5 =	sadd.s32 $0x20, s1  }
0x8a: {  	[tilespmem:s20], [sflag:$0x7] =	stream.linear.gather [hbm4b:s5+s7], $0x80, $0x38;
	[tilespmem:$0x1F000] =	vst v63  }
0x8b: {  	_ =	swait.ge [sflag:s21], $0x4000  }
0x8c: {  	[sflag:s21] =	ssyncset.done $0x0  }
0x8d: {  	[sflag:s21] =	ssyncadd.s32 $0xFFFFC000  }
0x8e: {  	_ =	swait.ge [sflag:s22], $0x4000  }
0x8f: {  	[sflag:s22] =	ssyncset.done $0x0  }
0x90: {  	[sflag:s22] =	ssyncadd.s32 $0xFFFFC000  }
0x91: {  	_ =	swait.ge [sflag:s23], $0x80  }
0x92: {  	[sflag:s23] =	ssyncset.done $0x0  }
0x93: {  	[sflag:s23] =	ssyncadd.s32 $0xFFFFFF80  }
0x94: {  	_ =	swait.ge [sflag:s24], $0x80  }
0x95: {  	[sflag:s24] =	ssyncset.done $0x0  }
0x96: {  	[sflag:s24] =	ssyncadd.s32 $0xFFFFFF80  }
0x97: {  	[tilespmem:s13], [sflag:$0x9] =	stream.indirect.gather [hbm4b:s2+s9], $0x80, s19, s9, $0xb8;
	[tilespmem:$0x1F000] =	vst v63  }
0x98: {  	_ = 	snop  }
0x99: {  	[spmem:s3] =	stream.indirect.scatter.add.f32 [tilespmem:s17], [sflag:$0xC], $0x80, s10, s9, $0xb8;
	[tilespmem:$0x1F000] =	vst v63  }
0x9a: {  	v1 =	vld [tilespmem:$0x280];
	_ =	sdelay $0x7  }
0x9b: {  	[tilespmem:v1+s18+$0x0] =	vst.idx.add.f32.msk $0xffff, v0  }
0x9c: {  	v1 =	vld [tilespmem:$0x290];
	_ =	sdelay $0x7  }
0x9d: {  	[tilespmem:v1+s18+$0x0] =	vst.idx.add.f32.msk $0xffff, v0  }
0x9e: {  	v1 =	vld [tilespmem:$0x2A0];
	_ =	sdelay $0x7  }
0x9f: {  	[tilespmem:v1+s18+$0x0] =	vst.idx.add.f32.msk $0xffff, v0  }
0xa0: {  	v1 =	vld [tilespmem:$0x2B0];
	_ =	sdelay $0x7  }
0xa1: {  	[tilespmem:v1+s18+$0x0] =	vst.idx.add.f32.msk $0xffff, v0  }
0xa2: {  	v1 =	vld [tilespmem:$0x2C0];
	_ =	sdelay $0x7  }
0xa3: {  	[tilespmem:v1+s18+$0x0] =	vst.idx.add.f32.msk $0xffff, v0  }
0xa4: {  	v1 =	vld [tilespmem:$0x2D0];
	_ =	sdelay $0x7  }
0xa5: {  	[tilespmem:v1+s18+$0x0] =	vst.idx.add.f32.msk $0xffff, v0  }
0xa6: {  	v1 =	vld [tilespmem:$0x2E0];
	_ =	sdelay $0x7  }
0xa7: {  	[tilespmem:v1+s18+$0x0] =	vst.idx.add.f32.msk $0xffff, v0  }
0xa8: {  	v1 =	vld [tilespmem:$0x2F0];
	_ =	sdelay $0x7  }
0xa9: {  	s5 =	sadd.s32 $0x30, s0;
	[tilespmem:v1+s18+$0x0] =	vst.idx.add.f32.msk $0xffff, v0  }
0xaa: {  	[tilespmem:s25], [sflag:$0x4] =	stream.linear.gather [hbm4b:s5+s7], $0x80, $0x38;
	[tilespmem:$0x1F000] =	vst v63  }
0xab: {  	s5 =	sadd.s32 $0x30, s1  }
0xac: {  	[tilespmem:s26], [sflag:$0x8] =	stream.linear.gather [hbm4b:s5+s7], $0x80, $0x38;
	[tilespmem:$0x1F000] =	vst v63  }
0xad: {  	_ =	swait.ge [sflag:s14], $0x4000  }
0xae: {  	[sflag:s14] =	ssyncset.done $0x0  }
0xaf: {  	[sflag:s14] =	ssyncadd.s32 $0xFFFFC000  }
0xb0: {  	_ =	swait.ge [sflag:s28], $0x4000  }
0xb1: {  	[sflag:s28] =	ssyncset.done $0x0  }
0xb2: {  	[sflag:s28] =	ssyncadd.s32 $0xFFFFC000  }
0xb3: {  	_ =	swait.ge [sflag:s29], $0x80  }
0xb4: {  	[sflag:s29] =	ssyncset.done $0x0  }
0xb5: {  	[sflag:s29] =	ssyncadd.s32 $0xFFFFFF80  }
0xb6: {  	_ =	swait.ge [sflag:s30], $0x80  }
0xb7: {  	[sflag:s30] =	ssyncset.done $0x0  }
0xb8: {  	[sflag:s30] =	ssyncadd.s32 $0xFFFFFF80  }
0xb9: {  	[tilespmem:s17], [sflag:$0xA] =	stream.indirect.gather [hbm4b:s2+s9], $0x80, s25, s9, $0xb8;
	[tilespmem:$0x1F000] =	vst v63  }
0xba: {  	_ = 	snop  }
0xbb: {  	[spmem:s3] =	stream.indirect.scatter.add.f32 [tilespmem:s13], [sflag:$0xB], $0x80, s20, s9, $0xb8;
	[tilespmem:$0x1F000] =	vst v63  }
0xbc: {  	v1 =	vld [tilespmem:$0x300];
	_ =	sdelay $0x7  }
0xbd: {  	[tilespmem:v1+s18+$0x0] =	vst.idx.add.f32.msk $0xffff, v0  }
0xbe: {  	v1 =	vld [tilespmem:$0x310];
	_ =	sdelay $0x7  }
0xbf: {  	[tilespmem:v1+s18+$0x0] =	vst.idx.add.f32.msk $0xffff, v0  }
0xc0: {  	v1 =	vld [tilespmem:$0x320];
	_ =	sdelay $0x7  }
0xc1: {  	[tilespmem:v1+s18+$0x0] =	vst.idx.add.f32.msk $0xffff, v0  }
0xc2: {  	v1 =	vld [tilespmem:$0x330];
	_ =	sdelay $0x7  }
0xc3: {  	[tilespmem:v1+s18+$0x0] =	vst.idx.add.f32.msk $0xffff, v0  }
0xc4: {  	v1 =	vld [tilespmem:$0x340];
	_ =	sdelay $0x7  }
0xc5: {  	[tilespmem:v1+s18+$0x0] =	vst.idx.add.f32.msk $0xffff, v0  }
0xc6: {  	v1 =	vld [tilespmem:$0x350];
	_ =	sdelay $0x7  }
0xc7: {  	[tilespmem:v1+s18+$0x0] =	vst.idx.add.f32.msk $0xffff, v0  }
0xc8: {  	v1 =	vld [tilespmem:$0x360];
	_ =	sdelay $0x7  }
0xc9: {  	[tilespmem:v1+s18+$0x0] =	vst.idx.add.f32.msk $0xffff, v0  }
0xca: {  	v1 =	vld [tilespmem:$0x370];
	_ =	sdelay $0x7  }
0xcb: {  	s5 =	sadd.s32 $0x40, s0;
	[tilespmem:v1+s18+$0x0] =	vst.idx.add.f32.msk $0xffff, v0  }
0xcc: {  	[tilespmem:s7], [sflag:$0x1] =	stream.linear.gather [hbm4b:s5+s7], $0x80, $0x38;
	[tilespmem:$0x1F000] =	vst v63  }
0xcd: {  	s5 =	sadd.s32 $0x40, s1  }
0xce: {  	[tilespmem:s8], [sflag:$0x5] =	stream.linear.gather [hbm4b:s5+s7], $0x80, $0x38;
	[tilespmem:$0x1F000] =	vst v63  }
0xcf: {  	_ =	swait.ge [sflag:s21], $0x4000  }
0xd0: {  	[sflag:s21] =	ssyncset.done $0x0  }
0xd1: {  	[sflag:s21] =	ssyncadd.s32 $0xFFFFC000  }
0xd2: {  	_ =	swait.ge [sflag:s22], $0x4000  }
0xd3: {  	[sflag:s22] =	ssyncset.done $0x0  }
0xd4: {  	[sflag:s22] =	ssyncadd.s32 $0xFFFFC000  }
0xd5: {  	_ =	swait.ge [sflag:s11], $0x80  }
0xd6: {  	[sflag:s11] =	ssyncset.done $0x0  }
0xd7: {  	[sflag:s11] =	ssyncadd.s32 $0xFFFFFF80  }
0xd8: {  	_ =	swait.ge [sflag:s12], $0x80  }
0xd9: {  	[sflag:s12] =	ssyncset.done $0x0  }
0xda: {  	[sflag:s12] =	ssyncadd.s32 $0xFFFFFF80  }
0xdb: {  	[tilespmem:s13], [sflag:$0x9] =	stream.indirect.gather [hbm4b:s2+s9], $0x80, s7, s9, $0xb8;
	[tilespmem:$0x1F000] =	vst v63  }
0xdc: {  	_ = 	snop  }
0xdd: {  	[spmem:s3] =	stream.indirect.scatter.add.f32 [tilespmem:s17], [sflag:$0xC], $0x80, s26, s9, $0xb8;
	[tilespmem:$0x1F000] =	vst v63  }
0xde: {  	v1 =	vld [tilespmem:$0x380];
	_ =	sdelay $0x7  }
0xdf: {  	[tilespmem:v1+s18+$0x0] =	vst.idx.add.f32.msk $0xffff, v0  }
0xe0: {  	v1 =	vld [tilespmem:$0x390];
	_ =	sdelay $0x7  }
0xe1: {  	[tilespmem:v1+s18+$0x0] =	vst.idx.add.f32.msk $0xffff, v0  }
0xe2: {  	v1 =	vld [tilespmem:$0x3A0];
	_ =	sdelay $0x7  }
0xe3: {  	[tilespmem:v1+s18+$0x0] =	vst.idx.add.f32.msk $0xffff, v0  }
0xe4: {  	v1 =	vld [tilespmem:$0x3B0];
	_ =	sdelay $0x7  }
0xe5: {  	[tilespmem:v1+s18+$0x0] =	vst.idx.add.f32.msk $0xffff, v0  }
0xe6: {  	v1 =	vld [tilespmem:$0x3C0];
	_ =	sdelay $0x7  }
0xe7: {  	[tilespmem:v1+s18+$0x0] =	vst.idx.add.f32.msk $0xffff, v0  }
0xe8: {  	v1 =	vld [tilespmem:$0x3D0];
	_ =	sdelay $0x7  }
0xe9: {  	[tilespmem:v1+s18+$0x0] =	vst.idx.add.f32.msk $0xffff, v0  }
0xea: {  	v1 =	vld [tilespmem:$0x3E0];
	_ =	sdelay $0x7  }
0xeb: {  	[tilespmem:v1+s18+$0x0] =	vst.idx.add.f32.msk $0xffff, v0  }
0xec: {  	v1 =	vld [tilespmem:$0x3F0];
	_ =	sdelay $0x4  }
0xed: {  	s31 =	sadd.s32 $0x40, s31  }
0xee: {  	p0 =	sne.s32 s31, $0xA00  }
.Ltmp2:
0xef: {  	_ = 	snop;
	(pc) =	sbr.rel @p0 .LBB2_5-.Ltmp2, $4  }
0xf0: {  	s0 =	sadd.s32 $0x50, s0;
	[tilespmem:v1+s18+$0x0] =	vst.idx.add.f32.msk $0xffff, v0  }
0xf1: {  	[tilespmem:s9], [sflag:$0x2] =	stream.linear.gather [hbm4b:s0+s7], $0x80, $0x38;
	[tilespmem:$0x1F000] =	vst v63  }
0xf2: {  	s5 =	sadd.s32 $0x50, s1  }
0xf3: {  	[tilespmem:s10], [sflag:$0x6] =	stream.linear.gather [hbm4b:s5+s7], $0x80, $0x38;
	[tilespmem:$0x1F000] =	vst v63  }
0xf4: {  	s0 =	simm.s32 $0x9  }
0xf5: {  	_ =	swait.ge [sflag:s0], $0x4000  }
0xf6: {  	[sflag:s0] =	ssyncset.done $0x0  }
0xf7: {  	s20 =	simm.s32 $0xC;
	[sflag:s0] =	ssyncadd.s32 $0xFFFFC000  }
0xf8: {  	_ =	swait.ge [sflag:s20], $0x4000  }
0xf9: {  	[sflag:s20] =	ssyncset.done $0x0  }
0xfa: {  	s21 =	simm.s32 $0x2;
	[sflag:s20] =	ssyncadd.s32 $0xFFFFC000  }
0xfb: {  	_ =	swait.ge [sflag:s21], $0x80  }
0xfc: {  	s1 =	smul.u32 $0x2800, s4;
	[sflag:s21] =	ssyncset.done $0x0  }
0xfd: {  	s22 =	simm.s32 $0x6;
	s23 =	sshrl.u32 s4, $0x3;
	[sflag:s21] =	ssyncadd.s32 $0xFFFFFF80  }
0xfe: {  	s24 =	sshll.u32 s4, $0x6;
	s3 =	sshrl.u32 s6, $0x3;
	_ =	swait.ge [sflag:s22], $0x80  }
0xff: {  	s26 =	sshll.u32 s4, $0x7;
	s28 =	simm.s32 $0xD;
	[sflag:s22] =	ssyncset.done $0x0  }
0x100: {  	s25 =	smul.u32 $0x14000, s23;
	s2 =	rddreg [dreg:$0x7];
	[sflag:s22] =	ssyncadd.s32 $0xFFFFFF80  }
0x101: {  	s0 =	sor.u32 $0x1C0D, s24;
	s1 =	sadd.s32 s2, s1;
	[bflag:$0x0] =	sbarrier.arrive $0xFFFF  }
0x102: {  	[hbm:s1], [sflag:s0] =	dma.local [spmem:s3], $0x2800  }
0x103: {  	s1 =	sand.u32 $0x380, s26;
	_ =	swait.ge [sflag:s28], $0x2800  }
0x104: {  	s30 =	simm.s32 $0x80;
	s0 =	sor.u32 s1, s25;
	[sflag:s28] =	ssyncset.done $0x0  }
0x105: {  	s31 =	simm.s32 $0x400;
	s0 =	sshrl.u32 s0, $0x3;
	s29 =	rddreg [dreg:$0x2]  }
0x106: {  	s5 =	simm.s32 $0x1C800;
	[sflag:s28] =	ssyncadd.s32 $0xFFFFD800;
	s0 =	sadd.s32 s29, s0  }
0x107: {  	[hbm4b:s0+s30] =	stream.strided.scatter [tilespmem:s5], [sflag:$0xD], $0x2800, s31, s30, $0x38;
	[tilespmem:$0x1F000] =	vst v63  }
0x108: {  	_ =	swait.ge [sflag:s28], $0x2800  }
0x109: {  	[sflag:s28] =	ssyncset.done $0x0  }
0x10a: {  	[sflag:s28] =	ssyncadd.s32 $0xFFFFD800  }
0x10b: {  	_ =	sfence.sel $0x180000  }
0x10c: {  	[bflag:$0x0] =	sbarrier.arrive $0xFFFF  }
0x10d: {  	_ =	strace $0x90000047  }
0x10e: {  	[bflag:$0x2] =	sbarrier.arrive $0xFFFF  }
0x10f: {  	p0 =	sne.s32 s4, $0x0;
	s0 =	rddreg [dreg:$0x4]  }
0x110: {  	s0 =	sadd.s32 @!p0 $0x100000, s0  }
0x111: {  	[sflag:s0] =	ssyncadd.tile.s32 @!p0 $0x1;
	_ =	shalt  }
.Lfunc_end2:
_tile_overlayer_lowered:
.L_overlay_start_2:
0x112: {  	(tag) =	ssettag $0x2  }
0x113: {  	s0 =	rddreg [dreg:$0x0];
	s2 =	stileid.u32  }
0x114: {  	s1 =	rddreg [dreg:$0x1];
	p0 =	sne.s32 s2, $0x0  }
0x115: {  	s3 =	rddreg [dreg:$0x2];
	[bflag:$0x3] =	sbarrier.arrive $0xFFFF;
	s2 =	simm.s32 @!p0 $0x1C0D  }
0x116: {  	[timem:s3], [sflag:s2] =	dma.local @!p0 [hbm:s0], s1  }
0x117: {  	s0 =	simm.s32 @!p0 $0xD  }
0x118: {  	_ =	swait.ge @!p0 [sflag:s0], s1  }
0x119: {  	s1 =	ssub.s32 @!p0 $0x0, s1;
	[sflag:s0] =	ssyncset.done @!p0 $0x0  }
0x11a: {  	[sflag:s0] =	ssyncadd.s32 @!p0 s1  }
0x11b: {  	[bflag:$0x3] =	sbarrier.arrive $0xFFFF  }
0x11c: {  	_ =	shalt  }

// kernel: kernel.9.cloned.1.call-start
scs
__scs_entry_jumppad:
0x0: {  	(pc) =	sbr.rel $0x88, $3  }
0x1: {  	(tag) =	ssettag $0x0;
	lr =	simm.s32 $0x1  }
0x2: {  	[smem:$0x3F99] =	sst lr;
	_ =	strace $0xD0000000  }
0x3: {  	_ = 	snop  }
0x4: {  	_ = 	snop  }
0x5: {  	_ = 	snop  }
0x6: {  	_ = 	snop  }
0x7: {  	_ = 	snop  }
__scs_overlays_trampoline_lowered:
0x8: {  	[smem:$0x3FA8] =	sst s0  }
0x9: {  	[smem:$0x3FA9] =	sst s1  }
0xa: {  	[smem:$0x3FAA] =	sst s2  }
0xb: {  	[smem:$0x3FAB] =	sst s3  }
0xc: {  	[smem:$0x3FAC] =	sst s4  }
0xd: {  	[smem:$0x3FAD] =	sst s5  }
0xe: {  	[smem:$0x3FAE] =	sst s6  }
0xf: {  	[smem:$0x3FAF] =	sst s7  }
0x10: {  	[smem:$0x3FB0] =	sst s8  }
0x11: {  	[smem:$0x3FB1] =	sst s9;
	s0 =	simm.s32 @!p0 $0x0  }
0x12: {  	s1 =	sld [smem:$0x3F97];
	s0 =	simm.s32 @p0 $0x1  }
0x13: {  	[smem:$0x3FB2] =	sst s0;
	s0 =	simm.s32 @!p1 $0x0  }
0x14: {  	s2 =	sld [smem:$0x3F96];
	s0 =	simm.s32 @p1 $0x1  }
0x15: {  	[smem:$0x3FB3] =	sst s0;
	s0 =	simm.s32 @!p2 $0x0  }
0x16: {  	s3 =	sld [smem:$0x3FDB];
	s0 =	simm.s32 @p2 $0x1  }
0x17: {  	s4 =	simm.s32 $0x1BF5;
	[smem:$0x3FB5] =	sst s0  }
0x18: {  	s0 =	sld [smem:$0x3F98];
	_ =	swait.ge [sflag:s4], $0x0  }
0x19: {  	s7 =	sld [smem:$0x3F99]  }
0x1a: {  	s8 =	sadd.s32 $0xFFFFE003, lr  }
0x1b: {  	s9 =	sadd.s32 $0xFFFFFEF7, lr;
	s5 =	simm.s32 $0xFFFFFFFF;
	p2 =	slt.u32 s8, $0xFFFFF086  }
0x1c: {  	p1 =	slt.u32 s9, $0xF7A;
	s5 =	simm.s32 @!p2 $0x0  }
0x1d: {  	s5 =	simm.s32 @p1 $0x1;
	p0 =	seq.s32 s7, s2  }
0x1e: {  	s7 =	smul.u32 @!p0 $0xF7A, s2;
	p2 =	seq.s32 @!p0 s5, $0x0  }
0x1f: {  	s9 =	smul.u32 $0xF7A, s1;
	s8 =	simm.s32 @!p0 $0x1BF5;
	p2 =	por !p2, p0  }
0x20: {  	[sflag:s8] =	ssyncset.s32 @!p0 $0xFFFFF086;
	s6 =	sadd.s32 @!p0 s3, s7;
	s7 =	simm.s32 @!p0 $0x108  }
0x21: {  	s3 =	sadd.s32 s3, s9;
	s6 =	sadd.s32 @!p0 $0x88, s6;
	s7 =	simm.s32 @p2 $0x1082  }
0x22: {  	[simem:s7], [sflag:s8] =	dma.local @!p0 [hbm:s6], $0xF7A  }
0x23: {  	s9 =	sor.u32 $0xD0000000, s2;
	s6 =	simm.s32 $0x108;
	_ =	swait.ge @!p0 [sflag:s8], $0x0  }
0x24: {  	s3 =	sadd.s32 $0x88, s3;
	s6 =	simm.s32 @!p1 $0x1082;
	[sflag:s4] =	ssyncset.s32 $0xFFFFF086  }
0x25: {  	[simem:s6], [sflag:s4] =	dma.local [hbm:s3], $0xF7A  }
0x26: {  	[smem:$0x3F99] =	sst s1;
	(tag) =	ssettag s2;
	_ =	strace s9  }
0x27: {  	s1 =	sld [smem:$0x3FA9]  }
0x28: {  	s2 =	sld [smem:$0x3FAA]  }
0x29: {  	s4 =	sld [smem:$0x3FAC]  }
0x2a: {  	p0 =	seq.s32 s5, $0x0;
	s5 =	sld [smem:$0x3FAD]  }
0x2b: {  	s6 =	sld [smem:$0x3FAE]  }
0x2c: {  	s7 =	sld [smem:$0x3FAF]  }
0x2d: {  	s3 =	simm.s32 $0x108;
	s8 =	sld [smem:$0x3FB0]  }
0x2e: {  	s3 =	simm.s32 @!p0 $0x1082;
	s9 =	sld [smem:$0x3FB1]  }
0x2f: {  	lr =	sadd.s32 s0, s3;
	s0 =	sld [smem:$0x3FA8]  }
0x30: {  	s3 =	sld [smem:$0x3FAB]  }
0x31: {  	[smem:$0x3FB4] =	sst s10  }
0x32: {  	s10 =	sld [smem:$0x3FB2];
	_ =	sdelay $0x3  }
0x33: {  	p0 =	seq.s32 s10, $0x1;
	s10 =	sld [smem:$0x3FB4];
	_ =	sdelay $0x3  }
0x34: {  	[smem:$0x3FB4] =	sst s10  }
0x35: {  	s10 =	sld [smem:$0x3FB3];
	_ =	sdelay $0x3  }
0x36: {  	p1 =	seq.s32 s10, $0x1;
	s10 =	sld [smem:$0x3FB4];
	_ =	sdelay $0x3  }
0x37: {  	[smem:$0x3FB4] =	sst s10  }
0x38: {  	s10 =	sld [smem:$0x3FB5]  }
0x39: {  	_ = 	snop;
	(pc) =	sbr.ind lr, $3  }
0x3a: {  	_ = 	snop  }
0x3b: {  	_ = 	snop  }
0x3c: {  	p2 =	seq.s32 s10, $0x1;
	s10 =	sld [smem:$0x3FB4]  }
0x3d: {  	_ =	shalt  }
0x3e: {  	_ =	shalt  }
0x3f: {  	_ =	shalt  }
0x40: {  	_ =	shalt  }
0x41: {  	_ =	shalt  }
0x42: {  	_ =	shalt  }
0x43: {  	_ =	shalt  }
0x44: {  	_ =	shalt  }
0x45: {  	_ =	shalt  }
0x46: {  	_ =	shalt  }
0x47: {  	_ =	shalt  }
0x48: {  	_ =	shalt  }
0x49: {  	_ =	shalt  }
0x4a: {  	_ =	shalt  }
0x4b: {  	_ =	shalt  }
0x4c: {  	_ =	shalt  }
0x4d: {  	_ =	shalt  }
0x4e: {  	_ =	shalt  }
0x4f: {  	_ =	shalt  }
0x50: {  	_ =	shalt  }
0x51: {  	_ =	shalt  }
0x52: {  	_ =	shalt  }
0x53: {  	_ =	shalt  }
0x54: {  	_ =	shalt  }
0x55: {  	_ =	shalt  }
0x56: {  	_ =	shalt  }
0x57: {  	_ =	shalt  }
0x58: {  	_ =	shalt  }
0x59: {  	_ =	shalt  }
0x5a: {  	_ =	shalt  }
0x5b: {  	_ =	shalt  }
0x5c: {  	_ =	shalt  }
0x5d: {  	_ =	shalt  }
0x5e: {  	_ =	shalt  }
0x5f: {  	_ =	shalt  }
0x60: {  	_ =	shalt  }
0x61: {  	_ =	shalt  }
0x62: {  	_ =	shalt  }
0x63: {  	_ =	shalt  }
0x64: {  	_ =	shalt  }
0x65: {  	_ =	shalt  }
0x66: {  	_ =	shalt  }
0x67: {  	_ =	shalt  }
0x68: {  	_ =	shalt  }
0x69: {  	_ =	shalt  }
0x6a: {  	_ =	shalt  }
0x6b: {  	_ =	shalt  }
0x6c: {  	_ =	shalt  }
0x6d: {  	_ =	shalt  }
0x6e: {  	_ =	shalt  }
0x6f: {  	_ =	shalt  }
0x70: {  	_ =	shalt  }
0x71: {  	_ =	shalt  }
0x72: {  	_ =	shalt  }
0x73: {  	_ =	shalt  }
0x74: {  	_ =	shalt  }
0x75: {  	_ =	shalt  }
0x76: {  	_ =	shalt  }
0x77: {  	_ =	shalt  }
0x78: {  	_ =	shalt  }
0x79: {  	_ =	shalt  }
0x7a: {  	_ =	shalt  }
0x7b: {  	_ =	shalt  }
0x7c: {  	_ =	shalt  }
0x7d: {  	_ =	shalt  }
0x7e: {  	_ =	shalt  }
0x7f: {  	_ =	shalt  }
0x80: {  	_ =	shalt  }
0x81: {  	_ =	shalt  }
0x82: {  	_ =	shalt  }
0x83: {  	_ =	shalt  }
0x84: {  	_ =	shalt  }
0x85: {  	_ =	shalt  }
0x86: {  	_ =	shalt  }
0x87: {  	_ =	shalt  }
.Lfunc_end0:
.L_simem_size_0:
called_computation.1_lowered:
.L_overlay_start_0:
0x88: {  	s0 =	sld [smem:$0x3FD9]  }
0x89: {  	s1 =	sld [smem:$0x3FFE];
	_ =	sdelay $0x3  }
0x8a: {  	s0 =	sadd.s32 s1, s0  }
0x8b: {  	[smem:$0x3FC0] =	sst s0  }
0x8c: {  	_ = 	snop  }
0x8d: {  	s0 =	sld [smem:$0x3FD0];
	(tm) =	ssettm $0x1  }
0x8e: {  	s16 =	sld [smem:$0x3FFB];
	_ =	sdelay $0x3  }
0x8f: {  	_ =	strace s16  }
0x90: {  	s1 =	sld [smem:$0x3FFC];
	_ =	sdelay $0x3  }
0x91: {  	_ =	strace s1  }
0x92: {  	s1 =	sld [smem:$0x3FFD];
	_ =	sdelay $0x3  }
0x93: {  	_ =	strace s1  }
0x94: {  	_ =	strace $0x8FFFFFFF  }
0x95: {  	s17 =	sld [smem:$0x3FDB];
	_ =	sdelay $0x1  }
0x96: {  	s2 =	simm.s32 $_scs_section_size  }
0x97: {  	s3 =	simm.s32 $_size__tile_overlayer_lowered;
	s4 =	simm.s32 $_tile_overlayer_lowered  }
0x98: {  	s20 =	simm.s32 $0x1BFF;
	s19 =	sshll.u32 s4, $0x1;
	s1 =	sadd.s32 s2, s17  }
0x99: {  	s5 =	simm.s32 $0x0;
	s18 =	sshll.u32 s3, $0x1;
	s3 =	sadd.s32 s19, s1  }
0x9a: {  	[timem:s5], [sflag:s20] =	dma.local [hbm:s3], s18  }
0x9b: {  	_ =	swait.ge [sflag:s20], s18  }
0x9c: {  	s2 =	ssub.s32 $0x0, s18;
	[sflag:s20] =	ssyncset.done $0x0  }
0x9d: {  	[sflag:s20] =	ssyncadd.s32 s2;
	_ =	sdelay $0x1  }
0x9e: {  	s21 =	simm.s32 $0x1B8B  }
0x9f: {  	_ =	swait.ge [sflag:s21], $0x1  }
0xa0: {  	[sflag:s21] =	ssyncset.done $0x0  }
0xa1: {  	s23 =	simm.s32 $0x1B8E;
	s22 =	sld [smem:$0x3FFE];
	[sflag:s21] =	ssyncadd.s32 $0xFFFFFFFF  }
0xa2: {  	s24 =	simm.s32 $execute0_lowered;
	[smem:$0x3FD2] =	sst s23  }
0xa3: {  	s3 =	sshll.u32 s24, $0x1;
	_ =	strace $0x80000049;
	[dreg:$0x1] =	wrdreg $0xFFFFFFFF  }
0xa4: {  	s25 =	simm.s32 $_size_execute0_lowered;
	s1 =	sadd.s32 s1, s3;
	[dreg:$0x0] =	wrdreg $0x0  }
0xa5: {  	s3 =	sshll.u32 s25, $0x1;
	[dreg:$0x2] =	wrdreg s1  }
0xa6: {  	[dreg:$0x3] =	wrdreg s3  }
0xa7: {  	[dreg:$0x4] =	wrdreg $0xC0  }
0xa8: {  	_ =	task [dreg:s5], $0x5FFFF  }
0xa9: {  	[dreg:$0x1] =	wrdreg $0xFFFFFFFF  }
0xaa: {  	[dreg:$0x0] =	wrdreg $0x60  }
0xab: {  	[dreg:$0x2] =	wrdreg s0  }
0xac: {  	[dreg:$0x3] =	wrdreg s22  }
0xad: {  	[dreg:$0x4] =	wrdreg $0x88000  }
0xae: {  	[dreg:$0x5] =	wrdreg $0x9  }
0xaf: {  	_ =	task.clear_ibuf [dreg:s5], $0x6FFFF;
	_ =	strace $0x90000049  }
0xb0: {  	s26 =	simm.s32 $0x9;
	_ =	strace $0x8000004B  }
0xb1: {  	_ =	swait.ge [sflag:s26], $0x1  }
0xb2: {  	[sflag:s26] =	ssyncadd.s32 $0xFFFFFFFF  }
0xb3: {  	_ =	strace $0x9000004B  }
0xb4: {  	_ =	sfence  }
0xb5: {  	s28 =	sld [smem:$0x0];
	_ =	sdelay $0x1  }
0xb6: {  	s29 =	srdreg.scid  }
0xb7: {  	s30 =	sshll.u32 s29, $0xD;
	s31 =	sshrl.u32 s29, $0x2  }
0xb8: {  	s2 =	sand.u32 $0x4000, s30;
	s1 =	sand.u32 $0x1, s29;
	s0 =	sadd.s32 s31, s28  }
0xb9: {  	s1 =	sor.u32 s2, s1;
	s0 =	sshll.u32 s0, $0x11  }
0xba: {  	s0 =	sor.u32 s0, s1  }
0xbb: {  	s0 =	sadd.s32 $0x8F2B, s0  }
0xbc: {  	[sflag:s0] =	ssyncadd.remote.s32 $0x1  }
0xbd: {  	_ =	sfence.sel $0xFFFF  }
0xbe: {  	[dreg:$0x0] =	wrdreg $0xFFFFFFFF;
	(pc) =	sbr.abs _section_cstart, $3  }
0xbf: {  	[dreg:$0x1] =	wrdreg $0xFFFFFFFF  }
0xc0: {  	_ =	task.clear_ibuf [dreg:s5], $0x2FFFF;
	_ =	strace $0x9FFFFFFF  }
0xc1: {  	(tm) =	ssettm $0x7FFFFFFF  }
tec
execute0_lowered:
.L_overlay_start_1:
0x0: {  	(tag) =	ssettag $0x1  }
0x1: {  	s1 =	rddreg [dreg:$0x0]  }
0x2: {  	s5 =	rddreg [dreg:$0x1];
	s3 =	simm.s32 $0x0  }
0x3: {  	v0 =	vimm.f32 $0.0e+00;
	[smem:$0x7FF] =	sst s3  }
0x4: {  	s2 =	rddreg [dreg:$0x2];
	_ =	strace $0x8000004A;
	[tilespmem:$0x8400] =	vst v0  }
0x5: {  	[tilespmem:$0x8410] =	vst v0  }
0x6: {  	[tilespmem:$0x8420] =	vst v0  }
0x7: {  	[tilespmem:$0x8430] =	vst v0  }
0x8: {  	[tilespmem:$0x8440] =	vst v0  }
0x9: {  	[tilespmem:$0x8450] =	vst v0  }
0xa: {  	[tilespmem:$0x8460] =	vst v0  }
0xb: {  	[tilespmem:$0x8470] =	vst v0  }
0xc: {  	[tilespmem:$0x8480] =	vst v0  }
0xd: {  	[tilespmem:$0x8490] =	vst v0  }
0xe: {  	[tilespmem:$0x84A0] =	vst v0  }
0xf: {  	[tilespmem:$0x84B0] =	vst v0  }
0x10: {  	[tilespmem:$0x84C0] =	vst v0  }
0x11: {  	[tilespmem:$0x84D0] =	vst v0  }
0x12: {  	[tilespmem:$0x84E0] =	vst v0  }
0x13: {  	[tilespmem:$0x84F0] =	vst v0  }
0x14: {  	[tilespmem:$0x8500] =	vst v0  }
0x15: {  	[tilespmem:$0x8510] =	vst v0  }
0x16: {  	[tilespmem:$0x8520] =	vst v0  }
0x17: {  	[tilespmem:$0x8530] =	vst v0  }
0x18: {  	[tilespmem:$0x8540] =	vst v0  }
0x19: {  	[tilespmem:$0x8550] =	vst v0  }
0x1a: {  	[tilespmem:$0x8560] =	vst v0  }
0x1b: {  	[tilespmem:$0x8570] =	vst v0  }
0x1c: {  	[tilespmem:$0x8580] =	vst v0  }
0x1d: {  	[tilespmem:$0x8590] =	vst v0  }
0x1e: {  	[tilespmem:$0x85A0] =	vst v0  }
0x1f: {  	[tilespmem:$0x85B0] =	vst v0  }
0x20: {  	[tilespmem:$0x85C0] =	vst v0  }
0x21: {  	[tilespmem:$0x85D0] =	vst v0  }
0x22: {  	[tilespmem:$0x85E0] =	vst v0  }
0x23: {  	[tilespmem:$0x85F0] =	vst v0  }
0x24: {  	[tilespmem:$0x8600] =	vst v0  }
0x25: {  	[tilespmem:$0x8610] =	vst v0  }
0x26: {  	[tilespmem:$0x8620] =	vst v0  }
0x27: {  	[tilespmem:$0x8630] =	vst v0  }
0x28: {  	[tilespmem:$0x8640] =	vst v0  }
0x29: {  	[tilespmem:$0x8650] =	vst v0  }
0x2a: {  	[tilespmem:$0x8660] =	vst v0  }
0x2b: {  	[tilespmem:$0x8670] =	vst v0  }
0x2c: {  	[tilespmem:$0x8680] =	vst v0  }
0x2d: {  	[tilespmem:$0x8690] =	vst v0  }
0x2e: {  	[tilespmem:$0x86A0] =	vst v0  }
0x2f: {  	[tilespmem:$0x86B0] =	vst v0  }
0x30: {  	[tilespmem:$0x86C0] =	vst v0  }
0x31: {  	[tilespmem:$0x86D0] =	vst v0  }
0x32: {  	[tilespmem:$0x86E0] =	vst v0  }
0x33: {  	[tilespmem:$0x86F0] =	vst v0  }
0x34: {  	[tilespmem:$0x8700] =	vst v0  }
0x35: {  	[tilespmem:$0x8710] =	vst v0  }
0x36: {  	[tilespmem:$0x8720] =	vst v0  }
0x37: {  	[tilespmem:$0x8730] =	vst v0  }
0x38: {  	[tilespmem:$0x8740] =	vst v0  }
0x39: {  	[tilespmem:$0x8750] =	vst v0  }
0x3a: {  	[tilespmem:$0x8760] =	vst v0  }
0x3b: {  	[tilespmem:$0x8770] =	vst v0  }
0x3c: {  	[tilespmem:$0x8780] =	vst v0  }
0x3d: {  	[tilespmem:$0x8790] =	vst v0  }
0x3e: {  	s0 =	stileid.u32;
	[tilespmem:$0x87A0] =	vst v0  }
0x3f: {  	s4 =	smul.u32 $0x50000, s0;
	[tilespmem:$0x87B0] =	vst v0  }
0x40: {  	[tilespmem:$0x87C0] =	vst v0  }
0x41: {  	[tilespmem:$0x87D0] =	vst v0;
	s4 =	sshrl.u32 s4, $0x2  }
0x42: {  	[tilespmem:$0x87E0] =	vst v0;
	s4 =	sadd.s32 s4, s2  }
0x43: {  	s6 =	simm.s32 $0x8400;
	s31 =	sadd.s32 $0x16C00, s5;
	[tilespmem:$0x87F0] =	vst v0;
	s7 =	sadd.s32 $0x0, s4  }
0x44: {  	[spmem:s7] =	stream.linear.scatter [tilespmem:s6], [sflag:$0xD], $0x400, $0x38;
	[tilespmem:$0x1C800] =	vst v63  }
0x45: {  	s8 =	simm.s32 $0x1000;
	[dreg:$0x6] =	wrdreg s31;
	s7 =	simm.s32 $0xD  }
0x46: {  	s13 =	sadd.s32 $0xCA00, s5;
	s14 =	sadd.s32 $0x2800, s5;
	_ =	swait.ge [sflag:s7], $0x400  }
.LBB2_1:
0x47: {  	s9 =	sshra.s32 s8, $0x2;
	[sflag:s7] =	ssyncset.done $0x0;
	p0 =	sne.s32 s8, $0x4F000  }
.Ltmp0:
0x48: {  	s9 =	sadd.s32 s9, s4;
	[sflag:s7] =	ssyncadd.s32 $0xFFFFFC00;
	(pc) =	sbr.rel @p0 .LBB2_1-.Ltmp0, $3  }
0x49: {  	[spmem:s9] =	stream.linear.scatter [tilespmem:s6], [sflag:$0xD], $0x400, $0x38;
	[tilespmem:$0x1C800] =	vst v63  }
0x4a: {  	s8 =	sadd.s32 $0x1000, s8;
	_ =	sdelay $0x1  }
0x4b: {  	_ =	swait.ge [sflag:s7], $0x400  }
0x4c: {  	s6 =	smul.u32 $0x5000, s0  }
0x4d: {  	[sflag:s7] =	ssyncset.done $0x0  }
0x4e: {  	[sflag:s7] =	ssyncadd.s32 $0xFFFFFC00;
	s25 =	sshrl.u32 s6, $0x3  }
0x4f: {  	[bflag:$0x0] =	sbarrier.arrive $0xFFFF;
	s6 =	simm.s32 $0x0;
	s8 =	sadd.s32 s13, s25  }
0x50: {  	[tilespmem:s6], [sflag:$0x1] =	stream.linear.gather [hbm4b:s8+s6], $0x80, $0x38;
	[tilespmem:$0x1C800] =	vst v63  }
0x51: {  	s7 =	simm.s32 $0x200;
	s26 =	sadd.s32 s14, s25;
	s9 =	sor.u32 $0x10, s25  }
0x52: {  	[tilespmem:s7], [sflag:$0x5] =	stream.linear.gather [hbm4b:s26+s6], $0x80, $0x38;
	[tilespmem:$0x1C800] =	vst v63  }
0x53: {  	s10 =	sadd.s32 s13, s9;
	s8 =	simm.s32 $0x80  }
0x54: {  	[tilespmem:s8], [sflag:$0x2] =	stream.linear.gather [hbm4b:s10+s6], $0x80, $0x38;
	[tilespmem:$0x1C800] =	vst v63  }
0x55: {  	s31 =	sadd.s32 s14, s9;
	s9 =	simm.s32 $0x280;
	s10 =	simm.s32 $0x1  }
0x56: {  	[tilespmem:s9], [sflag:$0x6] =	stream.linear.gather [hbm4b:s31+s6], $0x80, $0x38;
	[tilespmem:$0x1C800] =	vst v63  }
0x57: {  	_ =	swait.ge [sflag:s10], $0x80  }
0x58: {  	s15 =	smul.u32 $0xA00, s0;
	[sflag:s10] =	ssyncset.done $0x0  }
0x59: {  	s11 =	simm.s32 $0x5;
	[sflag:s10] =	ssyncadd.s32 $0xFFFFFF80  }
0x5a: {  	s12 =	simm.s32 $0x400;
	s0 =	sadd.s32 s15, s14;
	_ =	swait.ge [sflag:s11], $0x80  }
0x5b: {  	s3 =	sadd.s32 s15, s13;
	[dreg:$0x4] =	wrdreg s0;
	[sflag:s11] =	ssyncset.done $0x0  }
0x5c: {  	s13 =	simm.s32 $0x9;
	[dreg:$0x5] =	wrdreg s3;
	[sflag:s11] =	ssyncadd.s32 $0xFFFFFF80  }
0x5d: {  	[tilespmem:s12], [sflag:$0x9] =	stream.indirect.gather [hbm4b:s1+s8], $0x80, s6, s8, $0xb8;
	[tilespmem:$0x1C800] =	vst v63  }
0x5e: {  	_ =	swait.ge [sflag:s13], $0x4000  }
0x5f: {  	p0 =	por $0x1, $0x1;
	[sflag:s13] =	ssyncset.done $0x0  }
0x60: {  	s15 =	simm.s32 @!p0 $0xC;
	[sflag:s13] =	ssyncadd.s32 $0xFFFFC000  }
0x61: {  	_ =	swait.ge @!p0 [sflag:s15], $0x4000  }
0x62: {  	[sflag:s15] =	ssyncset.done @!p0 $0x0  }
0x63: {  	s14 =	simm.s32 $0x2;
	[sflag:s15] =	ssyncadd.s32 @!p0 $0xFFFFC000  }
0x64: {  	_ =	swait.ge [sflag:s14], $0x80  }
0x65: {  	[sflag:s14] =	ssyncset.done $0x0  }
0x66: {  	s15 =	simm.s32 $0x6;
	[sflag:s14] =	ssyncadd.s32 $0xFFFFFF80  }
0x67: {  	_ =	swait.ge [sflag:s15], $0x80  }
0x68: {  	[sflag:s15] =	ssyncset.done $0x0  }
0x69: {  	s16 =	simm.s32 $0x4400;
	s17 =	rddreg [dreg:$0x5];
	[sflag:s15] =	ssyncadd.s32 $0xFFFFFF80  }
0x6a: {  	[tilespmem:s16], [sflag:$0xA] =	stream.indirect.gather [hbm4b:s1+s8], $0x80, s8, s8, $0xb8;
	[tilespmem:$0x1C800] =	vst v63  }
0x6b: {  	s18 =	rddreg [dreg:$0x4];
	s29 =	sadd.s32 $0x0, s17  }
0x6c: {  	[spmem:s2] =	stream.indirect.scatter.add.f32 [tilespmem:s12], [sflag:$0xB], $0x80, s7, s8, $0xb8;
	[tilespmem:$0x1C800] =	vst v63  }
0x6d: {  	s17 =	simm.s32 $0x100;
	s30 =	sadd.s32 $0x0, s18;
	s19 =	sadd.s32 $0x20, s29  }
0x6e: {  	[tilespmem:s17], [sflag:$0x3] =	stream.linear.gather [hbm4b:s19+s6], $0x80, $0x38;
	[tilespmem:$0x1C800] =	vst v63  }
0x6f: {  	s18 =	simm.s32 $0x300;
	s20 =	sadd.s32 $0x20, s30;
	s19 =	simm.s32 $0xA  }
0x70: {  	[tilespmem:s18], [sflag:$0x7] =	stream.linear.gather [hbm4b:s20+s6], $0x80, $0x38;
	[tilespmem:$0x1C800] =	vst v63  }
0x71: {  	_ =	swait.ge [sflag:s19], $0x4000  }
0x72: {  	[sflag:s19] =	ssyncset.done $0x0  }
0x73: {  	s20 =	simm.s32 $0xB;
	[sflag:s19] =	ssyncadd.s32 $0xFFFFC000  }
0x74: {  	_ =	swait.ge [sflag:s20], $0x4000  }
0x75: {  	[sflag:s20] =	ssyncset.done $0x0  }
0x76: {  	s21 =	simm.s32 $0x3;
	[sflag:s20] =	ssyncadd.s32 $0xFFFFC000  }
0x77: {  	_ =	swait.ge [sflag:s21], $0x80  }
0x78: {  	[sflag:s21] =	ssyncset.done $0x0  }
0x79: {  	s22 =	simm.s32 $0x7;
	[sflag:s21] =	ssyncadd.s32 $0xFFFFFF80  }
0x7a: {  	_ =	swait.ge [sflag:s22], $0x80  }
0x7b: {  	[sflag:s22] =	ssyncset.done $0x0  }
0x7c: {  	[sflag:s22] =	ssyncadd.s32 $0xFFFFFF80  }
0x7d: {  	[tilespmem:s12], [sflag:$0x9] =	stream.indirect.gather [hbm4b:s1+s8], $0x80, s17, s8, $0xb8;
	[tilespmem:$0x1C800] =	vst v63  }
0x7e: {  	_ = 	snop  }
0x7f: {  	[spmem:s2] =	stream.indirect.scatter.add.f32 [tilespmem:s16], [sflag:$0xC], $0x80, s9, s8, $0xb8;
	[tilespmem:$0x1C800] =	vst v63  }
0x80: {  	s23 =	simm.s32 $0x180;
	s24 =	sadd.s32 $0x30, s29  }
0x81: {  	[tilespmem:s23], [sflag:$0x4] =	stream.linear.gather [hbm4b:s24+s6], $0x80, $0x38;
	[tilespmem:$0x1C800] =	vst v63  }
0x82: {  	s25 =	sadd.s32 $0x30, s30;
	s24 =	simm.s32 $0x380  }
0x83: {  	[tilespmem:s24], [sflag:$0x8] =	stream.linear.gather [hbm4b:s25+s6], $0x80, $0x38;
	[tilespmem:$0x1C800] =	vst v63  }
0x84: {  	_ =	swait.ge [sflag:s13], $0x4000  }
0x85: {  	[sflag:s13] =	ssyncset.done $0x0  }
0x86: {  	s25 =	simm.s32 $0xC;
	[sflag:s13] =	ssyncadd.s32 $0xFFFFC000  }
0x87: {  	_ =	swait.ge [sflag:s25], $0x4000  }
0x88: {  	[sflag:s25] =	ssyncset.done $0x0  }
0x89: {  	s26 =	simm.s32 $0x4;
	[sflag:s25] =	ssyncadd.s32 $0xFFFFC000  }
0x8a: {  	_ =	swait.ge [sflag:s26], $0x80  }
0x8b: {  	[sflag:s26] =	ssyncset.done $0x0  }
0x8c: {  	s28 =	simm.s32 $0x8;
	[sflag:s26] =	ssyncadd.s32 $0xFFFFFF80  }
0x8d: {  	_ =	swait.ge [sflag:s28], $0x80  }
0x8e: {  	[sflag:s28] =	ssyncset.done $0x0  }
0x8f: {  	[sflag:s28] =	ssyncadd.s32 $0xFFFFFF80  }
0x90: {  	[tilespmem:s16], [sflag:$0xA] =	stream.indirect.gather [hbm4b:s1+s8], $0x80, s23, s8, $0xb8;
	[tilespmem:$0x1C800] =	vst v63  }
0x91: {  	_ = 	snop  }
0x92: {  	[spmem:s2] =	stream.indirect.scatter.add.f32 [tilespmem:s12], [sflag:$0xB], $0x80, s18, s8, $0xb8;
	[tilespmem:$0x1C800] =	vst v63  }
0x93: {  	s31 =	sadd.s32 $0x40, s29  }
0x94: {  	[tilespmem:s6], [sflag:$0x1] =	stream.linear.gather [hbm4b:s31+s6], $0x80, $0x38;
	[tilespmem:$0x1C800] =	vst v63  }
0x95: {  	s5 =	sadd.s32 $0x40, s30  }
0x96: {  	[tilespmem:s7], [sflag:$0x5] =	stream.linear.gather [hbm4b:s5+s6], $0x80, $0x38;
	[tilespmem:$0x1C800] =	vst v63  }
0x97: {  	_ =	swait.ge [sflag:s19], $0x4000  }
0x98: {  	[sflag:s19] =	ssyncset.done $0x0  }
0x99: {  	[sflag:s19] =	ssyncadd.s32 $0xFFFFC000  }
0x9a: {  	_ =	swait.ge [sflag:s20], $0x4000  }
0x9b: {  	[sflag:s20] =	ssyncset.done $0x0  }
0x9c: {  	[sflag:s20] =	ssyncadd.s32 $0xFFFFC000  }
0x9d: {  	_ =	swait.ge [sflag:s10], $0x80  }
0x9e: {  	[sflag:s10] =	ssyncset.done $0x0  }
0x9f: {  	[sflag:s10] =	ssyncadd.s32 $0xFFFFFF80  }
0xa0: {  	_ =	swait.ge [sflag:s11], $0x80  }
0xa1: {  	[sflag:s11] =	ssyncset.done $0x0  }
0xa2: {  	[sflag:s11] =	ssyncadd.s32 $0xFFFFFF80  }
0xa3: {  	[tilespmem:s12], [sflag:$0x9] =	stream.indirect.gather [hbm4b:s1+s8], $0x80, s6, s8, $0xb8;
	[tilespmem:$0x1C800] =	vst v63  }
0xa4: {  	_ = 	snop  }
0xa5: {  	[spmem:s2] =	stream.indirect.scatter.add.f32 [tilespmem:s16], [sflag:$0xC], $0x80, s24, s8, $0xb8;
	[tilespmem:$0x1C800] =	vst v63  }
0xa6: {  	s29 =	sadd.s32 $0x50, s29  }
0xa7: {  	[tilespmem:s8], [sflag:$0x2] =	stream.linear.gather [hbm4b:s29+s6], $0x80, $0x38;
	[tilespmem:$0x1C800] =	vst v63  }
0xa8: {  	s30 =	sadd.s32 $0x50, s30;
	s29 =	simm.s32 $0x40  }
.LBB2_3:
0xa9: {  	[tilespmem:s9], [sflag:$0x6] =	stream.linear.gather [hbm4b:s30+s6], $0x80, $0x38;
	[tilespmem:$0x1C800] =	vst v63  }
0xaa: {  	s0 =	smov.u32 s29;
	_ =	swait.ge [sflag:s13], $0x4000  }
0xab: {  	p1 =	seq.s32 s0, $0x0;
	[sflag:s13] =	ssyncset.done $0x0  }
0xac: {  	s30 =	simm.s32 @!p1 $0xC;
	[sflag:s13] =	ssyncadd.s32 $0xFFFFC000  }
0xad: {  	_ =	swait.ge @!p1 [sflag:s30], $0x4000  }
0xae: {  	[sflag:s30] =	ssyncset.done @!p1 $0x0  }
0xaf: {  	[sflag:s30] =	ssyncadd.s32 @!p1 $0xFFFFC000  }
0xb0: {  	_ =	swait.ge [sflag:s14], $0x80  }
0xb1: {  	[sflag:s14] =	ssyncset.done $0x0  }
0xb2: {  	[sflag:s14] =	ssyncadd.s32 $0xFFFFFF80  }
0xb3: {  	_ =	swait.ge [sflag:s15], $0x80  }
0xb4: {  	[sflag:s15] =	ssyncset.done $0x0  }
0xb5: {  	s30 =	rddreg [dreg:$0x5];
	[sflag:s15] =	ssyncadd.s32 $0xFFFFFF80  }
0xb6: {  	[tilespmem:s16], [sflag:$0xA] =	stream.indirect.gather [hbm4b:s1+s8], $0x80, s8, s8, $0xb8;
	[tilespmem:$0x1C800] =	vst v63  }
0xb7: {  	s5 =	rddreg [dreg:$0x4];
	s31 =	sadd.s32 s0, s30  }
0xb8: {  	[spmem:s2] =	stream.indirect.scatter.add.f32 [tilespmem:s12], [sflag:$0xB], $0x80, s7, s8, $0xb8;
	[tilespmem:$0x1C800] =	vst v63  }
0xb9: {  	s30 =	sadd.s32 s0, s5;
	s3 =	sadd.s32 $0x20, s31  }
0xba: {  	[tilespmem:s17], [sflag:$0x3] =	stream.linear.gather [hbm4b:s3+s6], $0x80, $0x38;
	[tilespmem:$0x1C800] =	vst v63  }
0xbb: {  	s0 =	sadd.s32 $0x20, s30  }
0xbc: {  	[tilespmem:s18], [sflag:$0x7] =	stream.linear.gather [hbm4b:s0+s6], $0x80, $0x38;
	[tilespmem:$0x1C800] =	vst v63  }
0xbd: {  	_ =	swait.ge [sflag:s19], $0x4000  }
0xbe: {  	[sflag:s19] =	ssyncset.done $0x0  }
0xbf: {  	[sflag:s19] =	ssyncadd.s32 $0xFFFFC000  }
0xc0: {  	_ =	swait.ge [sflag:s20], $0x4000  }
0xc1: {  	[sflag:s20] =	ssyncset.done $0x0  }
0xc2: {  	[sflag:s20] =	ssyncadd.s32 $0xFFFFC000  }
0xc3: {  	_ =	swait.ge [sflag:s21], $0x80  }
0xc4: {  	[sflag:s21] =	ssyncset.done $0x0  }
0xc5: {  	[sflag:s21] =	ssyncadd.s32 $0xFFFFFF80  }
0xc6: {  	_ =	swait.ge [sflag:s22], $0x80  }
0xc7: {  	[sflag:s22] =	ssyncset.done $0x0  }
0xc8: {  	[sflag:s22] =	ssyncadd.s32 $0xFFFFFF80  }
0xc9: {  	[tilespmem:s12], [sflag:$0x9] =	stream.indirect.gather [hbm4b:s1+s8], $0x80, s17, s8, $0xb8;
	[tilespmem:$0x1C800] =	vst v63  }
0xca: {  	_ = 	snop  }
0xcb: {  	[spmem:s2] =	stream.indirect.scatter.add.f32 [tilespmem:s16], [sflag:$0xC], $0x80, s9, s8, $0xb8;
	[tilespmem:$0x1C800] =	vst v63  }
0xcc: {  	s3 =	sadd.s32 $0x30, s31  }
0xcd: {  	[tilespmem:s23], [sflag:$0x4] =	stream.linear.gather [hbm4b:s3+s6], $0x80, $0x38;
	[tilespmem:$0x1C800] =	vst v63  }
0xce: {  	s5 =	sadd.s32 $0x30, s30  }
0xcf: {  	[tilespmem:s24], [sflag:$0x8] =	stream.linear.gather [hbm4b:s5+s6], $0x80, $0x38;
	[tilespmem:$0x1C800] =	vst v63  }
0xd0: {  	_ =	swait.ge [sflag:s13], $0x4000  }
0xd1: {  	[sflag:s13] =	ssyncset.done $0x0  }
0xd2: {  	[sflag:s13] =	ssyncadd.s32 $0xFFFFC000  }
0xd3: {  	_ =	swait.ge [sflag:s25], $0x4000  }
0xd4: {  	[sflag:s25] =	ssyncset.done $0x0  }
0xd5: {  	[sflag:s25] =	ssyncadd.s32 $0xFFFFC000  }
0xd6: {  	_ =	swait.ge [sflag:s26], $0x80  }
0xd7: {  	[sflag:s26] =	ssyncset.done $0x0  }
0xd8: {  	[sflag:s26] =	ssyncadd.s32 $0xFFFFFF80  }
0xd9: {  	_ =	swait.ge [sflag:s28], $0x80  }
0xda: {  	[sflag:s28] =	ssyncset.done $0x0  }
0xdb: {  	[sflag:s28] =	ssyncadd.s32 $0xFFFFFF80  }
0xdc: {  	[tilespmem:s16], [sflag:$0xA] =	stream.indirect.gather [hbm4b:s1+s8], $0x80, s23, s8, $0xb8;
	[tilespmem:$0x1C800] =	vst v63  }
0xdd: {  	_ = 	snop  }
0xde: {  	[spmem:s2] =	stream.indirect.scatter.add.f32 [tilespmem:s12], [sflag:$0xB], $0x80, s18, s8, $0xb8;
	[tilespmem:$0x1C800] =	vst v63  }
0xdf: {  	s3 =	sadd.s32 $0x40, s31  }
0xe0: {  	[tilespmem:s6], [sflag:$0x1] =	stream.linear.gather [hbm4b:s3+s6], $0x80, $0x38;
	[tilespmem:$0x1C800] =	vst v63  }
0xe1: {  	s5 =	sadd.s32 $0x40, s30  }
0xe2: {  	[tilespmem:s7], [sflag:$0x5] =	stream.linear.gather [hbm4b:s5+s6], $0x80, $0x38;
	[tilespmem:$0x1C800] =	vst v63  }
0xe3: {  	_ =	swait.ge [sflag:s19], $0x4000  }
0xe4: {  	[sflag:s19] =	ssyncset.done $0x0  }
0xe5: {  	[sflag:s19] =	ssyncadd.s32 $0xFFFFC000  }
0xe6: {  	_ =	swait.ge [sflag:s20], $0x4000  }
0xe7: {  	[sflag:s20] =	ssyncset.done $0x0  }
0xe8: {  	[sflag:s20] =	ssyncadd.s32 $0xFFFFC000  }
0xe9: {  	_ =	swait.ge [sflag:s10], $0x80  }
0xea: {  	[sflag:s10] =	ssyncset.done $0x0  }
0xeb: {  	[sflag:s10] =	ssyncadd.s32 $0xFFFFFF80  }
0xec: {  	_ =	swait.ge [sflag:s11], $0x80  }
0xed: {  	s29 =	sadd.s32 $0x40, s29;
	[sflag:s11] =	ssyncset.done $0x0  }
0xee: {  	p0 =	sne.s32 s29, $0xA00;
	[sflag:s11] =	ssyncadd.s32 $0xFFFFFF80  }
0xef: {  	[tilespmem:s12], [sflag:$0x9] =	stream.indirect.gather [hbm4b:s1+s8], $0x80, s6, s8, $0xb8;
	[tilespmem:$0x1C800] =	vst v63  }
.Ltmp1:
0xf0: {  	_ = 	snop;
	(pc) =	sbr.rel @p0 .LBB2_3-.Ltmp1, $4  }
0xf1: {  	_ = 	snop  }
0xf2: {  	[spmem:s2] =	stream.indirect.scatter.add.f32 [tilespmem:s16], [sflag:$0xC], $0x80, s24, s8, $0xb8;
	[tilespmem:$0x1C800] =	vst v63  }
0xf3: {  	s31 =	sadd.s32 $0x50, s31;
	s30 =	sadd.s32 $0x50, s30  }
0xf4: {  	[tilespmem:s8], [sflag:$0x2] =	stream.linear.gather [hbm4b:s31+s6], $0x80, $0x38;
	[tilespmem:$0x1C800] =	vst v63  }
0xf5: {  	[tilespmem:s9], [sflag:$0x6] =	stream.linear.gather [hbm4b:s30+s6], $0x80, $0x38;
	[tilespmem:$0x1C800] =	vst v63  }
0xf6: {  	s0 =	simm.s32 $0x9  }
0xf7: {  	_ =	swait.ge [sflag:s0], $0x4000  }
0xf8: {  	[sflag:s0] =	ssyncset.done $0x0  }
0xf9: {  	s25 =	simm.s32 $0xC;
	[sflag:s0] =	ssyncadd.s32 $0xFFFFC000  }
0xfa: {  	_ =	swait.ge [sflag:s25], $0x4000  }
0xfb: {  	[sflag:s25] =	ssyncset.done $0x0  }
0xfc: {  	s26 =	simm.s32 $0x2;
	[sflag:s25] =	ssyncadd.s32 $0xFFFFC000  }
0xfd: {  	_ =	swait.ge [sflag:s26], $0x80  }
0xfe: {  	[sflag:s26] =	ssyncset.done $0x0  }
0xff: {  	s28 =	simm.s32 $0x6;
	[sflag:s26] =	ssyncadd.s32 $0xFFFFFF80  }
0x100: {  	s3 =	stileid.u32;
	s30 =	sshrl.u32 s4, $0x3;
	_ =	swait.ge [sflag:s28], $0x80  }
0x101: {  	s31 =	simm.s32 $0xD;
	s1 =	smul.u32 $0x2800, s3;
	[sflag:s28] =	ssyncset.done $0x0  }
0x102: {  	s29 =	sshll.u32 s3, $0x6;
	s2 =	rddreg [dreg:$0x6];
	[sflag:s28] =	ssyncadd.s32 $0xFFFFFF80  }
0x103: {  	s0 =	sor.u32 $0x1C0D, s29;
	s1 =	sadd.s32 s2, s1;
	[bflag:$0x0] =	sbarrier.arrive $0xFFFF  }
0x104: {  	[hbm:s1], [sflag:s0] =	dma.local [spmem:s30], $0x2800  }
0x105: {  	_ =	swait.ge [sflag:s31], $0x2800  }
0x106: {  	[sflag:s31] =	ssyncset.done $0x0  }
0x107: {  	[sflag:s31] =	ssyncadd.s32 $0xFFFFD800  }
0x108: {  	_ =	sfence.sel $0x180000  }
0x109: {  	[bflag:$0x0] =	sbarrier.arrive $0xFFFF  }
0x10a: {  	_ =	strace $0x9000004A  }
0x10b: {  	[bflag:$0x2] =	sbarrier.arrive $0xFFFF  }
0x10c: {  	p0 =	sne.s32 s3, $0x0;
	s0 =	rddreg [dreg:$0x3]  }
0x10d: {  	s0 =	sadd.s32 @!p0 $0x100000, s0  }
0x10e: {  	[sflag:s0] =	ssyncadd.tile.s32 @!p0 $0x1;
	_ =	shalt  }
.Lfunc_end2:
_tile_overlayer_lowered:
.L_overlay_start_2:
0x10f: {  	(tag) =	ssettag $0x2  }
0x110: {  	s0 =	rddreg [dreg:$0x0];
	s2 =	stileid.u32  }
0x111: {  	s1 =	rddreg [dreg:$0x1];
	p0 =	sne.s32 s2, $0x0  }
0x112: {  	s3 =	rddreg [dreg:$0x2];
	[bflag:$0x3] =	sbarrier.arrive $0xFFFF;
	s2 =	simm.s32 @!p0 $0x1C0D  }
0x113: {  	[timem:s3], [sflag:s2] =	dma.local @!p0 [hbm:s0], s1  }
0x114: {  	s0 =	simm.s32 @!p0 $0xD  }
0x115: {  	_ =	swait.ge @!p0 [sflag:s0], s1  }
0x116: {  	s1 =	ssub.s32 @!p0 $0x0, s1;
	[sflag:s0] =	ssyncset.done @!p0 $0x0  }
0x117: {  	[sflag:s0] =	ssyncadd.s32 @!p0 s1  }
0x118: {  	[bflag:$0x3] =	sbarrier.arrive $0xFFFF  }
0x119: {  	_ =	shalt  }

</sc_bundles>
